<compile_context>
chip_gen: v7x
topology: tpu7x:2x2x1
jax: 0.10.2.dev20260603
libtpu: 0.0.44.dev20260713+nightly
codegen_flags: <defaults>
</compile_context>

<pallas_src>
import functools

import jax
import jax.numpy as jnp
from jax import lax
from jax.experimental import pallas as pl
from jax.experimental.pallas import tpu as pltpu
from jax.experimental.pallas import tpu_sc as plsc


def _add_block(x_ref, emb_ref, o_ref):
    o_ref[...] = x_ref[...] + emb_ref[...]


def _kernel_tc(x, embed_weight):
    B, W, F = x.shape
    emb = embed_weight[:W]
    BB = 2
    return pl.pallas_call(
        _add_block,
        grid=(B // BB,),
        in_specs=[
            pl.BlockSpec((BB, W, F), lambda b: (b, 0, 0)),
            pl.BlockSpec((W, F), lambda b: (0, 0)),
        ],
        out_specs=pl.BlockSpec((BB, W, F), lambda b: (b, 0, 0)),
        out_shape=jax.ShapeDtypeStruct(x.shape, x.dtype),
        compiler_params=pltpu.CompilerParams(
            vmem_limit_bytes=100 * 1024 * 1024,
        ),
    )(x, emb)


def _kernel_sc(x, embed_weight):
    B, W, F = x.shape
    NW = 32
    BAND = W // NW
    NVEC = F // 16
    CH = 64
    CPB = BAND // CH
    M = B * CPB
    NBUF = 4
    T = M // NBUF

    mesh = plsc.VectorSubcoreMesh(core_axis_name="c", subcore_axis_name="s")

    @functools.partial(
        pl.kernel,
        mesh=mesh,
        out_type=jax.ShapeDtypeStruct((B, W, F), jnp.float32),
        scratch_types=[
            pltpu.VMEM((BAND, F), jnp.float32),
            pltpu.VMEM((NBUF, CH, F), jnp.float32),
            pltpu.VMEM((NBUF, CH, F), jnp.float32),
            pltpu.SemaphoreType.DMA,
        ]
        + [pltpu.SemaphoreType.DMA] * NBUF
        + [pltpu.SemaphoreType.DMA] * NBUF,
    )
    def sc_add(x_hbm, emb_hbm, out_hbm, emb_v, ibuf, obuf, sem_e, *sems):
        sem_in = sems[:NBUF]
        sem_out = sems[NBUF:]
        c = lax.axis_index("c")
        s = lax.axis_index("s")
        wid = s * 2 + c
        r0 = wid * BAND

        pltpu.make_async_copy(
            emb_hbm.at[pl.ds(r0, BAND)], emb_v, sem_e
        ).start()
        pltpu.make_async_copy(
            emb_hbm.at[pl.ds(r0, BAND)], emb_v, sem_e
        ).wait()

        def chunk_addr(m):
            b = m // CPB
            off = r0 + (m % CPB) * CH
            return b, off

        def start_in(m, k):
            b, off = chunk_addr(m)
            pltpu.make_async_copy(
                x_hbm.at[b, pl.ds(off, CH)], ibuf.at[k], sem_in[k]
            ).start()

        def wait_in(k):
            pltpu.make_async_copy(
                x_hbm.at[0, pl.ds(r0, CH)], ibuf.at[k], sem_in[k]
            ).wait()

        def start_out(m, k):
            b, off = chunk_addr(m)
            pltpu.make_async_copy(
                obuf.at[k], out_hbm.at[b, pl.ds(off, CH)], sem_out[k]
            ).start()

        def wait_out(k):
            pltpu.make_async_copy(
                obuf.at[k], out_hbm.at[0, pl.ds(r0, CH)], sem_out[k]
            ).wait()

        for k in range(NBUF):
            start_in(k, k)

        def body(t, carry):
            for k in range(NBUF):
                m = t * NBUF + k
                sub = m % CPB
                wait_in(k)

                @pl.when(t >= 1)
                def _():
                    wait_out(k)

                def row(r, carry2):
                    er = sub * CH + r
                    for l in range(NVEC):
                        sl = pl.ds(l * 16, 16)
                        obuf[k, r, sl] = ibuf[k, r, sl] + emb_v[er, sl]
                    return carry2

                lax.fori_loop(0, CH, row, 0)
                start_out(m, k)

                @pl.when(t + 1 < T)
                def _():
                    start_in(m + NBUF, k)
            return carry

        lax.fori_loop(0, T, body, 0)
        for k in range(NBUF):
            wait_out(k)

    return sc_add(x, embed_weight[:W])


def _kernel_sc2(x, embed_weight):
    B, W, F = x.shape
    NW = 32
    BAND = W // NW
    NVEC = F // 16
    CH = 2
    M = BAND // CH
    NBUF = 4
    T = M // NBUF

    mesh = plsc.VectorSubcoreMesh(core_axis_name="c", subcore_axis_name="s")

    @functools.partial(
        pl.kernel,
        mesh=mesh,
        out_type=jax.ShapeDtypeStruct((B, W, F), jnp.float32),
        scratch_types=[
            pltpu.VMEM((NBUF, CH, F), jnp.float32),
            pltpu.VMEM((NBUF, B, CH, F), jnp.float32),
            pltpu.VMEM((NBUF, B, CH, F), jnp.float32),
        ]
        + [pltpu.SemaphoreType.DMA] * NBUF
        + [pltpu.SemaphoreType.DMA] * NBUF
        + [pltpu.SemaphoreType.DMA] * NBUF,
    )
    def sc_add(x_hbm, emb_hbm, out_hbm, embbuf, ibuf, obuf, *sems):
        sem_emb = sems[:NBUF]
        sem_in = sems[NBUF : 2 * NBUF]
        sem_out = sems[2 * NBUF :]
        c = lax.axis_index("c")
        s = lax.axis_index("s")
        wid = s * 2 + c
        r0 = wid * BAND

        def start_in(m, k):
            off = r0 + m * CH
            pltpu.make_async_copy(
                x_hbm.at[:, pl.ds(off, CH)], ibuf.at[k], sem_in[k]
            ).start()
            pltpu.make_async_copy(
                emb_hbm.at[pl.ds(off, CH)], embbuf.at[k], sem_emb[k]
            ).start()

        def wait_in(k):
            pltpu.make_async_copy(
                x_hbm.at[:, pl.ds(r0, CH)], ibuf.at[k], sem_in[k]
            ).wait()
            pltpu.make_async_copy(
                emb_hbm.at[pl.ds(r0, CH)], embbuf.at[k], sem_emb[k]
            ).wait()

        def start_out(m, k):
            off = r0 + m * CH
            pltpu.make_async_copy(
                obuf.at[k], out_hbm.at[:, pl.ds(off, CH)], sem_out[k]
            ).start()

        def wait_out(k):
            pltpu.make_async_copy(
                obuf.at[k], out_hbm.at[:, pl.ds(r0, CH)], sem_out[k]
            ).wait()

        for k in range(NBUF):
            start_in(k, k)

        def body(t, carry):
            for k in range(NBUF):
                m = t * NBUF + k
                wait_in(k)

                @pl.when(t >= 1)
                def _():
                    wait_out(k)

                evs = tuple(
                    embbuf[k, r, pl.ds(l * 16, 16)]
                    for r in range(CH)
                    for l in range(NVEC)
                )

                def bbody(b, ev):
                    idx = 0
                    for r in range(CH):
                        for l in range(NVEC):
                            sl = pl.ds(l * 16, 16)
                            obuf[k, b, r, sl] = ibuf[k, b, r, sl] + ev[idx]
                            idx += 1
                    return ev

                lax.fori_loop(0, B, bbody, evs)
                start_out(m, k)

                @pl.when(t + 1 < T)
                def _():
                    start_in(m + NBUF, k)
            return carry

        lax.fori_loop(0, T, body, 0)
        for k in range(NBUF):
            wait_out(k)

    return sc_add(x, embed_weight[:W])


def kernel(x, embed_weight):
    return _kernel_sc2(x, embed_weight)

# --- scband reference (transcript-rebuilt; emitter-appended) ---
"""Pipeline reference for scband-learnable-positional-encoding-85676007621301 (READ-ONLY COPY).

The authoritative reference and input builder live on the scoring server;
editing this copy changes nothing except your own understanding.
"""

import jax, jax.numpy as jnp
import numpy as np

DICT_SIZE = 8192
NUM_POS_FEATS = 128

def setup_inputs(seed: int = 0) -> dict:
    key = jax.random.key(seed)
    k1, k2 = jax.random.split(key)
    x = jax.random.normal(k1, (32, 8192, 128), dtype=jnp.float32)
    embed_weight = jax.random.normal(k2, (DICT_SIZE, NUM_POS_FEATS), dtype=jnp.float32)
    return {"x": x, "embed_weight": embed_weight}

def reference(x, embed_weight):
    w = x.shape[-2]
    i = jnp.arange(w)
    emb = jnp.take(embed_weight, i, axis=0)
    return x + emb

if __name__ == "__main__":
    import jax
    _d = setup_inputs()
    print(jax.jit(kernel)(*tuple(_d.values())))

</pallas_src>

<mosaic_0001>
#map = affine_map<(d0, d1) -> (0, 0, 0)>
#map1 = affine_map<(d0, d1) -> (0, 0)>
module attributes {stable_mosaic.version = 14 : i64} {
  func.func @sc_add(%arg0: i32, %arg1: i32, %arg2: memref<32x8192x128xf32, #tpu.memory_space<hbm>>, %arg3: memref<8192x128xf32, #tpu.memory_space<hbm>>, %arg4: memref<32x8192x128xf32, #tpu.memory_space<hbm>>, %arg5: memref<4x2x128xf32, #tpu.memory_space<vmem>>, %arg6: memref<4x32x2x128xf32, #tpu.memory_space<vmem>>, %arg7: memref<4x32x2x128xf32, #tpu.memory_space<vmem>>, %arg8: memref<!tpu.dma_semaphore, #tpu.memory_space<semaphore_mem>>, %arg9: memref<!tpu.dma_semaphore, #tpu.memory_space<semaphore_mem>>, %arg10: memref<!tpu.dma_semaphore, #tpu.memory_space<semaphore_mem>>, %arg11: memref<!tpu.dma_semaphore, #tpu.memory_space<semaphore_mem>>, %arg12: memref<!tpu.dma_semaphore, #tpu.memory_space<semaphore_mem>>, %arg13: memref<!tpu.dma_semaphore, #tpu.memory_space<semaphore_mem>>, %arg14: memref<!tpu.dma_semaphore, #tpu.memory_space<semaphore_mem>>, %arg15: memref<!tpu.dma_semaphore, #tpu.memory_space<semaphore_mem>>, %arg16: memref<!tpu.dma_semaphore, #tpu.memory_space<semaphore_mem>>, %arg17: memref<!tpu.dma_semaphore, #tpu.memory_space<semaphore_mem>>, %arg18: memref<!tpu.dma_semaphore, #tpu.memory_space<semaphore_mem>>, %arg19: memref<!tpu.dma_semaphore, #tpu.memory_space<semaphore_mem>>) attributes {dimension_semantics = [#tpu.dimension_semantics<core_parallel>, #tpu.dimension_semantics<subcore_parallel>], iteration_bounds = array<i64: 2, 16>, scalar_prefetch = 0 : i64, scratch_operands = 15 : i64, tpu.core_type = #tpu.core_type<sc_vector_subcore>, window_params = [{transform_indices = #map}, {transform_indices = #map1}, {transform_indices = #map}]} {
    %mul3A = arith.constant 2 : i32
    %mul3A_0 = arith.muli %arg1, %mul3A : i32
    %add3A = arith.addi %mul3A_0, %arg0 : i32
    %mul3A_1 = arith.constant 256 : i32
    %mul3A_2 = arith.muli %add3A, %mul3A_1 : i32
    %add3A_3 = arith.constant 0 : i32
    %add3A_4 = arith.addi %mul3A_2, %add3A_3 : i32
    %dma_start3A = arith.constant 0 : i32
    %dma_start3A_5 = arith.constant 0 : i32
    %dma_start3A_6 = arith.constant 0 : i32
    %dma_start3A_7 = arith.constant 0 : i32
    %dma_start3A_8 = tpu.memref_slice %arg6[%dma_start3A, %dma_start3A_5, %dma_start3A_6, %dma_start3A_7] : memref<4x32x2x128xf32, #tpu.memory_space<vmem>> -> memref<1x32x2x128xf32, #tpu.memory_space<vmem>>
    %dma_start3A_9 = tpu.memref_squeeze %dma_start3A_8 : memref<1x32x2x128xf32, #tpu.memory_space<vmem>> -> memref<32x2x128xf32, #tpu.memory_space<vmem>>
    %dma_start3A_10 = arith.constant 0 : i32
    %dma_start3A_11 = arith.constant 0 : i32
    %dma_start3A_12 = tpu.memref_slice %arg2[%dma_start3A_10, %add3A_4, %dma_start3A_11] : memref<32x8192x128xf32, #tpu.memory_space<hbm>> -> memref<32x2x128xf32, #tpu.memory_space<hbm>>
    %dma_start3A_13 = arith.constant 0 : i32
    %dma_start3A_14 = arith.constant 0 : i32
    %dma_start3A_15 = arith.constant 0 : i32
    %dma_start3A_16 = tpu.memref_slice %arg6[%dma_start3A, %dma_start3A_13, %dma_start3A_14, %dma_start3A_15] : memref<4x32x2x128xf32, #tpu.memory_space<vmem>> -> memref<1x32x2x128xf32, #tpu.memory_space<vmem>>
    %dma_start3A_17 = tpu.memref_squeeze %dma_start3A_16 : memref<1x32x2x128xf32, #tpu.memory_space<vmem>> -> memref<32x2x128xf32, #tpu.memory_space<vmem>>
    %dma_start3A_18 = arith.constant 0 : i32
    %dma_start3A_19 = arith.constant 0 : i32
    %dma_start3A_20 = tpu.memref_slice %arg2[%dma_start3A_18, %add3A_4, %dma_start3A_19] : memref<32x8192x128xf32, #tpu.memory_space<hbm>> -> memref<32x2x128xf32, #tpu.memory_space<hbm>>
    tpu.enqueue_dma source(%dma_start3A_20 : memref<32x2x128xf32, #tpu.memory_space<hbm>>) target(%dma_start3A_17 : memref<32x2x128xf32, #tpu.memory_space<vmem>>) target_semaphore(%arg12 : memref<!tpu.dma_semaphore, #tpu.memory_space<semaphore_mem>>)
    %dma_start3A_21 = arith.constant 0 : i32
    %dma_start3A_22 = arith.constant 0 : i32
    %dma_start3A_23 = arith.constant 0 : i32
    %dma_start3A_24 = tpu.memref_slice %arg5[%dma_start3A_21, %dma_start3A_22, %dma_start3A_23] : memref<4x2x128xf32, #tpu.memory_space<vmem>> -> memref<1x2x128xf32, #tpu.memory_space<vmem>>
    %dma_start3A_25 = tpu.memref_squeeze %dma_start3A_24 : memref<1x2x128xf32, #tpu.memory_space<vmem>> -> memref<2x128xf32, #tpu.memory_space<vmem>>
    %dma_start3A_26 = arith.constant 0 : i32
    %dma_start3A_27 = tpu.memref_slice %arg3[%add3A_4, %dma_start3A_26] : memref<8192x128xf32, #tpu.memory_space<hbm>> -> memref<2x128xf32, #tpu.memory_space<hbm>>
    %dma_start3A_28 = arith.constant 0 : i32
    %dma_start3A_29 = arith.constant 0 : i32
    %dma_start3A_30 = tpu.memref_slice %arg5[%dma_start3A_21, %dma_start3A_28, %dma_start3A_29] : memref<4x2x128xf32, #tpu.memory_space<vmem>> -> memref<1x2x128xf32, #tpu.memory_space<vmem>>
    %dma_start3A_31 = tpu.memref_squeeze %dma_start3A_30 : memref<1x2x128xf32, #tpu.memory_space<vmem>> -> memref<2x128xf32, #tpu.memory_space<vmem>>
    %dma_start3A_32 = arith.constant 0 : i32
    %dma_start3A_33 = tpu.memref_slice %arg3[%add3A_4, %dma_start3A_32] : memref<8192x128xf32, #tpu.memory_space<hbm>> -> memref<2x128xf32, #tpu.memory_space<hbm>>
    tpu.enqueue_dma source(%dma_start3A_33 : memref<2x128xf32, #tpu.memory_space<hbm>>) target(%dma_start3A_31 : memref<2x128xf32, #tpu.memory_space<vmem>>) target_semaphore(%arg8 : memref<!tpu.dma_semaphore, #tpu.memory_space<semaphore_mem>>)
    %add3A_34 = arith.constant 2 : i32
    %add3A_35 = arith.addi %mul3A_2, %add3A_34 : i32
    %dma_start3A_36 = arith.constant 1 : i32
    %dma_start3A_37 = arith.constant 0 : i32
    %dma_start3A_38 = arith.constant 0 : i32
    %dma_start3A_39 = arith.constant 0 : i32
    %dma_start3A_40 = tpu.memref_slice %arg6[%dma_start3A_36, %dma_start3A_37, %dma_start3A_38, %dma_start3A_39] : memref<4x32x2x128xf32, #tpu.memory_space<vmem>> -> memref<1x32x2x128xf32, #tpu.memory_space<vmem>>
    %dma_start3A_41 = tpu.memref_squeeze %dma_start3A_40 : memref<1x32x2x128xf32, #tpu.memory_space<vmem>> -> memref<32x2x128xf32, #tpu.memory_space<vmem>>
    %dma_start3A_42 = arith.constant 0 : i32
    %dma_start3A_43 = arith.constant 0 : i32
    %dma_start3A_44 = tpu.memref_slice %arg2[%dma_start3A_42, %add3A_35, %dma_start3A_43] : memref<32x8192x128xf32, #tpu.memory_space<hbm>> -> memref<32x2x128xf32, #tpu.memory_space<hbm>>
    %dma_start3A_45 = arith.constant 0 : i32
    %dma_start3A_46 = arith.constant 0 : i32
    %dma_start3A_47 = arith.constant 0 : i32
    %dma_start3A_48 = tpu.memref_slice %arg6[%dma_start3A_36, %dma_start3A_45, %dma_start3A_46, %dma_start3A_47] : memref<4x32x2x128xf32, #tpu.memory_space<vmem>> -> memref<1x32x2x128xf32, #tpu.memory_space<vmem>>
    %dma_start3A_49 = tpu.memref_squeeze %dma_start3A_48 : memref<1x32x2x128xf32, #tpu.memory_space<vmem>> -> memref<32x2x128xf32, #tpu.memory_space<vmem>>
    %dma_start3A_50 = arith.constant 0 : i32
    %dma_start3A_51 = arith.constant 0 : i32
    %dma_start3A_52 = tpu.memref_slice %arg2[%dma_start3A_50, %add3A_35, %dma_start3A_51] : memref<32x8192x128xf32, #tpu.memory_space<hbm>> -> memref<32x2x128xf32, #tpu.memory_space<hbm>>
    tpu.enqueue_dma source(%dma_start3A_52 : memref<32x2x128xf32, #tpu.memory_space<hbm>>) target(%dma_start3A_49 : memref<32x2x128xf32, #tpu.memory_space<vmem>>) target_semaphore(%arg13 : memref<!tpu.dma_semaphore, #tpu.memory_space<semaphore_mem>>)
    %dma_start3A_53 = arith.constant 1 : i32
    %dma_start3A_54 = arith.constant 0 : i32
    %dma_start3A_55 = arith.constant 0 : i32
    %dma_start3A_56 = tpu.memref_slice %arg5[%dma_start3A_53, %dma_start3A_54, %dma_start3A_55] : memref<4x2x128xf32, #tpu.memory_space<vmem>> -> memref<1x2x128xf32, #tpu.memory_space<vmem>>
    %dma_start3A_57 = tpu.memref_squeeze %dma_start3A_56 : memref<1x2x128xf32, #tpu.memory_space<vmem>> -> memref<2x128xf32, #tpu.memory_space<vmem>>
    %dma_start3A_58 = arith.constant 0 : i32
    %dma_start3A_59 = tpu.memref_slice %arg3[%add3A_35, %dma_start3A_58] : memref<8192x128xf32, #tpu.memory_space<hbm>> -> memref<2x128xf32, #tpu.memory_space<hbm>>
    %dma_start3A_60 = arith.constant 0 : i32
    %dma_start3A_61 = arith.constant 0 : i32
    %dma_start3A_62 = tpu.memref_slice %arg5[%dma_start3A_53, %dma_start3A_60, %dma_start3A_61] : memref<4x2x128xf32, #tpu.memory_space<vmem>> -> memref<1x2x128xf32, #tpu.memory_space<vmem>>
    %dma_start3A_63 = tpu.memref_squeeze %dma_start3A_62 : memref<1x2x128xf32, #tpu.memory_space<vmem>> -> memref<2x128xf32, #tpu.memory_space<vmem>>
    %dma_start3A_64 = arith.constant 0 : i32
    %dma_start3A_65 = tpu.memref_slice %arg3[%add3A_35, %dma_start3A_64] : memref<8192x128xf32, #tpu.memory_space<hbm>> -> memref<2x128xf32, #tpu.memory_space<hbm>>
    tpu.enqueue_dma source(%dma_start3A_65 : memref<2x128xf32, #tpu.memory_space<hbm>>) target(%dma_start3A_63 : memref<2x128xf32, #tpu.memory_space<vmem>>) target_semaphore(%arg9 : memref<!tpu.dma_semaphore, #tpu.memory_space<semaphore_mem>>)
    %add3A_66 = arith.constant 4 : i32
    %add3A_67 = arith.addi %mul3A_2, %add3A_66 : i32
    %dma_start3A_68 = arith.constant 2 : i32
    %dma_start3A_69 = arith.constant 0 : i32
    %dma_start3A_70 = arith.constant 0 : i32
    %dma_start3A_71 = arith.constant 0 : i32
    %dma_start3A_72 = tpu.memref_slice %arg6[%dma_start3A_68, %dma_start3A_69, %dma_start3A_70, %dma_start3A_71] : memref<4x32x2x128xf32, #tpu.memory_space<vmem>> -> memref<1x32x2x128xf32, #tpu.memory_space<vmem>>
    %dma_start3A_73 = tpu.memref_squeeze %dma_start3A_72 : memref<1x32x2x128xf32, #tpu.memory_space<vmem>> -> memref<32x2x128xf32, #tpu.memory_space<vmem>>
    %dma_start3A_74 = arith.constant 0 : i32
    %dma_start3A_75 = arith.constant 0 : i32
    %dma_start3A_76 = tpu.memref_slice %arg2[%dma_start3A_74, %add3A_67, %dma_start3A_75] : memref<32x8192x128xf32, #tpu.memory_space<hbm>> -> memref<32x2x128xf32, #tpu.memory_space<hbm>>
    %dma_start3A_77 = arith.constant 0 : i32
    %dma_start3A_78 = arith.constant 0 : i32
    %dma_start3A_79 = arith.constant 0 : i32
    %dma_start3A_80 = tpu.memref_slice %arg6[%dma_start3A_68, %dma_start3A_77, %dma_start3A_78, %dma_start3A_79] : memref<4x32x2x128xf32, #tpu.memory_space<vmem>> -> memref<1x32x2x128xf32, #tpu.memory_space<vmem>>
    %dma_start3A_81 = tpu.memref_squeeze %dma_start3A_80 : memref<1x32x2x128xf32, #tpu.memory_space<vmem>> -> memref<32x2x128xf32, #tpu.memory_space<vmem>>
    %dma_start3A_82 = arith.constant 0 : i32
    %dma_start3A_83 = arith.constant 0 : i32
    %dma_start3A_84 = tpu.memref_slice %arg2[%dma_start3A_82, %add3A_67, %dma_start3A_83] : memref<32x8192x128xf32, #tpu.memory_space<hbm>> -> memref<32x2x128xf32, #tpu.memory_space<hbm>>
    tpu.enqueue_dma source(%dma_start3A_84 : memref<32x2x128xf32, #tpu.memory_space<hbm>>) target(%dma_start3A_81 : memref<32x2x128xf32, #tpu.memory_space<vmem>>) target_semaphore(%arg14 : memref<!tpu.dma_semaphore, #tpu.memory_space<semaphore_mem>>)
    %dma_start3A_85 = arith.constant 2 : i32
    %dma_start3A_86 = arith.constant 0 : i32
    %dma_start3A_87 = arith.constant 0 : i32
    %dma_start3A_88 = tpu.memref_slice %arg5[%dma_start3A_85, %dma_start3A_86, %dma_start3A_87] : memref<4x2x128xf32, #tpu.memory_space<vmem>> -> memref<1x2x128xf32, #tpu.memory_space<vmem>>
    %dma_start3A_89 = tpu.memref_squeeze %dma_start3A_88 : memref<1x2x128xf32, #tpu.memory_space<vmem>> -> memref<2x128xf32, #tpu.memory_space<vmem>>
    %dma_start3A_90 = arith.constant 0 : i32
    %dma_start3A_91 = tpu.memref_slice %arg3[%add3A_67, %dma_start3A_90] : memref<8192x128xf32, #tpu.memory_space<hbm>> -> memref<2x128xf32, #tpu.memory_space<hbm>>
    %dma_start3A_92 = arith.constant 0 : i32
    %dma_start3A_93 = arith.constant 0 : i32
    %dma_start3A_94 = tpu.memref_slice %arg5[%dma_start3A_85, %dma_start3A_92, %dma_start3A_93] : memref<4x2x128xf32, #tpu.memory_space<vmem>> -> memref<1x2x128xf32, #tpu.memory_space<vmem>>
    %dma_start3A_95 = tpu.memref_squeeze %dma_start3A_94 : memref<1x2x128xf32, #tpu.memory_space<vmem>> -> memref<2x128xf32, #tpu.memory_space<vmem>>
    %dma_start3A_96 = arith.constant 0 : i32
    %dma_start3A_97 = tpu.memref_slice %arg3[%add3A_67, %dma_start3A_96] : memref<8192x128xf32, #tpu.memory_space<hbm>> -> memref<2x128xf32, #tpu.memory_space<hbm>>
    tpu.enqueue_dma source(%dma_start3A_97 : memref<2x128xf32, #tpu.memory_space<hbm>>) target(%dma_start3A_95 : memref<2x128xf32, #tpu.memory_space<vmem>>) target_semaphore(%arg10 : memref<!tpu.dma_semaphore, #tpu.memory_space<semaphore_mem>>)
    %add3A_98 = arith.constant 6 : i32
    %add3A_99 = arith.addi %mul3A_2, %add3A_98 : i32
    %dma_start3A_100 = arith.constant 3 : i32
    %dma_start3A_101 = arith.constant 0 : i32
    %dma_start3A_102 = arith.constant 0 : i32
    %dma_start3A_103 = arith.constant 0 : i32
    %dma_start3A_104 = tpu.memref_slice %arg6[%dma_start3A_100, %dma_start3A_101, %dma_start3A_102, %dma_start3A_103] : memref<4x32x2x128xf32, #tpu.memory_space<vmem>> -> memref<1x32x2x128xf32, #tpu.memory_space<vmem>>
    %dma_start3A_105 = tpu.memref_squeeze %dma_start3A_104 : memref<1x32x2x128xf32, #tpu.memory_space<vmem>> -> memref<32x2x128xf32, #tpu.memory_space<vmem>>
    %dma_start3A_106 = arith.constant 0 : i32
    %dma_start3A_107 = arith.constant 0 : i32
    %dma_start3A_108 = tpu.memref_slice %arg2[%dma_start3A_106, %add3A_99, %dma_start3A_107] : memref<32x8192x128xf32, #tpu.memory_space<hbm>> -> memref<32x2x128xf32, #tpu.memory_space<hbm>>
    %dma_start3A_109 = arith.constant 0 : i32
    %dma_start3A_110 = arith.constant 0 : i32
    %dma_start3A_111 = arith.constant 0 : i32
    %dma_start3A_112 = tpu.memref_slice %arg6[%dma_start3A_100, %dma_start3A_109, %dma_start3A_110, %dma_start3A_111] : memref<4x32x2x128xf32, #tpu.memory_space<vmem>> -> memref<1x32x2x128xf32, #tpu.memory_space<vmem>>
    %dma_start3A_113 = tpu.memref_squeeze %dma_start3A_112 : memref<1x32x2x128xf32, #tpu.memory_space<vmem>> -> memref<32x2x128xf32, #tpu.memory_space<vmem>>
    %dma_start3A_114 = arith.constant 0 : i32
    %dma_start3A_115 = arith.constant 0 : i32
    %dma_start3A_116 = tpu.memref_slice %arg2[%dma_start3A_114, %add3A_99, %dma_start3A_115] : memref<32x8192x128xf32, #tpu.memory_space<hbm>> -> memref<32x2x128xf32, #tpu.memory_space<hbm>>
    tpu.enqueue_dma source(%dma_start3A_116 : memref<32x2x128xf32, #tpu.memory_space<hbm>>) target(%dma_start3A_113 : memref<32x2x128xf32, #tpu.memory_space<vmem>>) target_semaphore(%arg15 : memref<!tpu.dma_semaphore, #tpu.memory_space<semaphore_mem>>)
    %dma_start3A_117 = arith.constant 3 : i32
    %dma_start3A_118 = arith.constant 0 : i32
    %dma_start3A_119 = arith.constant 0 : i32
    %dma_start3A_120 = tpu.memref_slice %arg5[%dma_start3A_117, %dma_start3A_118, %dma_start3A_119] : memref<4x2x128xf32, #tpu.memory_space<vmem>> -> memref<1x2x128xf32, #tpu.memory_space<vmem>>
    %dma_start3A_121 = tpu.memref_squeeze %dma_start3A_120 : memref<1x2x128xf32, #tpu.memory_space<vmem>> -> memref<2x128xf32, #tpu.memory_space<vmem>>
    %dma_start3A_122 = arith.constant 0 : i32
    %dma_start3A_123 = tpu.memref_slice %arg3[%add3A_99, %dma_start3A_122] : memref<8192x128xf32, #tpu.memory_space<hbm>> -> memref<2x128xf32, #tpu.memory_space<hbm>>
    %dma_start3A_124 = arith.constant 0 : i32
    %dma_start3A_125 = arith.constant 0 : i32
    %dma_start3A_126 = tpu.memref_slice %arg5[%dma_start3A_117, %dma_start3A_124, %dma_start3A_125] : memref<4x2x128xf32, #tpu.memory_space<vmem>> -> memref<1x2x128xf32, #tpu.memory_space<vmem>>
    %dma_start3A_127 = tpu.memref_squeeze %dma_start3A_126 : memref<1x2x128xf32, #tpu.memory_space<vmem>> -> memref<2x128xf32, #tpu.memory_space<vmem>>
    %dma_start3A_128 = arith.constant 0 : i32
    %dma_start3A_129 = tpu.memref_slice %arg3[%add3A_99, %dma_start3A_128] : memref<8192x128xf32, #tpu.memory_space<hbm>> -> memref<2x128xf32, #tpu.memory_space<hbm>>
    tpu.enqueue_dma source(%dma_start3A_129 : memref<2x128xf32, #tpu.memory_space<hbm>>) target(%dma_start3A_127 : memref<2x128xf32, #tpu.memory_space<vmem>>) target_semaphore(%arg11 : memref<!tpu.dma_semaphore, #tpu.memory_space<semaphore_mem>>)
    %scan3A = arith.constant 0 : i32
    %scan3A_130 = arith.constant 0 : i32
    %scan3A_131 = arith.constant 32 : i32
    %scan3A_132 = arith.addi %scan3A_130, %scan3A_131 : i32
    %scan3A_133 = arith.constant 1 : i32
    scf.for %scan3A_202 = %scan3A_130 to %scan3A_132 step %scan3A_133  : i32 {
      %mul3A_203 = arith.constant 4 : i32
      %mul3A_204 = arith.muli %scan3A_202, %mul3A_203 : i32
      %add3A_205 = arith.constant 0 : i32
      %add3A_206 = arith.addi %mul3A_204, %add3A_205 : i32
      %dma_wait3A_207 = arith.constant 0 : i32
      %dma_wait3A_208 = arith.constant 0 : i32
      %dma_wait3A_209 = arith.constant 0 : i32
      %dma_wait3A_210 = arith.constant 0 : i32
      %dma_wait3A_211 = tpu.memref_slice %arg6[%dma_wait3A_207, %dma_wait3A_208, %dma_wait3A_209, %dma_wait3A_210] : memref<4x32x2x128xf32, #tpu.memory_space<vmem>> -> memref<1x32x2x128xf32, #tpu.memory_space<vmem>>
      %dma_wait3A_212 = tpu.memref_squeeze %dma_wait3A_211 : memref<1x32x2x128xf32, #tpu.memory_space<vmem>> -> memref<32x2x128xf32, #tpu.memory_space<vmem>>
      %dma_wait3A_213 = arith.constant 0 : i32
      %dma_wait3A_214 = arith.constant 0 : i32
      %dma_wait3A_215 = tpu.memref_slice %arg2[%dma_wait3A_213, %mul3A_2, %dma_wait3A_214] : memref<32x8192x128xf32, #tpu.memory_space<hbm>> -> memref<32x2x128xf32, #tpu.memory_space<hbm>>
      %dma_wait3A_216 = arith.constant 0 : i32
      %dma_wait3A_217 = arith.constant 0 : i32
      %dma_wait3A_218 = arith.constant 0 : i32
      %dma_wait3A_219 = tpu.memref_slice %arg6[%dma_wait3A_207, %dma_wait3A_216, %dma_wait3A_217, %dma_wait3A_218] : memref<4x32x2x128xf32, #tpu.memory_space<vmem>> -> memref<1x32x2x128xf32, #tpu.memory_space<vmem>>
      %dma_wait3A_220 = tpu.memref_squeeze %dma_wait3A_219 : memref<1x32x2x128xf32, #tpu.memory_space<vmem>> -> memref<32x2x128xf32, #tpu.memory_space<vmem>>
      %dma_wait3A_221 = arith.constant 0 : i32
      %dma_wait3A_222 = arith.constant 0 : i32
      %dma_wait3A_223 = tpu.memref_slice %arg2[%dma_wait3A_221, %mul3A_2, %dma_wait3A_222] : memref<32x8192x128xf32, #tpu.memory_space<hbm>> -> memref<32x2x128xf32, #tpu.memory_space<hbm>>
      tpu.wait_dma2 semaphore(%arg12 : memref<!tpu.dma_semaphore, #tpu.memory_space<semaphore_mem>>) src(%dma_wait3A_223 : memref<32x2x128xf32, #tpu.memory_space<hbm>>) dst(%dma_wait3A_220 : memref<32x2x128xf32, #tpu.memory_space<vmem>>)
      %dma_wait3A_224 = arith.constant 0 : i32
      %dma_wait3A_225 = arith.constant 0 : i32
      %dma_wait3A_226 = arith.constant 0 : i32
      %dma_wait3A_227 = tpu.memref_slice %arg5[%dma_wait3A_224, %dma_wait3A_225, %dma_wait3A_226] : memref<4x2x128xf32, #tpu.memory_space<vmem>> -> memref<1x2x128xf32, #tpu.memory_space<vmem>>
      %dma_wait3A_228 = tpu.memref_squeeze %dma_wait3A_227 : memref<1x2x128xf32, #tpu.memory_space<vmem>> -> memref<2x128xf32, #tpu.memory_space<vmem>>
      %dma_wait3A_229 = arith.constant 0 : i32
      %dma_wait3A_230 = tpu.memref_slice %arg3[%mul3A_2, %dma_wait3A_229] : memref<8192x128xf32, #tpu.memory_space<hbm>> -> memref<2x128xf32, #tpu.memory_space<hbm>>
      %dma_wait3A_231 = arith.constant 0 : i32
      %dma_wait3A_232 = arith.constant 0 : i32
      %dma_wait3A_233 = tpu.memref_slice %arg5[%dma_wait3A_224, %dma_wait3A_231, %dma_wait3A_232] : memref<4x2x128xf32, #tpu.memory_space<vmem>> -> memref<1x2x128xf32, #tpu.memory_space<vmem>>
      %dma_wait3A_234 = tpu.memref_squeeze %dma_wait3A_233 : memref<1x2x128xf32, #tpu.memory_space<vmem>> -> memref<2x128xf32, #tpu.memory_space<vmem>>
      %dma_wait3A_235 = arith.constant 0 : i32
      %dma_wait3A_236 = tpu.memref_slice %arg3[%mul3A_2, %dma_wait3A_235] : memref<8192x128xf32, #tpu.memory_space<hbm>> -> memref<2x128xf32, #tpu.memory_space<hbm>>
      tpu.wait_dma2 semaphore(%arg8 : memref<!tpu.dma_semaphore, #tpu.memory_space<semaphore_mem>>) src(%dma_wait3A_236 : memref<2x128xf32, #tpu.memory_space<hbm>>) dst(%dma_wait3A_234 : memref<2x128xf32, #tpu.memory_space<vmem>>)
      %ge3A = arith.constant 1 : i32
      %ge3A_237 = arith.cmpi sge, %scan3A_202, %ge3A : i32
      %convert_element_type3A = arith.extui %ge3A_237 : i1 to i32
      %cond3A = arith.constant 0 : i32
      %cond3A_238 = arith.cmpi ne, %convert_element_type3A, %cond3A : i32
      scf.if %cond3A_238 {
        %dma_wait3A_930 = arith.constant 0 : i32
        %dma_wait3A_931 = arith.constant 0 : i32
        %dma_wait3A_932 = arith.constant 0 : i32
        %dma_wait3A_933 = arith.constant 0 : i32
        %dma_wait3A_934 = tpu.memref_slice %arg7[%dma_wait3A_930, %dma_wait3A_931, %dma_wait3A_932, %dma_wait3A_933] : memref<4x32x2x128xf32, #tpu.memory_space<vmem>> -> memref<1x32x2x128xf32, #tpu.memory_space<vmem>>
        %dma_wait3A_935 = tpu.memref_squeeze %dma_wait3A_934 : memref<1x32x2x128xf32, #tpu.memory_space<vmem>> -> memref<32x2x128xf32, #tpu.memory_space<vmem>>
        %dma_wait3A_936 = arith.constant 0 : i32
        %dma_wait3A_937 = arith.constant 0 : i32
        %dma_wait3A_938 = tpu.memref_slice %arg4[%dma_wait3A_936, %mul3A_2, %dma_wait3A_937] : memref<32x8192x128xf32, #tpu.memory_space<hbm>> -> memref<32x2x128xf32, #tpu.memory_space<hbm>>
        %dma_wait3A_939 = arith.constant 0 : i32
        %dma_wait3A_940 = arith.constant 0 : i32
        %dma_wait3A_941 = tpu.memref_slice %arg4[%dma_wait3A_939, %mul3A_2, %dma_wait3A_940] : memref<32x8192x128xf32, #tpu.memory_space<hbm>> -> memref<32x2x128xf32, #tpu.memory_space<hbm>>
        %dma_wait3A_942 = arith.constant 0 : i32
        %dma_wait3A_943 = arith.constant 0 : i32
        %dma_wait3A_944 = arith.constant 0 : i32
        %dma_wait3A_945 = tpu.memref_slice %arg7[%dma_wait3A_930, %dma_wait3A_942, %dma_wait3A_943, %dma_wait3A_944] : memref<4x32x2x128xf32, #tpu.memory_space<vmem>> -> memref<1x32x2x128xf32, #tpu.memory_space<vmem>>
        %dma_wait3A_946 = tpu.memref_squeeze %dma_wait3A_945 : memref<1x32x2x128xf32, #tpu.memory_space<vmem>> -> memref<32x2x128xf32, #tpu.memory_space<vmem>>
        tpu.wait_dma2 semaphore(%arg16 : memref<!tpu.dma_semaphore, #tpu.memory_space<semaphore_mem>>) src(%dma_wait3A_946 : memref<32x2x128xf32, #tpu.memory_space<vmem>>) dst(%dma_wait3A_941 : memref<32x2x128xf32, #tpu.memory_space<hbm>>)
      } else {
      }
      %get3A = arith.constant 0 : i32
      %get3A_239 = arith.constant 0 : i32
      %get3A_240 = arith.index_cast %get3A : i32 to index
      %get3A_241 = arith.index_cast %get3A_239 : i32 to index
      %get3A_242 = arith.constant 0 : index
      %get3A_243 = tpu.vector_load %arg5[%get3A_240, %get3A_241, %get3A_242] {strides = array<i32>} : memref<4x2x128xf32, #tpu.memory_space<vmem>>, vector<1x1x16xf32>,
      %get3A_244 = vector.shape_cast %get3A_243 : vector<1x1x16xf32> to vector<16xf32>
      %get3A_245 = arith.constant 0 : i32
      %get3A_246 = arith.constant 0 : i32
      %get3A_247 = arith.index_cast %get3A_245 : i32 to index
      %get3A_248 = arith.index_cast %get3A_246 : i32 to index
      %get3A_249 = arith.constant 16 : index
      %get3A_250 = tpu.vector_load %arg5[%get3A_247, %get3A_248, %get3A_249] {strides = array<i32>} : memref<4x2x128xf32, #tpu.memory_space<vmem>>, vector<1x1x16xf32>,
      %get3A_251 = vector.shape_cast %get3A_250 : vector<1x1x16xf32> to vector<16xf32>
      %get3A_252 = arith.constant 0 : i32
      %get3A_253 = arith.constant 0 : i32
      %get3A_254 = arith.index_cast %get3A_252 : i32 to index
      %get3A_255 = arith.index_cast %get3A_253 : i32 to index
      %get3A_256 = arith.constant 32 : index
      %get3A_257 = tpu.vector_load %arg5[%get3A_254, %get3A_255, %get3A_256] {strides = array<i32>} : memref<4x2x128xf32, #tpu.memory_space<vmem>>, vector<1x1x16xf32>,
      %get3A_258 = vector.shape_cast %get3A_257 : vector<1x1x16xf32> to vector<16xf32>
      %get3A_259 = arith.constant 0 : i32
      %get3A_260 = arith.constant 0 : i32
      %get3A_261 = arith.index_cast %get3A_259 : i32 to index
      %get3A_262 = arith.index_cast %get3A_260 : i32 to index
      %get3A_263 = arith.constant 48 : index
      %get3A_264 = tpu.vector_load %arg5[%get3A_261, %get3A_262, %get3A_263] {strides = array<i32>} : memref<4x2x128xf32, #tpu.memory_space<vmem>>, vector<1x1x16xf32>,
      %get3A_265 = vector.shape_cast %get3A_264 : vector<1x1x16xf32> to vector<16xf32>
      %get3A_266 = arith.constant 0 : i32
      %get3A_267 = arith.constant 0 : i32
      %get3A_268 = arith.index_cast %get3A_266 : i32 to index
      %get3A_269 = arith.index_cast %get3A_267 : i32 to index
      %get3A_270 = arith.constant 64 : index
      %get3A_271 = tpu.vector_load %arg5[%get3A_268, %get3A_269, %get3A_270] {strides = array<i32>} : memref<4x2x128xf32, #tpu.memory_space<vmem>>, vector<1x1x16xf32>,
      %get3A_272 = vector.shape_cast %get3A_271 : vector<1x1x16xf32> to vector<16xf32>
      %get3A_273 = arith.constant 0 : i32
      %get3A_274 = arith.constant 0 : i32
      %get3A_275 = arith.index_cast %get3A_273 : i32 to index
      %get3A_276 = arith.index_cast %get3A_274 : i32 to index
      %get3A_277 = arith.constant 80 : index
      %get3A_278 = tpu.vector_load %arg5[%get3A_275, %get3A_276, %get3A_277] {strides = array<i32>} : memref<4x2x128xf32, #tpu.memory_space<vmem>>, vector<1x1x16xf32>,
      %get3A_279 = vector.shape_cast %get3A_278 : vector<1x1x16xf32> to vector<16xf32>
      %get3A_280 = arith.constant 0 : i32
      %get3A_281 = arith.constant 0 : i32
      %get3A_282 = arith.index_cast %get3A_280 : i32 to index
      %get3A_283 = arith.index_cast %get3A_281 : i32 to index
      %get3A_284 = arith.constant 96 : index
      %get3A_285 = tpu.vector_load %arg5[%get3A_282, %get3A_283, %get3A_284] {strides = array<i32>} : memref<4x2x128xf32, #tpu.memory_space<vmem>>, vector<1x1x16xf32>,
      %get3A_286 = vector.shape_cast %get3A_285 : vector<1x1x16xf32> to vector<16xf32>
      %get3A_287 = arith.constant 0 : i32
      %get3A_288 = arith.constant 0 : i32
      %get3A_289 = arith.index_cast %get3A_287 : i32 to index
      %get3A_290 = arith.index_cast %get3A_288 : i32 to index
      %get3A_291 = arith.constant 112 : index
      %get3A_292 = tpu.vector_load %arg5[%get3A_289, %get3A_290, %get3A_291] {strides = array<i32>} : memref<4x2x128xf32, #tpu.memory_space<vmem>>, vector<1x1x16xf32>,
      %get3A_293 = vector.shape_cast %get3A_292 : vector<1x1x16xf32> to vector<16xf32>
      %get3A_294 = arith.constant 0 : i32
      %get3A_295 = arith.constant 1 : i32
      %get3A_296 = arith.index_cast %get3A_294 : i32 to index
      %get3A_297 = arith.index_cast %get3A_295 : i32 to index
      %get3A_298 = arith.constant 0 : index
      %get3A_299 = tpu.vector_load %arg5[%get3A_296, %get3A_297, %get3A_298] {strides = array<i32>} : memref<4x2x128xf32, #tpu.memory_space<vmem>>, vector<1x1x16xf32>,
      %get3A_300 = vector.shape_cast %get3A_299 : vector<1x1x16xf32> to vector<16xf32>
      %get3A_301 = arith.constant 0 : i32
      %get3A_302 = arith.constant 1 : i32
      %get3A_303 = arith.index_cast %get3A_301 : i32 to index
      %get3A_304 = arith.index_cast %get3A_302 : i32 to index
      %get3A_305 = arith.constant 16 : index
      %get3A_306 = tpu.vector_load %arg5[%get3A_303, %get3A_304, %get3A_305] {strides = array<i32>} : memref<4x2x128xf32, #tpu.memory_space<vmem>>, vector<1x1x16xf32>,
      %get3A_307 = vector.shape_cast %get3A_306 : vector<1x1x16xf32> to vector<16xf32>
      %get3A_308 = arith.constant 0 : i32
      %get3A_309 = arith.constant 1 : i32
      %get3A_310 = arith.index_cast %get3A_308 : i32 to index
      %get3A_311 = arith.index_cast %get3A_309 : i32 to index
      %get3A_312 = arith.constant 32 : index
      %get3A_313 = tpu.vector_load %arg5[%get3A_310, %get3A_311, %get3A_312] {strides = array<i32>} : memref<4x2x128xf32, #tpu.memory_space<vmem>>, vector<1x1x16xf32>,
      %get3A_314 = vector.shape_cast %get3A_313 : vector<1x1x16xf32> to vector<16xf32>
      %get3A_315 = arith.constant 0 : i32
      %get3A_316 = arith.constant 1 : i32
      %get3A_317 = arith.index_cast %get3A_315 : i32 to index
      %get3A_318 = arith.index_cast %get3A_316 : i32 to index
      %get3A_319 = arith.constant 48 : index
      %get3A_320 = tpu.vector_load %arg5[%get3A_317, %get3A_318, %get3A_319] {strides = array<i32>} : memref<4x2x128xf32, #tpu.memory_space<vmem>>, vector<1x1x16xf32>,
      %get3A_321 = vector.shape_cast %get3A_320 : vector<1x1x16xf32> to vector<16xf32>
      %get3A_322 = arith.constant 0 : i32
      %get3A_323 = arith.constant 1 : i32
      %get3A_324 = arith.index_cast %get3A_322 : i32 to index
      %get3A_325 = arith.index_cast %get3A_323 : i32 to index
      %get3A_326 = arith.constant 64 : index
      %get3A_327 = tpu.vector_load %arg5[%get3A_324, %get3A_325, %get3A_326] {strides = array<i32>} : memref<4x2x128xf32, #tpu.memory_space<vmem>>, vector<1x1x16xf32>,
      %get3A_328 = vector.shape_cast %get3A_327 : vector<1x1x16xf32> to vector<16xf32>
      %get3A_329 = arith.constant 0 : i32
      %get3A_330 = arith.constant 1 : i32
      %get3A_331 = arith.index_cast %get3A_329 : i32 to index
      %get3A_332 = arith.index_cast %get3A_330 : i32 to index
      %get3A_333 = arith.constant 80 : index
      %get3A_334 = tpu.vector_load %arg5[%get3A_331, %get3A_332, %get3A_333] {strides = array<i32>} : memref<4x2x128xf32, #tpu.memory_space<vmem>>, vector<1x1x16xf32>,
      %get3A_335 = vector.shape_cast %get3A_334 : vector<1x1x16xf32> to vector<16xf32>
      %get3A_336 = arith.constant 0 : i32
      %get3A_337 = arith.constant 1 : i32
      %get3A_338 = arith.index_cast %get3A_336 : i32 to index
      %get3A_339 = arith.index_cast %get3A_337 : i32 to index
      %get3A_340 = arith.constant 96 : index
      %get3A_341 = tpu.vector_load %arg5[%get3A_338, %get3A_339, %get3A_340] {strides = array<i32>} : memref<4x2x128xf32, #tpu.memory_space<vmem>>, vector<1x1x16xf32>,
      %get3A_342 = vector.shape_cast %get3A_341 : vector<1x1x16xf32> to vector<16xf32>
      %get3A_343 = arith.constant 0 : i32
      %get3A_344 = arith.constant 1 : i32
      %get3A_345 = arith.index_cast %get3A_343 : i32 to index
      %get3A_346 = arith.index_cast %get3A_344 : i32 to index
      %get3A_347 = arith.constant 112 : index
      %get3A_348 = tpu.vector_load %arg5[%get3A_345, %get3A_346, %get3A_347] {strides = array<i32>} : memref<4x2x128xf32, #tpu.memory_space<vmem>>, vector<1x1x16xf32>,
      %get3A_349 = vector.shape_cast %get3A_348 : vector<1x1x16xf32> to vector<16xf32>
      %scan3A_350 = arith.constant 0 : i32
      %scan3A_351 = arith.constant 32 : i32
      %scan3A_352 = arith.addi %scan3A_350, %scan3A_351 : i32
      %scan3A_353 = arith.constant 1 : i32
      scf.for %scan3A_930 = %scan3A_350 to %scan3A_352 step %scan3A_353  : i32 {
        %get3A_931 = arith.constant 0 : i32
        %get3A_932 = arith.constant 0 : i32
        %get3A_933 = arith.index_cast %get3A_931 : i32 to index
        %get3A_934 = arith.index_cast %scan3A_930 : i32 to index
        %get3A_935 = arith.index_cast %get3A_932 : i32 to index
        %get3A_936 = arith.constant 0 : index
        %get3A_937 = tpu.vector_load %arg6[%get3A_933, %get3A_934, %get3A_935, %get3A_936] {strides = array<i32>} : memref<4x32x2x128xf32, #tpu.memory_space<vmem>>, vector<1x1x1x16xf32>,
        %get3A_938 = vector.shape_cast %get3A_937 : vector<1x1x1x16xf32> to vector<16xf32>
        %add3A_939 = arith.addf %get3A_938, %get3A_244 : vector<16xf32>
        %swap3A = arith.constant 0 : i32
        %swap3A_940 = arith.constant 0 : i32
        %swap3A_941 = arith.index_cast %swap3A : i32 to index
        %swap3A_942 = arith.index_cast %scan3A_930 : i32 to index
        %swap3A_943 = arith.index_cast %swap3A_940 : i32 to index
        %swap3A_944 = arith.constant 0 : index
        %swap3A_945 = tpu.vector_load %arg7[%swap3A_941, %swap3A_942, %swap3A_943, %swap3A_944] {strides = array<i32>} : memref<4x32x2x128xf32, #tpu.memory_space<vmem>>, vector<1x1x1x16xf32>,
        %swap3A_946 = vector.shape_cast %swap3A_945 : vector<1x1x1x16xf32> to vector<16xf32>
        %swap3A_947 = vector.shape_cast %add3A_939 : vector<16xf32> to vector<1x1x1x16xf32>
        tpu.vector_store %arg7[%swap3A_941, %swap3A_942, %swap3A_943, %swap3A_944], %swap3A_947 {strides = array<i32>} : memref<4x32x2x128xf32, #tpu.memory_space<vmem>>, vector<1x1x1x16xf32>,
        %get3A_948 = arith.constant 0 : i32
        %get3A_949 = arith.constant 0 : i32
        %get3A_950 = arith.index_cast %get3A_948 : i32 to index
        %get3A_951 = arith.index_cast %scan3A_930 : i32 to index
        %get3A_952 = arith.index_cast %get3A_949 : i32 to index
        %get3A_953 = arith.constant 16 : index
        %get3A_954 = tpu.vector_load %arg6[%get3A_950, %get3A_951, %get3A_952, %get3A_953] {strides = array<i32>} : memref<4x32x2x128xf32, #tpu.memory_space<vmem>>, vector<1x1x1x16xf32>,
        %get3A_955 = vector.shape_cast %get3A_954 : vector<1x1x1x16xf32> to vector<16xf32>
        %add3A_956 = arith.addf %get3A_955, %get3A_251 : vector<16xf32>
        %swap3A_957 = arith.constant 0 : i32
        %swap3A_958 = arith.constant 0 : i32
        %swap3A_959 = arith.index_cast %swap3A_957 : i32 to index
        %swap3A_960 = arith.index_cast %scan3A_930 : i32 to index
        %swap3A_961 = arith.index_cast %swap3A_958 : i32 to index
        %swap3A_962 = arith.constant 16 : index
        %swap3A_963 = tpu.vector_load %arg7[%swap3A_959, %swap3A_960, %swap3A_961, %swap3A_962] {strides = array<i32>} : memref<4x32x2x128xf32, #tpu.memory_space<vmem>>, vector<1x1x1x16xf32>,
        %swap3A_964 = vector.shape_cast %swap3A_963 : vector<1x1x1x16xf32> to vector<16xf32>
        %swap3A_965 = vector.shape_cast %add3A_956 : vector<16xf32> to vector<1x1x1x16xf32>
        tpu.vector_store %arg7[%swap3A_959, %swap3A_960, %swap3A_961, %swap3A_962], %swap3A_965 {strides = array<i32>} : memref<4x32x2x128xf32, #tpu.memory_space<vmem>>, vector<1x1x1x16xf32>,
        %get3A_966 = arith.constant 0 : i32
        %get3A_967 = arith.constant 0 : i32
        %get3A_968 = arith.index_cast %get3A_966 : i32 to index
        %get3A_969 = arith.index_cast %scan3A_930 : i32 to index
        %get3A_970 = arith.index_cast %get3A_967 : i32 to index
        %get3A_971 = arith.constant 32 : index
        %get3A_972 = tpu.vector_load %arg6[%get3A_968, %get3A_969, %get3A_970, %get3A_971] {strides = array<i32>} : memref<4x32x2x128xf32, #tpu.memory_space<vmem>>, vector<1x1x1x16xf32>,
        %get3A_973 = vector.shape_cast %get3A_972 : vector<1x1x1x16xf32> to vector<16xf32>
        %add3A_974 = arith.addf %get3A_973, %get3A_258 : vector<16xf32>
        %swap3A_975 = arith.constant 0 : i32
        %swap3A_976 = arith.constant 0 : i32
        %swap3A_977 = arith.index_cast %swap3A_975 : i32 to index
        %swap3A_978 = arith.index_cast %scan3A_930 : i32 to index
        %swap3A_979 = arith.index_cast %swap3A_976 : i32 to index
        %swap3A_980 = arith.constant 32 : index
        %swap3A_981 = tpu.vector_load %arg7[%swap3A_977, %swap3A_978, %swap3A_979, %swap3A_980] {strides = array<i32>} : memref<4x32x2x128xf32, #tpu.memory_space<vmem>>, vector<1x1x1x16xf32>,
        %swap3A_982 = vector.shape_cast %swap3A_981 : vector<1x1x1x16xf32> to vector<16xf32>
        %swap3A_983 = vector.shape_cast %add3A_974 : vector<16xf32> to vector<1x1x1x16xf32>
        tpu.vector_store %arg7[%swap3A_977, %swap3A_978, %swap3A_979, %swap3A_980], %swap3A_983 {strides = array<i32>} : memref<4x32x2x128xf32, #tpu.memory_space<vmem>>, vector<1x1x1x16xf32>,
        %get3A_984 = arith.constant 0 : i32
        %get3A_985 = arith.constant 0 : i32
        %get3A_986 = arith.index_cast %get3A_984 : i32 to index
        %get3A_987 = arith.index_cast %scan3A_930 : i32 to index
        %get3A_988 = arith.index_cast %get3A_985 : i32 to index
        %get3A_989 = arith.constant 48 : index
        %get3A_990 = tpu.vector_load %arg6[%get3A_986, %get3A_987, %get3A_988, %get3A_989] {strides = array<i32>} : memref<4x32x2x128xf32, #tpu.memory_space<vmem>>, vector<1x1x1x16xf32>,
        %get3A_991 = vector.shape_cast %get3A_990 : vector<1x1x1x16xf32> to vector<16xf32>
        %add3A_992 = arith.addf %get3A_991, %get3A_265 : vector<16xf32>
        %swap3A_993 = arith.constant 0 : i32
        %swap3A_994 = arith.constant 0 : i32
        %swap3A_995 = arith.index_cast %swap3A_993 : i32 to index
        %swap3A_996 = arith.index_cast %scan3A_930 : i32 to index
        %swap3A_997 = arith.index_cast %swap3A_994 : i32 to index
        %swap3A_998 = arith.constant 48 : index
        %swap3A_999 = tpu.vector_load %arg7[%swap3A_995, %swap3A_996, %swap3A_997, %swap3A_998] {strides = array<i32>} : memref<4x32x2x128xf32, #tpu.memory_space<vmem>>, vector<1x1x1x16xf32>,
        %swap3A_1000 = vector.shape_cast %swap3A_999 : vector<1x1x1x16xf32> to vector<16xf32>
        %swap3A_1001 = vector.shape_cast %add3A_992 : vector<16xf32> to vector<1x1x1x16xf32>
        tpu.vector_store %arg7[%swap3A_995, %swap3A_996, %swap3A_997, %swap3A_998], %swap3A_1001 {strides = array<i32>} : memref<4x32x2x128xf32, #tpu.memory_space<vmem>>, vector<1x1x1x16xf32>,
        %get3A_1002 = arith.constant 0 : i32
        %get3A_1003 = arith.constant 0 : i32
        %get3A_1004 = arith.index_cast %get3A_1002 : i32 to index
        %get3A_1005 = arith.index_cast %scan3A_930 : i32 to index
        %get3A_1006 = arith.index_cast %get3A_1003 : i32 to index
        %get3A_1007 = arith.constant 64 : index
        %get3A_1008 = tpu.vector_load %arg6[%get3A_1004, %get3A_1005, %get3A_1006, %get3A_1007] {strides = array<i32>} : memref<4x32x2x128xf32, #tpu.memory_space<vmem>>, vector<1x1x1x16xf32>,
        %get3A_1009 = vector.shape_cast %get3A_1008 : vector<1x1x1x16xf32> to vector<16xf32>
        %add3A_1010 = arith.addf %get3A_1009, %get3A_272 : vector<16xf32>
        %swap3A_1011 = arith.constant 0 : i32
        %swap3A_1012 = arith.constant 0 : i32
        %swap3A_1013 = arith.index_cast %swap3A_1011 : i32 to index
        %swap3A_1014 = arith.index_cast %scan3A_930 : i32 to index
        %swap3A_1015 = arith.index_cast %swap3A_1012 : i32 to index
        %swap3A_1016 = arith.constant 64 : index
        %swap3A_1017 = tpu.vector_load %arg7[%swap3A_1013, %swap3A_1014, %swap3A_1015, %swap3A_1016] {strides = array<i32>} : memref<4x32x2x128xf32, #tpu.memory_space<vmem>>, vector<1x1x1x16xf32>,
        %swap3A_1018 = vector.shape_cast %swap3A_1017 : vector<1x1x1x16xf32> to vector<16xf32>
        %swap3A_1019 = vector.shape_cast %add3A_1010 : vector<16xf32> to vector<1x1x1x16xf32>
        tpu.vector_store %arg7[%swap3A_1013, %swap3A_1014, %swap3A_1015, %swap3A_1016], %swap3A_1019 {strides = array<i32>} : memref<4x32x2x128xf32, #tpu.memory_space<vmem>>, vector<1x1x1x16xf32>,
        %get3A_1020 = arith.constant 0 : i32
        %get3A_1021 = arith.constant 0 : i32
        %get3A_1022 = arith.index_cast %get3A_1020 : i32 to index
        %get3A_1023 = arith.index_cast %scan3A_930 : i32 to index
        %get3A_1024 = arith.index_cast %get3A_1021 : i32 to index
        %get3A_1025 = arith.constant 80 : index
        %get3A_1026 = tpu.vector_load %arg6[%get3A_1022, %get3A_1023, %get3A_1024, %get3A_1025] {strides = array<i32>} : memref<4x32x2x128xf32, #tpu.memory_space<vmem>>, vector<1x1x1x16xf32>,
        %get3A_1027 = vector.shape_cast %get3A_1026 : vector<1x1x1x16xf32> to vector<16xf32>
        %add3A_1028 = arith.addf %get3A_1027, %get3A_279 : vector<16xf32>
        %swap3A_1029 = arith.constant 0 : i32
        %swap3A_1030 = arith.constant 0 : i32
        %swap3A_1031 = arith.index_cast %swap3A_1029 : i32 to index
        %swap3A_1032 = arith.index_cast %scan3A_930 : i32 to index
        %swap3A_1033 = arith.index_cast %swap3A_1030 : i32 to index
        %swap3A_1034 = arith.constant 80 : index
        %swap3A_1035 = tpu.vector_load %arg7[%swap3A_1031, %swap3A_1032, %swap3A_1033, %swap3A_1034] {strides = array<i32>} : memref<4x32x2x128xf32, #tpu.memory_space<vmem>>, vector<1x1x1x16xf32>,
        %swap3A_1036 = vector.shape_cast %swap3A_1035 : vector<1x1x1x16xf32> to vector<16xf32>
        %swap3A_1037 = vector.shape_cast %add3A_1028 : vector<16xf32> to vector<1x1x1x16xf32>
        tpu.vector_store %arg7[%swap3A_1031, %swap3A_1032, %swap3A_1033, %swap3A_1034], %swap3A_1037 {strides = array<i32>} : memref<4x32x2x128xf32, #tpu.memory_space<vmem>>, vector<1x1x1x16xf32>,
        %get3A_1038 = arith.constant 0 : i32
        %get3A_1039 = arith.constant 0 : i32
        %get3A_1040 = arith.index_cast %get3A_1038 : i32 to index
        %get3A_1041 = arith.index_cast %scan3A_930 : i32 to index
        %get3A_1042 = arith.index_cast %get3A_1039 : i32 to index
        %get3A_1043 = arith.constant 96 : index
        %get3A_1044 = tpu.vector_load %arg6[%get3A_1040, %get3A_1041, %get3A_1042, %get3A_1043] {strides = array<i32>} : memref<4x32x2x128xf32, #tpu.memory_space<vmem>>, vector<1x1x1x16xf32>,
        %get3A_1045 = vector.shape_cast %get3A_1044 : vector<1x1x1x16xf32> to vector<16xf32>
        %add3A_1046 = arith.addf %get3A_1045, %get3A_286 : vector<16xf32>
        %swap3A_1047 = arith.constant 0 : i32
        %swap3A_1048 = arith.constant 0 : i32
        %swap3A_1049 = arith.index_cast %swap3A_1047 : i32 to index
        %swap3A_1050 = arith.index_cast %scan3A_930 : i32 to index
        %swap3A_1051 = arith.index_cast %swap3A_1048 : i32 to index
        %swap3A_1052 = arith.constant 96 : index
        %swap3A_1053 = tpu.vector_load %arg7[%swap3A_1049, %swap3A_1050, %swap3A_1051, %swap3A_1052] {strides = array<i32>} : memref<4x32x2x128xf32, #tpu.memory_space<vmem>>, vector<1x1x1x16xf32>,
        %swap3A_1054 = vector.shape_cast %swap3A_1053 : vector<1x1x1x16xf32> to vector<16xf32>
        %swap3A_1055 = vector.shape_cast %add3A_1046 : vector<16xf32> to vector<1x1x1x16xf32>
        tpu.vector_store %arg7[%swap3A_1049, %swap3A_1050, %swap3A_1051, %swap3A_1052], %swap3A_1055 {strides = array<i32>} : memref<4x32x2x128xf32, #tpu.memory_space<vmem>>, vector<1x1x1x16xf32>,
        %get3A_1056 = arith.constant 0 : i32
        %get3A_1057 = arith.constant 0 : i32
        %get3A_1058 = arith.index_cast %get3A_1056 : i32 to index
        %get3A_1059 = arith.index_cast %scan3A_930 : i32 to index
        %get3A_1060 = arith.index_cast %get3A_1057 : i32 to index
        %get3A_1061 = arith.constant 112 : index
        %get3A_1062 = tpu.vector_load %arg6[%get3A_1058, %get3A_1059, %get3A_1060, %get3A_1061] {strides = array<i32>} : memref<4x32x2x128xf32, #tpu.memory_space<vmem>>, vector<1x1x1x16xf32>,
        %get3A_1063 = vector.shape_cast %get3A_1062 : vector<1x1x1x16xf32> to vector<16xf32>
        %add3A_1064 = arith.addf %get3A_1063, %get3A_293 : vector<16xf32>
        %swap3A_1065 = arith.constant 0 : i32
        %swap3A_1066 = arith.constant 0 : i32
        %swap3A_1067 = arith.index_cast %swap3A_1065 : i32 to index
        %swap3A_1068 = arith.index_cast %scan3A_930 : i32 to index
        %swap3A_1069 = arith.index_cast %swap3A_1066 : i32 to index
        %swap3A_1070 = arith.constant 112 : index
        %swap3A_1071 = tpu.vector_load %arg7[%swap3A_1067, %swap3A_1068, %swap3A_1069, %swap3A_1070] {strides = array<i32>} : memref<4x32x2x128xf32, #tpu.memory_space<vmem>>, vector<1x1x1x16xf32>,
        %swap3A_1072 = vector.shape_cast %swap3A_1071 : vector<1x1x1x16xf32> to vector<16xf32>
        %swap3A_1073 = vector.shape_cast %add3A_1064 : vector<16xf32> to vector<1x1x1x16xf32>
        tpu.vector_store %arg7[%swap3A_1067, %swap3A_1068, %swap3A_1069, %swap3A_1070], %swap3A_1073 {strides = array<i32>} : memref<4x32x2x128xf32, #tpu.memory_space<vmem>>, vector<1x1x1x16xf32>,
        %get3A_1074 = arith.constant 0 : i32
        %get3A_1075 = arith.constant 1 : i32
        %get3A_1076 = arith.index_cast %get3A_1074 : i32 to index
        %get3A_1077 = arith.index_cast %scan3A_930 : i32 to index
        %get3A_1078 = arith.index_cast %get3A_1075 : i32 to index
        %get3A_1079 = arith.constant 0 : index
        %get3A_1080 = tpu.vector_load %arg6[%get3A_1076, %get3A_1077, %get3A_1078, %get3A_1079] {strides = array<i32>} : memref<4x32x2x128xf32, #tpu.memory_space<vmem>>, vector<1x1x1x16xf32>,
        %get3A_1081 = vector.shape_cast %get3A_1080 : vector<1x1x1x16xf32> to vector<16xf32>
        %add3A_1082 = arith.addf %get3A_1081, %get3A_300 : vector<16xf32>
        %swap3A_1083 = arith.constant 0 : i32
        %swap3A_1084 = arith.constant 1 : i32
        %swap3A_1085 = arith.index_cast %swap3A_1083 : i32 to index
        %swap3A_1086 = arith.index_cast %scan3A_930 : i32 to index
        %swap3A_1087 = arith.index_cast %swap3A_1084 : i32 to index
        %swap3A_1088 = arith.constant 0 : index
        %swap3A_1089 = tpu.vector_load %arg7[%swap3A_1085, %swap3A_1086, %swap3A_1087, %swap3A_1088] {strides = array<i32>} : memref<4x32x2x128xf32, #tpu.memory_space<vmem>>, vector<1x1x1x16xf32>,
        %swap3A_1090 = vector.shape_cast %swap3A_1089 : vector<1x1x1x16xf32> to vector<16xf32>
        %swap3A_1091 = vector.shape_cast %add3A_1082 : vector<16xf32> to vector<1x1x1x16xf32>
        tpu.vector_store %arg7[%swap3A_1085, %swap3A_1086, %swap3A_1087, %swap3A_1088], %swap3A_1091 {strides = array<i32>} : memref<4x32x2x128xf32, #tpu.memory_space<vmem>>, vector<1x1x1x16xf32>,
        %get3A_1092 = arith.constant 0 : i32
        %get3A_1093 = arith.constant 1 : i32
        %get3A_1094 = arith.index_cast %get3A_1092 : i32 to index
        %get3A_1095 = arith.index_cast %scan3A_930 : i32 to index
        %get3A_1096 = arith.index_cast %get3A_1093 : i32 to index
        %get3A_1097 = arith.constant 16 : index
        %get3A_1098 = tpu.vector_load %arg6[%get3A_1094, %get3A_1095, %get3A_1096, %get3A_1097] {strides = array<i32>} : memref<4x32x2x128xf32, #tpu.memory_space<vmem>>, vector<1x1x1x16xf32>,
        %get3A_1099 = vector.shape_cast %get3A_1098 : vector<1x1x1x16xf32> to vector<16xf32>
        %add3A_1100 = arith.addf %get3A_1099, %get3A_307 : vector<16xf32>
        %swap3A_1101 = arith.constant 0 : i32
        %swap3A_1102 = arith.constant 1 : i32
        %swap3A_1103 = arith.index_cast %swap3A_1101 : i32 to index
        %swap3A_1104 = arith.index_cast %scan3A_930 : i32 to index
        %swap3A_1105 = arith.index_cast %swap3A_1102 : i32 to index
        %swap3A_1106 = arith.constant 16 : index
        %swap3A_1107 = tpu.vector_load %arg7[%swap3A_1103, %swap3A_1104, %swap3A_1105, %swap3A_1106] {strides = array<i32>} : memref<4x32x2x128xf32, #tpu.memory_space<vmem>>, vector<1x1x1x16xf32>,
        %swap3A_1108 = vector.shape_cast %swap3A_1107 : vector<1x1x1x16xf32> to vector<16xf32>
        %swap3A_1109 = vector.shape_cast %add3A_1100 : vector<16xf32> to vector<1x1x1x16xf32>
        tpu.vector_store %arg7[%swap3A_1103, %swap3A_1104, %swap3A_1105, %swap3A_1106], %swap3A_1109 {strides = array<i32>} : memref<4x32x2x128xf32, #tpu.memory_space<vmem>>, vector<1x1x1x16xf32>,
        %get3A_1110 = arith.constant 0 : i32
        %get3A_1111 = arith.constant 1 : i32
        %get3A_1112 = arith.index_cast %get3A_1110 : i32 to index
        %get3A_1113 = arith.index_cast %scan3A_930 : i32 to index
        %get3A_1114 = arith.index_cast %get3A_1111 : i32 to index
        %get3A_1115 = arith.constant 32 : index
        %get3A_1116 = tpu.vector_load %arg6[%get3A_1112, %get3A_1113, %get3A_1114, %get3A_1115] {strides = array<i32>} : memref<4x32x2x128xf32, #tpu.memory_space<vmem>>, vector<1x1x1x16xf32>,
        %get3A_1117 = vector.shape_cast %get3A_1116 : vector<1x1x1x16xf32> to vector<16xf32>
        %add3A_1118 = arith.addf %get3A_1117, %get3A_314 : vector<16xf32>
        %swap3A_1119 = arith.constant 0 : i32
        %swap3A_1120 = arith.constant 1 : i32
        %swap3A_1121 = arith.index_cast %swap3A_1119 : i32 to index
        %swap3A_1122 = arith.index_cast %scan3A_930 : i32 to index
        %swap3A_1123 = arith.index_cast %swap3A_1120 : i32 to index
        %swap3A_1124 = arith.constant 32 : index
        %swap3A_1125 = tpu.vector_load %arg7[%swap3A_1121, %swap3A_1122, %swap3A_1123, %swap3A_1124] {strides = array<i32>} : memref<4x32x2x128xf32, #tpu.memory_space<vmem>>, vector<1x1x1x16xf32>,
        %swap3A_1126 = vector.shape_cast %swap3A_1125 : vector<1x1x1x16xf32> to vector<16xf32>
        %swap3A_1127 = vector.shape_cast %add3A_1118 : vector<16xf32> to vector<1x1x1x16xf32>
        tpu.vector_store %arg7[%swap3A_1121, %swap3A_1122, %swap3A_1123, %swap3A_1124], %swap3A_1127 {strides = array<i32>} : memref<4x32x2x128xf32, #tpu.memory_space<vmem>>, vector<1x1x1x16xf32>,
        %get3A_1128 = arith.constant 0 : i32
        %get3A_1129 = arith.constant 1 : i32
        %get3A_1130 = arith.index_cast %get3A_1128 : i32 to index
        %get3A_1131 = arith.index_cast %scan3A_930 : i32 to index
        %get3A_1132 = arith.index_cast %get3A_1129 : i32 to index
        %get3A_1133 = arith.constant 48 : index
        %get3A_1134 = tpu.vector_load %arg6[%get3A_1130, %get3A_1131, %get3A_1132, %get3A_1133] {strides = array<i32>} : memref<4x32x2x128xf32, #tpu.memory_space<vmem>>, vector<1x1x1x16xf32>,
        %get3A_1135 = vector.shape_cast %get3A_1134 : vector<1x1x1x16xf32> to vector<16xf32>
        %add3A_1136 = arith.addf %get3A_1135, %get3A_321 : vector<16xf32>
        %swap3A_1137 = arith.constant 0 : i32
        %swap3A_1138 = arith.constant 1 : i32
        %swap3A_1139 = arith.index_cast %swap3A_1137 : i32 to index
        %swap3A_1140 = arith.index_cast %scan3A_930 : i32 to index
        %swap3A_1141 = arith.index_cast %swap3A_1138 : i32 to index
        %swap3A_1142 = arith.constant 48 : index
        %swap3A_1143 = tpu.vector_load %arg7[%swap3A_1139, %swap3A_1140, %swap3A_1141, %swap3A_1142] {strides = array<i32>} : memref<4x32x2x128xf32, #tpu.memory_space<vmem>>, vector<1x1x1x16xf32>,
        %swap3A_1144 = vector.shape_cast %swap3A_1143 : vector<1x1x1x16xf32> to vector<16xf32>
        %swap3A_1145 = vector.shape_cast %add3A_1136 : vector<16xf32> to vector<1x1x1x16xf32>
        tpu.vector_store %arg7[%swap3A_1139, %swap3A_1140, %swap3A_1141, %swap3A_1142], %swap3A_1145 {strides = array<i32>} : memref<4x32x2x128xf32, #tpu.memory_space<vmem>>, vector<1x1x1x16xf32>,
        %get3A_1146 = arith.constant 0 : i32
        %get3A_1147 = arith.constant 1 : i32
        %get3A_1148 = arith.index_cast %get3A_1146 : i32 to index
        %get3A_1149 = arith.index_cast %scan3A_930 : i32 to index
        %get3A_1150 = arith.index_cast %get3A_1147 : i32 to index
        %get3A_1151 = arith.constant 64 : index
        %get3A_1152 = tpu.vector_load %arg6[%get3A_1148, %get3A_1149, %get3A_1150, %get3A_1151] {strides = array<i32>} : memref<4x32x2x128xf32, #tpu.memory_space<vmem>>, vector<1x1x1x16xf32>,
        %get3A_1153 = vector.shape_cast %get3A_1152 : vector<1x1x1x16xf32> to vector<16xf32>
        %add3A_1154 = arith.addf %get3A_1153, %get3A_328 : vector<16xf32>
        %swap3A_1155 = arith.constant 0 : i32
        %swap3A_1156 = arith.constant 1 : i32
        %swap3A_1157 = arith.index_cast %swap3A_1155 : i32 to index
        %swap3A_1158 = arith.index_cast %scan3A_930 : i32 to index
        %swap3A_1159 = arith.index_cast %swap3A_1156 : i32 to index
        %swap3A_1160 = arith.constant 64 : index
        %swap3A_1161 = tpu.vector_load %arg7[%swap3A_1157, %swap3A_1158, %swap3A_1159, %swap3A_1160] {strides = array<i32>} : memref<4x32x2x128xf32, #tpu.memory_space<vmem>>, vector<1x1x1x16xf32>,
        %swap3A_1162 = vector.shape_cast %swap3A_1161 : vector<1x1x1x16xf32> to vector<16xf32>
        %swap3A_1163 = vector.shape_cast %add3A_1154 : vector<16xf32> to vector<1x1x1x16xf32>
        tpu.vector_store %arg7[%swap3A_1157, %swap3A_1158, %swap3A_1159, %swap3A_1160], %swap3A_1163 {strides = array<i32>} : memref<4x32x2x128xf32, #tpu.memory_space<vmem>>, vector<1x1x1x16xf32>,
        %get3A_1164 = arith.constant 0 : i32
        %get3A_1165 = arith.constant 1 : i32
        %get3A_1166 = arith.index_cast %get3A_1164 : i32 to index
        %get3A_1167 = arith.index_cast %scan3A_930 : i32 to index
        %get3A_1168 = arith.index_cast %get3A_1165 : i32 to index
        %get3A_1169 = arith.constant 80 : index
        %get3A_1170 = tpu.vector_load %arg6[%get3A_1166, %get3A_1167, %get3A_1168, %get3A_1169] {strides = array<i32>} : memref<4x32x2x128xf32, #tpu.memory_space<vmem>>, vector<1x1x1x16xf32>,
        %get3A_1171 = vector.shape_cast %get3A_1170 : vector<1x1x1x16xf32> to vector<16xf32>
        %add3A_1172 = arith.addf %get3A_1171, %get3A_335 : vector<16xf32>
        %swap3A_1173 = arith.constant 0 : i32
        %swap3A_1174 = arith.constant 1 : i32
        %swap3A_1175 = arith.index_cast %swap3A_1173 : i32 to index
        %swap3A_1176 = arith.index_cast %scan3A_930 : i32 to index
        %swap3A_1177 = arith.index_cast %swap3A_1174 : i32 to index
        %swap3A_1178 = arith.constant 80 : index
        %swap3A_1179 = tpu.vector_load %arg7[%swap3A_1175, %swap3A_1176, %swap3A_1177, %swap3A_1178] {strides = array<i32>} : memref<4x32x2x128xf32, #tpu.memory_space<vmem>>, vector<1x1x1x16xf32>,
        %swap3A_1180 = vector.shape_cast %swap3A_1179 : vector<1x1x1x16xf32> to vector<16xf32>
        %swap3A_1181 = vector.shape_cast %add3A_1172 : vector<16xf32> to vector<1x1x1x16xf32>
        tpu.vector_store %arg7[%swap3A_1175, %swap3A_1176, %swap3A_1177, %swap3A_1178], %swap3A_1181 {strides = array<i32>} : memref<4x32x2x128xf32, #tpu.memory_space<vmem>>, vector<1x1x1x16xf32>,
        %get3A_1182 = arith.constant 0 : i32
        %get3A_1183 = arith.constant 1 : i32
        %get3A_1184 = arith.index_cast %get3A_1182 : i32 to index
        %get3A_1185 = arith.index_cast %scan3A_930 : i32 to index
        %get3A_1186 = arith.index_cast %get3A_1183 : i32 to index
        %get3A_1187 = arith.constant 96 : index
        %get3A_1188 = tpu.vector_load %arg6[%get3A_1184, %get3A_1185, %get3A_1186, %get3A_1187] {strides = array<i32>} : memref<4x32x2x128xf32, #tpu.memory_space<vmem>>, vector<1x1x1x16xf32>,
        %get3A_1189 = vector.shape_cast %get3A_1188 : vector<1x1x1x16xf32> to vector<16xf32>
        %add3A_1190 = arith.addf %get3A_1189, %get3A_342 : vector<16xf32>
        %swap3A_1191 = arith.constant 0 : i32
        %swap3A_1192 = arith.constant 1 : i32
        %swap3A_1193 = arith.index_cast %swap3A_1191 : i32 to index
        %swap3A_1194 = arith.index_cast %scan3A_930 : i32 to index
        %swap3A_1195 = arith.index_cast %swap3A_1192 : i32 to index
        %swap3A_1196 = arith.constant 96 : index
        %swap3A_1197 = tpu.vector_load %arg7[%swap3A_1193, %swap3A_1194, %swap3A_1195, %swap3A_1196] {strides = array<i32>} : memref<4x32x2x128xf32, #tpu.memory_space<vmem>>, vector<1x1x1x16xf32>,
        %swap3A_1198 = vector.shape_cast %swap3A_1197 : vector<1x1x1x16xf32> to vector<16xf32>
        %swap3A_1199 = vector.shape_cast %add3A_1190 : vector<16xf32> to vector<1x1x1x16xf32>
        tpu.vector_store %arg7[%swap3A_1193, %swap3A_1194, %swap3A_1195, %swap3A_1196], %swap3A_1199 {strides = array<i32>} : memref<4x32x2x128xf32, #tpu.memory_space<vmem>>, vector<1x1x1x16xf32>,
        %get3A_1200 = arith.constant 0 : i32
        %get3A_1201 = arith.constant 1 : i32
        %get3A_1202 = arith.index_cast %get3A_1200 : i32 to index
        %get3A_1203 = arith.index_cast %scan3A_930 : i32 to index
        %get3A_1204 = arith.index_cast %get3A_1201 : i32 to index
        %get3A_1205 = arith.constant 112 : index
        %get3A_1206 = tpu.vector_load %arg6[%get3A_1202, %get3A_1203, %get3A_1204, %get3A_1205] {strides = array<i32>} : memref<4x32x2x128xf32, #tpu.memory_space<vmem>>, vector<1x1x1x16xf32>,
        %get3A_1207 = vector.shape_cast %get3A_1206 : vector<1x1x1x16xf32> to vector<16xf32>
        %add3A_1208 = arith.addf %get3A_1207, %get3A_349 : vector<16xf32>
        %swap3A_1209 = arith.constant 0 : i32
        %swap3A_1210 = arith.constant 1 : i32
        %swap3A_1211 = arith.index_cast %swap3A_1209 : i32 to index
        %swap3A_1212 = arith.index_cast %scan3A_930 : i32 to index
        %swap3A_1213 = arith.index_cast %swap3A_1210 : i32 to index
        %swap3A_1214 = arith.constant 112 : index
        %swap3A_1215 = tpu.vector_load %arg7[%swap3A_1211, %swap3A_1212, %swap3A_1213, %swap3A_1214] {strides = array<i32>} : memref<4x32x2x128xf32, #tpu.memory_space<vmem>>, vector<1x1x1x16xf32>,
        %swap3A_1216 = vector.shape_cast %swap3A_1215 : vector<1x1x1x16xf32> to vector<16xf32>
        %swap3A_1217 = vector.shape_cast %add3A_1208 : vector<16xf32> to vector<1x1x1x16xf32>
        tpu.vector_store %arg7[%swap3A_1211, %swap3A_1212, %swap3A_1213, %swap3A_1214], %swap3A_1217 {strides = array<i32>} : memref<4x32x2x128xf32, #tpu.memory_space<vmem>>, vector<1x1x1x16xf32>,
      }
      %scan3A_354 = arith.constant 32 : i32
      %mul3A_355 = arith.constant 2 : i32
      %mul3A_356 = arith.muli %add3A_206, %mul3A_355 : i32
      %add3A_357 = arith.addi %mul3A_2, %mul3A_356 : i32
      %dma_start3A_358 = arith.constant 0 : i32
      %dma_start3A_359 = arith.constant 0 : i32
      %dma_start3A_360 = arith.constant 0 : i32
      %dma_start3A_361 = arith.constant 0 : i32
      %dma_start3A_362 = tpu.memref_slice %arg7[%dma_start3A_358, %dma_start3A_359, %dma_start3A_360, %dma_start3A_361] : memref<4x32x2x128xf32, #tpu.memory_space<vmem>> -> memref<1x32x2x128xf32, #tpu.memory_space<vmem>>
      %dma_start3A_363 = tpu.memref_squeeze %dma_start3A_362 : memref<1x32x2x128xf32, #tpu.memory_space<vmem>> -> memref<32x2x128xf32, #tpu.memory_space<vmem>>
      %dma_start3A_364 = arith.constant 0 : i32
      %dma_start3A_365 = arith.constant 0 : i32
      %dma_start3A_366 = tpu.memref_slice %arg4[%dma_start3A_364, %add3A_357, %dma_start3A_365] : memref<32x8192x128xf32, #tpu.memory_space<hbm>> -> memref<32x2x128xf32, #tpu.memory_space<hbm>>
      %dma_start3A_367 = arith.constant 0 : i32
      %dma_start3A_368 = arith.constant 0 : i32
      %dma_start3A_369 = tpu.memref_slice %arg4[%dma_start3A_367, %add3A_357, %dma_start3A_368] : memref<32x8192x128xf32, #tpu.memory_space<hbm>> -> memref<32x2x128xf32, #tpu.memory_space<hbm>>
      %dma_start3A_370 = arith.constant 0 : i32
      %dma_start3A_371 = arith.constant 0 : i32
      %dma_start3A_372 = arith.constant 0 : i32
      %dma_start3A_373 = tpu.memref_slice %arg7[%dma_start3A_358, %dma_start3A_370, %dma_start3A_371, %dma_start3A_372] : memref<4x32x2x128xf32, #tpu.memory_space<vmem>> -> memref<1x32x2x128xf32, #tpu.memory_space<vmem>>
      %dma_start3A_374 = tpu.memref_squeeze %dma_start3A_373 : memref<1x32x2x128xf32, #tpu.memory_space<vmem>> -> memref<32x2x128xf32, #tpu.memory_space<vmem>>
      tpu.enqueue_dma source(%dma_start3A_374 : memref<32x2x128xf32, #tpu.memory_space<vmem>>) target(%dma_start3A_369 : memref<32x2x128xf32, #tpu.memory_space<hbm>>) target_semaphore(%arg16 : memref<!tpu.dma_semaphore, #tpu.memory_space<semaphore_mem>>)
      %add3A_375 = arith.constant 1 : i32
      %add3A_376 = arith.addi %scan3A_202, %add3A_375 : i32
      %lt3A = arith.constant 32 : i32
      %lt3A_377 = arith.cmpi slt, %add3A_376, %lt3A : i32
      %convert_element_type3A_378 = arith.extui %lt3A_377 : i1 to i32
      %cond3A_379 = arith.constant 0 : i32
      %cond3A_380 = arith.cmpi ne, %convert_element_type3A_378, %cond3A_379 : i32
      scf.if %cond3A_380 {
        %add3A_930 = arith.constant 4 : i32
        %add3A_931 = arith.addi %add3A_206, %add3A_930 : i32
        %mul3A_932 = arith.constant 2 : i32
        %mul3A_933 = arith.muli %add3A_931, %mul3A_932 : i32
        %add3A_934 = arith.addi %mul3A_2, %mul3A_933 : i32
        %dma_start3A_935 = arith.constant 0 : i32
        %dma_start3A_936 = arith.constant 0 : i32
        %dma_start3A_937 = arith.constant 0 : i32
        %dma_start3A_938 = arith.constant 0 : i32
        %dma_start3A_939 = tpu.memref_slice %arg6[%dma_start3A_935, %dma_start3A_936, %dma_start3A_937, %dma_start3A_938] : memref<4x32x2x128xf32, #tpu.memory_space<vmem>> -> memref<1x32x2x128xf32, #tpu.memory_space<vmem>>
        %dma_start3A_940 = tpu.memref_squeeze %dma_start3A_939 : memref<1x32x2x128xf32, #tpu.memory_space<vmem>> -> memref<32x2x128xf32, #tpu.memory_space<vmem>>
        %dma_start3A_941 = arith.constant 0 : i32
        %dma_start3A_942 = arith.constant 0 : i32
        %dma_start3A_943 = tpu.memref_slice %arg2[%dma_start3A_941, %add3A_934, %dma_start3A_942] : memref<32x8192x128xf32, #tpu.memory_space<hbm>> -> memref<32x2x128xf32, #tpu.memory_space<hbm>>
        %dma_start3A_944 = arith.constant 0 : i32
        %dma_start3A_945 = arith.constant 0 : i32
        %dma_start3A_946 = arith.constant 0 : i32
        %dma_start3A_947 = tpu.memref_slice %arg6[%dma_start3A_935, %dma_start3A_944, %dma_start3A_945, %dma_start3A_946] : memref<4x32x2x128xf32, #tpu.memory_space<vmem>> -> memref<1x32x2x128xf32, #tpu.memory_space<vmem>>
        %dma_start3A_948 = tpu.memref_squeeze %dma_start3A_947 : memref<1x32x2x128xf32, #tpu.memory_space<vmem>> -> memref<32x2x128xf32, #tpu.memory_space<vmem>>
        %dma_start3A_949 = arith.constant 0 : i32
        %dma_start3A_950 = arith.constant 0 : i32
        %dma_start3A_951 = tpu.memref_slice %arg2[%dma_start3A_949, %add3A_934, %dma_start3A_950] : memref<32x8192x128xf32, #tpu.memory_space<hbm>> -> memref<32x2x128xf32, #tpu.memory_space<hbm>>
        tpu.enqueue_dma source(%dma_start3A_951 : memref<32x2x128xf32, #tpu.memory_space<hbm>>) target(%dma_start3A_948 : memref<32x2x128xf32, #tpu.memory_space<vmem>>) target_semaphore(%arg12 : memref<!tpu.dma_semaphore, #tpu.memory_space<semaphore_mem>>)
        %dma_start3A_952 = arith.constant 0 : i32
        %dma_start3A_953 = arith.constant 0 : i32
        %dma_start3A_954 = arith.constant 0 : i32
        %dma_start3A_955 = tpu.memref_slice %arg5[%dma_start3A_952, %dma_start3A_953, %dma_start3A_954] : memref<4x2x128xf32, #tpu.memory_space<vmem>> -> memref<1x2x128xf32, #tpu.memory_space<vmem>>
        %dma_start3A_956 = tpu.memref_squeeze %dma_start3A_955 : memref<1x2x128xf32, #tpu.memory_space<vmem>> -> memref<2x128xf32, #tpu.memory_space<vmem>>
        %dma_start3A_957 = arith.constant 0 : i32
        %dma_start3A_958 = tpu.memref_slice %arg3[%add3A_934, %dma_start3A_957] : memref<8192x128xf32, #tpu.memory_space<hbm>> -> memref<2x128xf32, #tpu.memory_space<hbm>>
        %dma_start3A_959 = arith.constant 0 : i32
        %dma_start3A_960 = arith.constant 0 : i32
        %dma_start3A_961 = tpu.memref_slice %arg5[%dma_start3A_952, %dma_start3A_959, %dma_start3A_960] : memref<4x2x128xf32, #tpu.memory_space<vmem>> -> memref<1x2x128xf32, #tpu.memory_space<vmem>>
        %dma_start3A_962 = tpu.memref_squeeze %dma_start3A_961 : memref<1x2x128xf32, #tpu.memory_space<vmem>> -> memref<2x128xf32, #tpu.memory_space<vmem>>
        %dma_start3A_963 = arith.constant 0 : i32
        %dma_start3A_964 = tpu.memref_slice %arg3[%add3A_934, %dma_start3A_963] : memref<8192x128xf32, #tpu.memory_space<hbm>> -> memref<2x128xf32, #tpu.memory_space<hbm>>
        tpu.enqueue_dma source(%dma_start3A_964 : memref<2x128xf32, #tpu.memory_space<hbm>>) target(%dma_start3A_962 : memref<2x128xf32, #tpu.memory_space<vmem>>) target_semaphore(%arg8 : memref<!tpu.dma_semaphore, #tpu.memory_space<semaphore_mem>>)
      } else {
      }
      %mul3A_381 = arith.constant 4 : i32
      %mul3A_382 = arith.muli %scan3A_202, %mul3A_381 : i32
      %add3A_383 = arith.constant 1 : i32
      %add3A_384 = arith.addi %mul3A_382, %add3A_383 : i32
      %dma_wait3A_385 = arith.constant 1 : i32
      %dma_wait3A_386 = arith.constant 0 : i32
      %dma_wait3A_387 = arith.constant 0 : i32
      %dma_wait3A_388 = arith.constant 0 : i32
      %dma_wait3A_389 = tpu.memref_slice %arg6[%dma_wait3A_385, %dma_wait3A_386, %dma_wait3A_387, %dma_wait3A_388] : memref<4x32x2x128xf32, #tpu.memory_space<vmem>> -> memref<1x32x2x128xf32, #tpu.memory_space<vmem>>
      %dma_wait3A_390 = tpu.memref_squeeze %dma_wait3A_389 : memref<1x32x2x128xf32, #tpu.memory_space<vmem>> -> memref<32x2x128xf32, #tpu.memory_space<vmem>>
      %dma_wait3A_391 = arith.constant 0 : i32
      %dma_wait3A_392 = arith.constant 0 : i32
      %dma_wait3A_393 = tpu.memref_slice %arg2[%dma_wait3A_391, %mul3A_2, %dma_wait3A_392] : memref<32x8192x128xf32, #tpu.memory_space<hbm>> -> memref<32x2x128xf32, #tpu.memory_space<hbm>>
      %dma_wait3A_394 = arith.constant 0 : i32
      %dma_wait3A_395 = arith.constant 0 : i32
      %dma_wait3A_396 = arith.constant 0 : i32
      %dma_wait3A_397 = tpu.memref_slice %arg6[%dma_wait3A_385, %dma_wait3A_394, %dma_wait3A_395, %dma_wait3A_396] : memref<4x32x2x128xf32, #tpu.memory_space<vmem>> -> memref<1x32x2x128xf32, #tpu.memory_space<vmem>>
      %dma_wait3A_398 = tpu.memref_squeeze %dma_wait3A_397 : memref<1x32x2x128xf32, #tpu.memory_space<vmem>> -> memref<32x2x128xf32, #tpu.memory_space<vmem>>
      %dma_wait3A_399 = arith.constant 0 : i32
      %dma_wait3A_400 = arith.constant 0 : i32
      %dma_wait3A_401 = tpu.memref_slice %arg2[%dma_wait3A_399, %mul3A_2, %dma_wait3A_400] : memref<32x8192x128xf32, #tpu.memory_space<hbm>> -> memref<32x2x128xf32, #tpu.memory_space<hbm>>
      tpu.wait_dma2 semaphore(%arg13 : memref<!tpu.dma_semaphore, #tpu.memory_space<semaphore_mem>>) src(%dma_wait3A_401 : memref<32x2x128xf32, #tpu.memory_space<hbm>>) dst(%dma_wait3A_398 : memref<32x2x128xf32, #tpu.memory_space<vmem>>)
      %dma_wait3A_402 = arith.constant 1 : i32
      %dma_wait3A_403 = arith.constant 0 : i32
      %dma_wait3A_404 = arith.constant 0 : i32
      %dma_wait3A_405 = tpu.memref_slice %arg5[%dma_wait3A_402, %dma_wait3A_403, %dma_wait3A_404] : memref<4x2x128xf32, #tpu.memory_space<vmem>> -> memref<1x2x128xf32, #tpu.memory_space<vmem>>
      %dma_wait3A_406 = tpu.memref_squeeze %dma_wait3A_405 : memref<1x2x128xf32, #tpu.memory_space<vmem>> -> memref<2x128xf32, #tpu.memory_space<vmem>>
      %dma_wait3A_407 = arith.constant 0 : i32
      %dma_wait3A_408 = tpu.memref_slice %arg3[%mul3A_2, %dma_wait3A_407] : memref<8192x128xf32, #tpu.memory_space<hbm>> -> memref<2x128xf32, #tpu.memory_space<hbm>>
      %dma_wait3A_409 = arith.constant 0 : i32
      %dma_wait3A_410 = arith.constant 0 : i32
      %dma_wait3A_411 = tpu.memref_slice %arg5[%dma_wait3A_402, %dma_wait3A_409, %dma_wait3A_410] : memref<4x2x128xf32, #tpu.memory_space<vmem>> -> memref<1x2x128xf32, #tpu.memory_space<vmem>>
      %dma_wait3A_412 = tpu.memref_squeeze %dma_wait3A_411 : memref<1x2x128xf32, #tpu.memory_space<vmem>> -> memref<2x128xf32, #tpu.memory_space<vmem>>
      %dma_wait3A_413 = arith.constant 0 : i32
      %dma_wait3A_414 = tpu.memref_slice %arg3[%mul3A_2, %dma_wait3A_413] : memref<8192x128xf32, #tpu.memory_space<hbm>> -> memref<2x128xf32, #tpu.memory_space<hbm>>
      tpu.wait_dma2 semaphore(%arg9 : memref<!tpu.dma_semaphore, #tpu.memory_space<semaphore_mem>>) src(%dma_wait3A_414 : memref<2x128xf32, #tpu.memory_space<hbm>>) dst(%dma_wait3A_412 : memref<2x128xf32, #tpu.memory_space<vmem>>)
      %ge3A_415 = arith.constant 1 : i32
      %ge3A_416 = arith.cmpi sge, %scan3A_202, %ge3A_415 : i32
      %convert_element_type3A_417 = arith.extui %ge3A_416 : i1 to i32
      %cond3A_418 = arith.constant 0 : i32
      %cond3A_419 = arith.cmpi ne, %convert_element_type3A_417, %cond3A_418 : i32
      scf.if %cond3A_419 {
        %dma_wait3A_930 = arith.constant 1 : i32
        %dma_wait3A_931 = arith.constant 0 : i32
        %dma_wait3A_932 = arith.constant 0 : i32
        %dma_wait3A_933 = arith.constant 0 : i32
        %dma_wait3A_934 = tpu.memref_slice %arg7[%dma_wait3A_930, %dma_wait3A_931, %dma_wait3A_932, %dma_wait3A_933] : memref<4x32x2x128xf32, #tpu.memory_space<vmem>> -> memref<1x32x2x128xf32, #tpu.memory_space<vmem>>
        %dma_wait3A_935 = tpu.memref_squeeze %dma_wait3A_934 : memref<1x32x2x128xf32, #tpu.memory_space<vmem>> -> memref<32x2x128xf32, #tpu.memory_space<vmem>>
        %dma_wait3A_936 = arith.constant 0 : i32
        %dma_wait3A_937 = arith.constant 0 : i32
        %dma_wait3A_938 = tpu.memref_slice %arg4[%dma_wait3A_936, %mul3A_2, %dma_wait3A_937] : memref<32x8192x128xf32, #tpu.memory_space<hbm>> -> memref<32x2x128xf32, #tpu.memory_space<hbm>>
        %dma_wait3A_939 = arith.constant 0 : i32
        %dma_wait3A_940 = arith.constant 0 : i32
        %dma_wait3A_941 = tpu.memref_slice %arg4[%dma_wait3A_939, %mul3A_2, %dma_wait3A_940] : memref<32x8192x128xf32, #tpu.memory_space<hbm>> -> memref<32x2x128xf32, #tpu.memory_space<hbm>>
        %dma_wait3A_942 = arith.constant 0 : i32
        %dma_wait3A_943 = arith.constant 0 : i32
        %dma_wait3A_944 = arith.constant 0 : i32
        %dma_wait3A_945 = tpu.memref_slice %arg7[%dma_wait3A_930, %dma_wait3A_942, %dma_wait3A_943, %dma_wait3A_944] : memref<4x32x2x128xf32, #tpu.memory_space<vmem>> -> memref<1x32x2x128xf32, #tpu.memory_space<vmem>>
        %dma_wait3A_946 = tpu.memref_squeeze %dma_wait3A_945 : memref<1x32x2x128xf32, #tpu.memory_space<vmem>> -> memref<32x2x128xf32, #tpu.memory_space<vmem>>
        tpu.wait_dma2 semaphore(%arg17 : memref<!tpu.dma_semaphore, #tpu.memory_space<semaphore_mem>>) src(%dma_wait3A_946 : memref<32x2x128xf32, #tpu.memory_space<vmem>>) dst(%dma_wait3A_941 : memref<32x2x128xf32, #tpu.memory_space<hbm>>)
      } else {
      }
      %get3A_420 = arith.constant 1 : i32
      %get3A_421 = arith.constant 0 : i32
      %get3A_422 = arith.index_cast %get3A_420 : i32 to index
      %get3A_423 = arith.index_cast %get3A_421 : i32 to index
      %get3A_424 = arith.constant 0 : index
      %get3A_425 = tpu.vector_load %arg5[%get3A_422, %get3A_423, %get3A_424] {strides = array<i32>} : memref<4x2x128xf32, #tpu.memory_space<vmem>>, vector<1x1x16xf32>,
      %get3A_426 = vector.shape_cast %get3A_425 : vector<1x1x16xf32> to vector<16xf32>
      %get3A_427 = arith.constant 1 : i32
      %get3A_428 = arith.constant 0 : i32
      %get3A_429 = arith.index_cast %get3A_427 : i32 to index
      %get3A_430 = arith.index_cast %get3A_428 : i32 to index
      %get3A_431 = arith.constant 16 : index
      %get3A_432 = tpu.vector_load %arg5[%get3A_429, %get3A_430, %get3A_431] {strides = array<i32>} : memref<4x2x128xf32, #tpu.memory_space<vmem>>, vector<1x1x16xf32>,
      %get3A_433 = vector.shape_cast %get3A_432 : vector<1x1x16xf32> to vector<16xf32>
      %get3A_434 = arith.constant 1 : i32
      %get3A_435 = arith.constant 0 : i32
      %get3A_436 = arith.index_cast %get3A_434 : i32 to index
      %get3A_437 = arith.index_cast %get3A_435 : i32 to index
      %get3A_438 = arith.constant 32 : index
      %get3A_439 = tpu.vector_load %arg5[%get3A_436, %get3A_437, %get3A_438] {strides = array<i32>} : memref<4x2x128xf32, #tpu.memory_space<vmem>>, vector<1x1x16xf32>,
      %get3A_440 = vector.shape_cast %get3A_439 : vector<1x1x16xf32> to vector<16xf32>
      %get3A_441 = arith.constant 1 : i32
      %get3A_442 = arith.constant 0 : i32
      %get3A_443 = arith.index_cast %get3A_441 : i32 to index
      %get3A_444 = arith.index_cast %get3A_442 : i32 to index
      %get3A_445 = arith.constant 48 : index
      %get3A_446 = tpu.vector_load %arg5[%get3A_443, %get3A_444, %get3A_445] {strides = array<i32>} : memref<4x2x128xf32, #tpu.memory_space<vmem>>, vector<1x1x16xf32>,
      %get3A_447 = vector.shape_cast %get3A_446 : vector<1x1x16xf32> to vector<16xf32>
      %get3A_448 = arith.constant 1 : i32
      %get3A_449 = arith.constant 0 : i32
      %get3A_450 = arith.index_cast %get3A_448 : i32 to index
      %get3A_451 = arith.index_cast %get3A_449 : i32 to index
      %get3A_452 = arith.constant 64 : index
      %get3A_453 = tpu.vector_load %arg5[%get3A_450, %get3A_451, %get3A_452] {strides = array<i32>} : memref<4x2x128xf32, #tpu.memory_space<vmem>>, vector<1x1x16xf32>,
      %get3A_454 = vector.shape_cast %get3A_453 : vector<1x1x16xf32> to vector<16xf32>
      %get3A_455 = arith.constant 1 : i32
      %get3A_456 = arith.constant 0 : i32
      %get3A_457 = arith.index_cast %get3A_455 : i32 to index
      %get3A_458 = arith.index_cast %get3A_456 : i32 to index
      %get3A_459 = arith.constant 80 : index
      %get3A_460 = tpu.vector_load %arg5[%get3A_457, %get3A_458, %get3A_459] {strides = array<i32>} : memref<4x2x128xf32, #tpu.memory_space<vmem>>, vector<1x1x16xf32>,
      %get3A_461 = vector.shape_cast %get3A_460 : vector<1x1x16xf32> to vector<16xf32>
      %get3A_462 = arith.constant 1 : i32
      %get3A_463 = arith.constant 0 : i32
      %get3A_464 = arith.index_cast %get3A_462 : i32 to index
      %get3A_465 = arith.index_cast %get3A_463 : i32 to index
      %get3A_466 = arith.constant 96 : index
      %get3A_467 = tpu.vector_load %arg5[%get3A_464, %get3A_465, %get3A_466] {strides = array<i32>} : memref<4x2x128xf32, #tpu.memory_space<vmem>>, vector<1x1x16xf32>,
      %get3A_468 = vector.shape_cast %get3A_467 : vector<1x1x16xf32> to vector<16xf32>
      %get3A_469 = arith.constant 1 : i32
      %get3A_470 = arith.constant 0 : i32
      %get3A_471 = arith.index_cast %get3A_469 : i32 to index
      %get3A_472 = arith.index_cast %get3A_470 : i32 to index
      %get3A_473 = arith.constant 112 : index
      %get3A_474 = tpu.vector_load %arg5[%get3A_471, %get3A_472, %get3A_473] {strides = array<i32>} : memref<4x2x128xf32, #tpu.memory_space<vmem>>, vector<1x1x16xf32>,
      %get3A_475 = vector.shape_cast %get3A_474 : vector<1x1x16xf32> to vector<16xf32>
      %get3A_476 = arith.constant 1 : i32
      %get3A_477 = arith.constant 1 : i32
      %get3A_478 = arith.index_cast %get3A_476 : i32 to index
      %get3A_479 = arith.index_cast %get3A_477 : i32 to index
      %get3A_480 = arith.constant 0 : index
      %get3A_481 = tpu.vector_load %arg5[%get3A_478, %get3A_479, %get3A_480] {strides = array<i32>} : memref<4x2x128xf32, #tpu.memory_space<vmem>>, vector<1x1x16xf32>,
      %get3A_482 = vector.shape_cast %get3A_481 : vector<1x1x16xf32> to vector<16xf32>
      %get3A_483 = arith.constant 1 : i32
      %get3A_484 = arith.constant 1 : i32
      %get3A_485 = arith.index_cast %get3A_483 : i32 to index
      %get3A_486 = arith.index_cast %get3A_484 : i32 to index
      %get3A_487 = arith.constant 16 : index
      %get3A_488 = tpu.vector_load %arg5[%get3A_485, %get3A_486, %get3A_487] {strides = array<i32>} : memref<4x2x128xf32, #tpu.memory_space<vmem>>, vector<1x1x16xf32>,
      %get3A_489 = vector.shape_cast %get3A_488 : vector<1x1x16xf32> to vector<16xf32>
      %get3A_490 = arith.constant 1 : i32
      %get3A_491 = arith.constant 1 : i32
      %get3A_492 = arith.index_cast %get3A_490 : i32 to index
      %get3A_493 = arith.index_cast %get3A_491 : i32 to index
      %get3A_494 = arith.constant 32 : index
      %get3A_495 = tpu.vector_load %arg5[%get3A_492, %get3A_493, %get3A_494] {strides = array<i32>} : memref<4x2x128xf32, #tpu.memory_space<vmem>>, vector<1x1x16xf32>,
      %get3A_496 = vector.shape_cast %get3A_495 : vector<1x1x16xf32> to vector<16xf32>
      %get3A_497 = arith.constant 1 : i32
      %get3A_498 = arith.constant 1 : i32
      %get3A_499 = arith.index_cast %get3A_497 : i32 to index
      %get3A_500 = arith.index_cast %get3A_498 : i32 to index
      %get3A_501 = arith.constant 48 : index
      %get3A_502 = tpu.vector_load %arg5[%get3A_499, %get3A_500, %get3A_501] {strides = array<i32>} : memref<4x2x128xf32, #tpu.memory_space<vmem>>, vector<1x1x16xf32>,
      %get3A_503 = vector.shape_cast %get3A_502 : vector<1x1x16xf32> to vector<16xf32>
      %get3A_504 = arith.constant 1 : i32
      %get3A_505 = arith.constant 1 : i32
      %get3A_506 = arith.index_cast %get3A_504 : i32 to index
      %get3A_507 = arith.index_cast %get3A_505 : i32 to index
      %get3A_508 = arith.constant 64 : index
      %get3A_509 = tpu.vector_load %arg5[%get3A_506, %get3A_507, %get3A_508] {strides = array<i32>} : memref<4x2x128xf32, #tpu.memory_space<vmem>>, vector<1x1x16xf32>,
      %get3A_510 = vector.shape_cast %get3A_509 : vector<1x1x16xf32> to vector<16xf32>
      %get3A_511 = arith.constant 1 : i32
      %get3A_512 = arith.constant 1 : i32
      %get3A_513 = arith.index_cast %get3A_511 : i32 to index
      %get3A_514 = arith.index_cast %get3A_512 : i32 to index
      %get3A_515 = arith.constant 80 : index
      %get3A_516 = tpu.vector_load %arg5[%get3A_513, %get3A_514, %get3A_515] {strides = array<i32>} : memref<4x2x128xf32, #tpu.memory_space<vmem>>, vector<1x1x16xf32>,
      %get3A_517 = vector.shape_cast %get3A_516 : vector<1x1x16xf32> to vector<16xf32>
      %get3A_518 = arith.constant 1 : i32
      %get3A_519 = arith.constant 1 : i32
      %get3A_520 = arith.index_cast %get3A_518 : i32 to index
      %get3A_521 = arith.index_cast %get3A_519 : i32 to index
      %get3A_522 = arith.constant 96 : index
      %get3A_523 = tpu.vector_load %arg5[%get3A_520, %get3A_521, %get3A_522] {strides = array<i32>} : memref<4x2x128xf32, #tpu.memory_space<vmem>>, vector<1x1x16xf32>,
      %get3A_524 = vector.shape_cast %get3A_523 : vector<1x1x16xf32> to vector<16xf32>
      %get3A_525 = arith.constant 1 : i32
      %get3A_526 = arith.constant 1 : i32
      %get3A_527 = arith.index_cast %get3A_525 : i32 to index
      %get3A_528 = arith.index_cast %get3A_526 : i32 to index
      %get3A_529 = arith.constant 112 : index
      %get3A_530 = tpu.vector_load %arg5[%get3A_527, %get3A_528, %get3A_529] {strides = array<i32>} : memref<4x2x128xf32, #tpu.memory_space<vmem>>, vector<1x1x16xf32>,
      %get3A_531 = vector.shape_cast %get3A_530 : vector<1x1x16xf32> to vector<16xf32>
      %scan3A_532 = arith.constant 0 : i32
      %scan3A_533 = arith.constant 32 : i32
      %scan3A_534 = arith.addi %scan3A_532, %scan3A_533 : i32
      %scan3A_535 = arith.constant 1 : i32
      scf.for %scan3A_930 = %scan3A_532 to %scan3A_534 step %scan3A_535  : i32 {
        %get3A_931 = arith.constant 1 : i32
        %get3A_932 = arith.constant 0 : i32
        %get3A_933 = arith.index_cast %get3A_931 : i32 to index
        %get3A_934 = arith.index_cast %scan3A_930 : i32 to index
        %get3A_935 = arith.index_cast %get3A_932 : i32 to index
        %get3A_936 = arith.constant 0 : index
        %get3A_937 = tpu.vector_load %arg6[%get3A_933, %get3A_934, %get3A_935, %get3A_936] {strides = array<i32>} : memref<4x32x2x128xf32, #tpu.memory_space<vmem>>, vector<1x1x1x16xf32>,
        %get3A_938 = vector.shape_cast %get3A_937 : vector<1x1x1x16xf32> to vector<16xf32>
        %add3A_939 = arith.addf %get3A_938, %get3A_426 : vector<16xf32>
        %swap3A = arith.constant 1 : i32
        %swap3A_940 = arith.constant 0 : i32
        %swap3A_941 = arith.index_cast %swap3A : i32 to index
        %swap3A_942 = arith.index_cast %scan3A_930 : i32 to index
        %swap3A_943 = arith.index_cast %swap3A_940 : i32 to index
        %swap3A_944 = arith.constant 0 : index
        %swap3A_945 = tpu.vector_load %arg7[%swap3A_941, %swap3A_942, %swap3A_943, %swap3A_944] {strides = array<i32>} : memref<4x32x2x128xf32, #tpu.memory_space<vmem>>, vector<1x1x1x16xf32>,
        %swap3A_946 = vector.shape_cast %swap3A_945 : vector<1x1x1x16xf32> to vector<16xf32>
        %swap3A_947 = vector.shape_cast %add3A_939 : vector<16xf32> to vector<1x1x1x16xf32>
        tpu.vector_store %arg7[%swap3A_941, %swap3A_942, %swap3A_943, %swap3A_944], %swap3A_947 {strides = array<i32>} : memref<4x32x2x128xf32, #tpu.memory_space<vmem>>, vector<1x1x1x16xf32>,
        %get3A_948 = arith.constant 1 : i32
        %get3A_949 = arith.constant 0 : i32
        %get3A_950 = arith.index_cast %get3A_948 : i32 to index
        %get3A_951 = arith.index_cast %scan3A_930 : i32 to index
        %get3A_952 = arith.index_cast %get3A_949 : i32 to index
        %get3A_953 = arith.constant 16 : index
        %get3A_954 = tpu.vector_load %arg6[%get3A_950, %get3A_951, %get3A_952, %get3A_953] {strides = array<i32>} : memref<4x32x2x128xf32, #tpu.memory_space<vmem>>, vector<1x1x1x16xf32>,
        %get3A_955 = vector.shape_cast %get3A_954 : vector<1x1x1x16xf32> to vector<16xf32>
        %add3A_956 = arith.addf %get3A_955, %get3A_433 : vector<16xf32>
        %swap3A_957 = arith.constant 1 : i32
        %swap3A_958 = arith.constant 0 : i32
        %swap3A_959 = arith.index_cast %swap3A_957 : i32 to index
        %swap3A_960 = arith.index_cast %scan3A_930 : i32 to index
        %swap3A_961 = arith.index_cast %swap3A_958 : i32 to index
        %swap3A_962 = arith.constant 16 : index
        %swap3A_963 = tpu.vector_load %arg7[%swap3A_959, %swap3A_960, %swap3A_961, %swap3A_962] {strides = array<i32>} : memref<4x32x2x128xf32, #tpu.memory_space<vmem>>, vector<1x1x1x16xf32>,
        %swap3A_964 = vector.shape_cast %swap3A_963 : vector<1x1x1x16xf32> to vector<16xf32>
        %swap3A_965 = vector.shape_cast %add3A_956 : vector<16xf32> to vector<1x1x1x16xf32>
        tpu.vector_store %arg7[%swap3A_959, %swap3A_960, %swap3A_961, %swap3A_962], %swap3A_965 {strides = array<i32>} : memref<4x32x2x128xf32, #tpu.memory_space<vmem>>, vector<1x1x1x16xf32>,
        %get3A_966 = arith.constant 1 : i32
        %get3A_967 = arith.constant 0 : i32
        %get3A_968 = arith.index_cast %get3A_966 : i32 to index
        %get3A_969 = arith.index_cast %scan3A_930 : i32 to index
        %get3A_970 = arith.index_cast %get3A_967 : i32 to index
        %get3A_971 = arith.constant 32 : index
        %get3A_972 = tpu.vector_load %arg6[%get3A_968, %get3A_969, %get3A_970, %get3A_971] {strides = array<i32>} : memref<4x32x2x128xf32, #tpu.memory_space<vmem>>, vector<1x1x1x16xf32>,
        %get3A_973 = vector.shape_cast %get3A_972 : vector<1x1x1x16xf32> to vector<16xf32>
        %add3A_974 = arith.addf %get3A_973, %get3A_440 : vector<16xf32>
        %swap3A_975 = arith.constant 1 : i32
        %swap3A_976 = arith.constant 0 : i32
        %swap3A_977 = arith.index_cast %swap3A_975 : i32 to index
        %swap3A_978 = arith.index_cast %scan3A_930 : i32 to index
        %swap3A_979 = arith.index_cast %swap3A_976 : i32 to index
        %swap3A_980 = arith.constant 32 : index
        %swap3A_981 = tpu.vector_load %arg7[%swap3A_977, %swap3A_978, %swap3A_979, %swap3A_980] {strides = array<i32>} : memref<4x32x2x128xf32, #tpu.memory_space<vmem>>, vector<1x1x1x16xf32>,
        %swap3A_982 = vector.shape_cast %swap3A_981 : vector<1x1x1x16xf32> to vector<16xf32>
        %swap3A_983 = vector.shape_cast %add3A_974 : vector<16xf32> to vector<1x1x1x16xf32>
        tpu.vector_store %arg7[%swap3A_977, %swap3A_978, %swap3A_979, %swap3A_980], %swap3A_983 {strides = array<i32>} : memref<4x32x2x128xf32, #tpu.memory_space<vmem>>, vector<1x1x1x16xf32>,
        %get3A_984 = arith.constant 1 : i32
        %get3A_985 = arith.constant 0 : i32
        %get3A_986 = arith.index_cast %get3A_984 : i32 to index
        %get3A_987 = arith.index_cast %scan3A_930 : i32 to index
        %get3A_988 = arith.index_cast %get3A_985 : i32 to index
        %get3A_989 = arith.constant 48 : index
        %get3A_990 = tpu.vector_load %arg6[%get3A_986, %get3A_987, %get3A_988, %get3A_989] {strides = array<i32>} : memref<4x32x2x128xf32, #tpu.memory_space<vmem>>, vector<1x1x1x16xf32>,
        %get3A_991 = vector.shape_cast %get3A_990 : vector<1x1x1x16xf32> to vector<16xf32>
        %add3A_992 = arith.addf %get3A_991, %get3A_447 : vector<16xf32>
        %swap3A_993 = arith.constant 1 : i32
        %swap3A_994 = arith.constant 0 : i32
        %swap3A_995 = arith.index_cast %swap3A_993 : i32 to index
        %swap3A_996 = arith.index_cast %scan3A_930 : i32 to index
        %swap3A_997 = arith.index_cast %swap3A_994 : i32 to index
        %swap3A_998 = arith.constant 48 : index
        %swap3A_999 = tpu.vector_load %arg7[%swap3A_995, %swap3A_996, %swap3A_997, %swap3A_998] {strides = array<i32>} : memref<4x32x2x128xf32, #tpu.memory_space<vmem>>, vector<1x1x1x16xf32>,
        %swap3A_1000 = vector.shape_cast %swap3A_999 : vector<1x1x1x16xf32> to vector<16xf32>
        %swap3A_1001 = vector.shape_cast %add3A_992 : vector<16xf32> to vector<1x1x1x16xf32>
        tpu.vector_store %arg7[%swap3A_995, %swap3A_996, %swap3A_997, %swap3A_998], %swap3A_1001 {strides = array<i32>} : memref<4x32x2x128xf32, #tpu.memory_space<vmem>>, vector<1x1x1x16xf32>,
        %get3A_1002 = arith.constant 1 : i32
        %get3A_1003 = arith.constant 0 : i32
        %get3A_1004 = arith.index_cast %get3A_1002 : i32 to index
        %get3A_1005 = arith.index_cast %scan3A_930 : i32 to index
        %get3A_1006 = arith.index_cast %get3A_1003 : i32 to index
        %get3A_1007 = arith.constant 64 : index
        %get3A_1008 = tpu.vector_load %arg6[%get3A_1004, %get3A_1005, %get3A_1006, %get3A_1007] {strides = array<i32>} : memref<4x32x2x128xf32, #tpu.memory_space<vmem>>, vector<1x1x1x16xf32>,
        %get3A_1009 = vector.shape_cast %get3A_1008 : vector<1x1x1x16xf32> to vector<16xf32>
        %add3A_1010 = arith.addf %get3A_1009, %get3A_454 : vector<16xf32>
        %swap3A_1011 = arith.constant 1 : i32
        %swap3A_1012 = arith.constant 0 : i32
        %swap3A_1013 = arith.index_cast %swap3A_1011 : i32 to index
        %swap3A_1014 = arith.index_cast %scan3A_930 : i32 to index
        %swap3A_1015 = arith.index_cast %swap3A_1012 : i32 to index
        %swap3A_1016 = arith.constant 64 : index
        %swap3A_1017 = tpu.vector_load %arg7[%swap3A_1013, %swap3A_1014, %swap3A_1015, %swap3A_1016] {strides = array<i32>} : memref<4x32x2x128xf32, #tpu.memory_space<vmem>>, vector<1x1x1x16xf32>,
        %swap3A_1018 = vector.shape_cast %swap3A_1017 : vector<1x1x1x16xf32> to vector<16xf32>
        %swap3A_1019 = vector.shape_cast %add3A_1010 : vector<16xf32> to vector<1x1x1x16xf32>
        tpu.vector_store %arg7[%swap3A_1013, %swap3A_1014, %swap3A_1015, %swap3A_1016], %swap3A_1019 {strides = array<i32>} : memref<4x32x2x128xf32, #tpu.memory_space<vmem>>, vector<1x1x1x16xf32>,
        %get3A_1020 = arith.constant 1 : i32
        %get3A_1021 = arith.constant 0 : i32
        %get3A_1022 = arith.index_cast %get3A_1020 : i32 to index
        %get3A_1023 = arith.index_cast %scan3A_930 : i32 to index
        %get3A_1024 = arith.index_cast %get3A_1021 : i32 to index
        %get3A_1025 = arith.constant 80 : index
        %get3A_1026 = tpu.vector_load %arg6[%get3A_1022, %get3A_1023, %get3A_1024, %get3A_1025] {strides = array<i32>} : memref<4x32x2x128xf32, #tpu.memory_space<vmem>>, vector<1x1x1x16xf32>,
        %get3A_1027 = vector.shape_cast %get3A_1026 : vector<1x1x1x16xf32> to vector<16xf32>
        %add3A_1028 = arith.addf %get3A_1027, %get3A_461 : vector<16xf32>
        %swap3A_1029 = arith.constant 1 : i32
        %swap3A_1030 = arith.constant 0 : i32
        %swap3A_1031 = arith.index_cast %swap3A_1029 : i32 to index
        %swap3A_1032 = arith.index_cast %scan3A_930 : i32 to index
        %swap3A_1033 = arith.index_cast %swap3A_1030 : i32 to index
        %swap3A_1034 = arith.constant 80 : index
        %swap3A_1035 = tpu.vector_load %arg7[%swap3A_1031, %swap3A_1032, %swap3A_1033, %swap3A_1034] {strides = array<i32>} : memref<4x32x2x128xf32, #tpu.memory_space<vmem>>, vector<1x1x1x16xf32>,
        %swap3A_1036 = vector.shape_cast %swap3A_1035 : vector<1x1x1x16xf32> to vector<16xf32>
        %swap3A_1037 = vector.shape_cast %add3A_1028 : vector<16xf32> to vector<1x1x1x16xf32>
        tpu.vector_store %arg7[%swap3A_1031, %swap3A_1032, %swap3A_1033, %swap3A_1034], %swap3A_1037 {strides = array<i32>} : memref<4x32x2x128xf32, #tpu.memory_space<vmem>>, vector<1x1x1x16xf32>,
        %get3A_1038 = arith.constant 1 : i32
        %get3A_1039 = arith.constant 0 : i32
        %get3A_1040 = arith.index_cast %get3A_1038 : i32 to index
        %get3A_1041 = arith.index_cast %scan3A_930 : i32 to index
        %get3A_1042 = arith.index_cast %get3A_1039 : i32 to index
        %get3A_1043 = arith.constant 96 : index
        %get3A_1044 = tpu.vector_load %arg6[%get3A_1040, %get3A_1041, %get3A_1042, %get3A_1043] {strides = array<i32>} : memref<4x32x2x128xf32, #tpu.memory_space<vmem>>, vector<1x1x1x16xf32>,
        %get3A_1045 = vector.shape_cast %get3A_1044 : vector<1x1x1x16xf32> to vector<16xf32>
        %add3A_1046 = arith.addf %get3A_1045, %get3A_468 : vector<16xf32>
        %swap3A_1047 = arith.constant 1 : i32
        %swap3A_1048 = arith.constant 0 : i32
        %swap3A_1049 = arith.index_cast %swap3A_1047 : i32 to index
        %swap3A_1050 = arith.index_cast %scan3A_930 : i32 to index
        %swap3A_1051 = arith.index_cast %swap3A_1048 : i32 to index
        %swap3A_1052 = arith.constant 96 : index
        %swap3A_1053 = tpu.vector_load %arg7[%swap3A_1049, %swap3A_1050, %swap3A_1051, %swap3A_1052] {strides = array<i32>} : memref<4x32x2x128xf32, #tpu.memory_space<vmem>>, vector<1x1x1x16xf32>,
        %swap3A_1054 = vector.shape_cast %swap3A_1053 : vector<1x1x1x16xf32> to vector<16xf32>
        %swap3A_1055 = vector.shape_cast %add3A_1046 : vector<16xf32> to vector<1x1x1x16xf32>
        tpu.vector_store %arg7[%swap3A_1049, %swap3A_1050, %swap3A_1051, %swap3A_1052], %swap3A_1055 {strides = array<i32>} : memref<4x32x2x128xf32, #tpu.memory_space<vmem>>, vector<1x1x1x16xf32>,
        %get3A_1056 = arith.constant 1 : i32
        %get3A_1057 = arith.constant 0 : i32
        %get3A_1058 = arith.index_cast %get3A_1056 : i32 to index
        %get3A_1059 = arith.index_cast %scan3A_930 : i32 to index
        %get3A_1060 = arith.index_cast %get3A_1057 : i32 to index
        %get3A_1061 = arith.constant 112 : index
        %get3A_1062 = tpu.vector_load %arg6[%get3A_1058, %get3A_1059, %get3A_1060, %get3A_1061] {strides = array<i32>} : memref<4x32x2x128xf32, #tpu.memory_space<vmem>>, vector<1x1x1x16xf32>,
        %get3A_1063 = vector.shape_cast %get3A_1062 : vector<1x1x1x16xf32> to vector<16xf32>
        %add3A_1064 = arith.addf %get3A_1063, %get3A_475 : vector<16xf32>
        %swap3A_1065 = arith.constant 1 : i32
        %swap3A_1066 = arith.constant 0 : i32
        %swap3A_1067 = arith.index_cast %swap3A_1065 : i32 to index
        %swap3A_1068 = arith.index_cast %scan3A_930 : i32 to index
        %swap3A_1069 = arith.index_cast %swap3A_1066 : i32 to index
        %swap3A_1070 = arith.constant 112 : index
        %swap3A_1071 = tpu.vector_load %arg7[%swap3A_1067, %swap3A_1068, %swap3A_1069, %swap3A_1070] {strides = array<i32>} : memref<4x32x2x128xf32, #tpu.memory_space<vmem>>, vector<1x1x1x16xf32>,
        %swap3A_1072 = vector.shape_cast %swap3A_1071 : vector<1x1x1x16xf32> to vector<16xf32>
        %swap3A_1073 = vector.shape_cast %add3A_1064 : vector<16xf32> to vector<1x1x1x16xf32>
        tpu.vector_store %arg7[%swap3A_1067, %swap3A_1068, %swap3A_1069, %swap3A_1070], %swap3A_1073 {strides = array<i32>} : memref<4x32x2x128xf32, #tpu.memory_space<vmem>>, vector<1x1x1x16xf32>,
        %get3A_1074 = arith.constant 1 : i32
        %get3A_1075 = arith.constant 1 : i32
        %get3A_1076 = arith.index_cast %get3A_1074 : i32 to index
        %get3A_1077 = arith.index_cast %scan3A_930 : i32 to index
        %get3A_1078 = arith.index_cast %get3A_1075 : i32 to index
        %get3A_1079 = arith.constant 0 : index
        %get3A_1080 = tpu.vector_load %arg6[%get3A_1076, %get3A_1077, %get3A_1078, %get3A_1079] {strides = array<i32>} : memref<4x32x2x128xf32, #tpu.memory_space<vmem>>, vector<1x1x1x16xf32>,
        %get3A_1081 = vector.shape_cast %get3A_1080 : vector<1x1x1x16xf32> to vector<16xf32>
        %add3A_1082 = arith.addf %get3A_1081, %get3A_482 : vector<16xf32>
        %swap3A_1083 = arith.constant 1 : i32
        %swap3A_1084 = arith.constant 1 : i32
        %swap3A_1085 = arith.index_cast %swap3A_1083 : i32 to index
        %swap3A_1086 = arith.index_cast %scan3A_930 : i32 to index
        %swap3A_1087 = arith.index_cast %swap3A_1084 : i32 to index
        %swap3A_1088 = arith.constant 0 : index
        %swap3A_1089 = tpu.vector_load %arg7[%swap3A_1085, %swap3A_1086, %swap3A_1087, %swap3A_1088] {strides = array<i32>} : memref<4x32x2x128xf32, #tpu.memory_space<vmem>>, vector<1x1x1x16xf32>,
        %swap3A_1090 = vector.shape_cast %swap3A_1089 : vector<1x1x1x16xf32> to vector<16xf32>
        %swap3A_1091 = vector.shape_cast %add3A_1082 : vector<16xf32> to vector<1x1x1x16xf32>
        tpu.vector_store %arg7[%swap3A_1085, %swap3A_1086, %swap3A_1087, %swap3A_1088], %swap3A_1091 {strides = array<i32>} : memref<4x32x2x128xf32, #tpu.memory_space<vmem>>, vector<1x1x1x16xf32>,
        %get3A_1092 = arith.constant 1 : i32
        %get3A_1093 = arith.constant 1 : i32
        %get3A_1094 = arith.index_cast %get3A_1092 : i32 to index
        %get3A_1095 = arith.index_cast %scan3A_930 : i32 to index
        %get3A_1096 = arith.index_cast %get3A_1093 : i32 to index
        %get3A_1097 = arith.constant 16 : index
        %get3A_1098 = tpu.vector_load %arg6[%get3A_1094, %get3A_1095, %get3A_1096, %get3A_1097] {strides = array<i32>} : memref<4x32x2x128xf32, #tpu.memory_space<vmem>>, vector<1x1x1x16xf32>,
        %get3A_1099 = vector.shape_cast %get3A_1098 : vector<1x1x1x16xf32> to vector<16xf32>
        %add3A_1100 = arith.addf %get3A_1099, %get3A_489 : vector<16xf32>
        %swap3A_1101 = arith.constant 1 : i32
        %swap3A_1102 = arith.constant 1 : i32
        %swap3A_1103 = arith.index_cast %swap3A_1101 : i32 to index
        %swap3A_1104 = arith.index_cast %scan3A_930 : i32 to index
        %swap3A_1105 = arith.index_cast %swap3A_1102 : i32 to index
        %swap3A_1106 = arith.constant 16 : index
        %swap3A_1107 = tpu.vector_load %arg7[%swap3A_1103, %swap3A_1104, %swap3A_1105, %swap3A_1106] {strides = array<i32>} : memref<4x32x2x128xf32, #tpu.memory_space<vmem>>, vector<1x1x1x16xf32>,
        %swap3A_1108 = vector.shape_cast %swap3A_1107 : vector<1x1x1x16xf32> to vector<16xf32>
        %swap3A_1109 = vector.shape_cast %add3A_1100 : vector<16xf32> to vector<1x1x1x16xf32>
        tpu.vector_store %arg7[%swap3A_1103, %swap3A_1104, %swap3A_1105, %swap3A_1106], %swap3A_1109 {strides = array<i32>} : memref<4x32x2x128xf32, #tpu.memory_space<vmem>>, vector<1x1x1x16xf32>,
        %get3A_1110 = arith.constant 1 : i32
        %get3A_1111 = arith.constant 1 : i32
        %get3A_1112 = arith.index_cast %get3A_1110 : i32 to index
        %get3A_1113 = arith.index_cast %scan3A_930 : i32 to index
        %get3A_1114 = arith.index_cast %get3A_1111 : i32 to index
        %get3A_1115 = arith.constant 32 : index
        %get3A_1116 = tpu.vector_load %arg6[%get3A_1112, %get3A_1113, %get3A_1114, %get3A_1115] {strides = array<i32>} : memref<4x32x2x128xf32, #tpu.memory_space<vmem>>, vector<1x1x1x16xf32>,
        %get3A_1117 = vector.shape_cast %get3A_1116 : vector<1x1x1x16xf32> to vector<16xf32>
        %add3A_1118 = arith.addf %get3A_1117, %get3A_496 : vector<16xf32>
        %swap3A_1119 = arith.constant 1 : i32
        %swap3A_1120 = arith.constant 1 : i32
        %swap3A_1121 = arith.index_cast %swap3A_1119 : i32 to index
        %swap3A_1122 = arith.index_cast %scan3A_930 : i32 to index
        %swap3A_1123 = arith.index_cast %swap3A_1120 : i32 to index
        %swap3A_1124 = arith.constant 32 : index
        %swap3A_1125 = tpu.vector_load %arg7[%swap3A_1121, %swap3A_1122, %swap3A_1123, %swap3A_1124] {strides = array<i32>} : memref<4x32x2x128xf32, #tpu.memory_space<vmem>>, vector<1x1x1x16xf32>,
        %swap3A_1126 = vector.shape_cast %swap3A_1125 : vector<1x1x1x16xf32> to vector<16xf32>
        %swap3A_1127 = vector.shape_cast %add3A_1118 : vector<16xf32> to vector<1x1x1x16xf32>
        tpu.vector_store %arg7[%swap3A_1121, %swap3A_1122, %swap3A_1123, %swap3A_1124], %swap3A_1127 {strides = array<i32>} : memref<4x32x2x128xf32, #tpu.memory_space<vmem>>, vector<1x1x1x16xf32>,
        %get3A_1128 = arith.constant 1 : i32
        %get3A_1129 = arith.constant 1 : i32
        %get3A_1130 = arith.index_cast %get3A_1128 : i32 to index
        %get3A_1131 = arith.index_cast %scan3A_930 : i32 to index
        %get3A_1132 = arith.index_cast %get3A_1129 : i32 to index
        %get3A_1133 = arith.constant 48 : index
        %get3A_1134 = tpu.vector_load %arg6[%get3A_1130, %get3A_1131, %get3A_1132, %get3A_1133] {strides = array<i32>} : memref<4x32x2x128xf32, #tpu.memory_space<vmem>>, vector<1x1x1x16xf32>,
        %get3A_1135 = vector.shape_cast %get3A_1134 : vector<1x1x1x16xf32> to vector<16xf32>
        %add3A_1136 = arith.addf %get3A_1135, %get3A_503 : vector<16xf32>
        %swap3A_1137 = arith.constant 1 : i32
        %swap3A_1138 = arith.constant 1 : i32
        %swap3A_1139 = arith.index_cast %swap3A_1137 : i32 to index
        %swap3A_1140 = arith.index_cast %scan3A_930 : i32 to index
        %swap3A_1141 = arith.index_cast %swap3A_1138 : i32 to index
        %swap3A_1142 = arith.constant 48 : index
        %swap3A_1143 = tpu.vector_load %arg7[%swap3A_1139, %swap3A_1140, %swap3A_1141, %swap3A_1142] {strides = array<i32>} : memref<4x32x2x128xf32, #tpu.memory_space<vmem>>, vector<1x1x1x16xf32>,
        %swap3A_1144 = vector.shape_cast %swap3A_1143 : vector<1x1x1x16xf32> to vector<16xf32>
        %swap3A_1145 = vector.shape_cast %add3A_1136 : vector<16xf32> to vector<1x1x1x16xf32>
        tpu.vector_store %arg7[%swap3A_1139, %swap3A_1140, %swap3A_1141, %swap3A_1142], %swap3A_1145 {strides = array<i32>} : memref<4x32x2x128xf32, #tpu.memory_space<vmem>>, vector<1x1x1x16xf32>,
        %get3A_1146 = arith.constant 1 : i32
        %get3A_1147 = arith.constant 1 : i32
        %get3A_1148 = arith.index_cast %get3A_1146 : i32 to index
        %get3A_1149 = arith.index_cast %scan3A_930 : i32 to index
        %get3A_1150 = arith.index_cast %get3A_1147 : i32 to index
        %get3A_1151 = arith.constant 64 : index
        %get3A_1152 = tpu.vector_load %arg6[%get3A_1148, %get3A_1149, %get3A_1150, %get3A_1151] {strides = array<i32>} : memref<4x32x2x128xf32, #tpu.memory_space<vmem>>, vector<1x1x1x16xf32>,
        %get3A_1153 = vector.shape_cast %get3A_1152 : vector<1x1x1x16xf32> to vector<16xf32>
        %add3A_1154 = arith.addf %get3A_1153, %get3A_510 : vector<16xf32>
        %swap3A_1155 = arith.constant 1 : i32
        %swap3A_1156 = arith.constant 1 : i32
        %swap3A_1157 = arith.index_cast %swap3A_1155 : i32 to index
        %swap3A_1158 = arith.index_cast %scan3A_930 : i32 to index
        %swap3A_1159 = arith.index_cast %swap3A_1156 : i32 to index
        %swap3A_1160 = arith.constant 64 : index
        %swap3A_1161 = tpu.vector_load %arg7[%swap3A_1157, %swap3A_1158, %swap3A_1159, %swap3A_1160] {strides = array<i32>} : memref<4x32x2x128xf32, #tpu.memory_space<vmem>>, vector<1x1x1x16xf32>,
        %swap3A_1162 = vector.shape_cast %swap3A_1161 : vector<1x1x1x16xf32> to vector<16xf32>
        %swap3A_1163 = vector.shape_cast %add3A_1154 : vector<16xf32> to vector<1x1x1x16xf32>
        tpu.vector_store %arg7[%swap3A_1157, %swap3A_1158, %swap3A_1159, %swap3A_1160], %swap3A_1163 {strides = array<i32>} : memref<4x32x2x128xf32, #tpu.memory_space<vmem>>, vector<1x1x1x16xf32>,
        %get3A_1164 = arith.constant 1 : i32
        %get3A_1165 = arith.constant 1 : i32
        %get3A_1166 = arith.index_cast %get3A_1164 : i32 to index
        %get3A_1167 = arith.index_cast %scan3A_930 : i32 to index
        %get3A_1168 = arith.index_cast %get3A_1165 : i32 to index
        %get3A_1169 = arith.constant 80 : index
        %get3A_1170 = tpu.vector_load %arg6[%get3A_1166, %get3A_1167, %get3A_1168, %get3A_1169] {strides = array<i32>} : memref<4x32x2x128xf32, #tpu.memory_space<vmem>>, vector<1x1x1x16xf32>,
        %get3A_1171 = vector.shape_cast %get3A_1170 : vector<1x1x1x16xf32> to vector<16xf32>
        %add3A_1172 = arith.addf %get3A_1171, %get3A_517 : vector<16xf32>
        %swap3A_1173 = arith.constant 1 : i32
        %swap3A_1174 = arith.constant 1 : i32
        %swap3A_1175 = arith.index_cast %swap3A_1173 : i32 to index
        %swap3A_1176 = arith.index_cast %scan3A_930 : i32 to index
        %swap3A_1177 = arith.index_cast %swap3A_1174 : i32 to index
        %swap3A_1178 = arith.constant 80 : index
        %swap3A_1179 = tpu.vector_load %arg7[%swap3A_1175, %swap3A_1176, %swap3A_1177, %swap3A_1178] {strides = array<i32>} : memref<4x32x2x128xf32, #tpu.memory_space<vmem>>, vector<1x1x1x16xf32>,
        %swap3A_1180 = vector.shape_cast %swap3A_1179 : vector<1x1x1x16xf32> to vector<16xf32>
        %swap3A_1181 = vector.shape_cast %add3A_1172 : vector<16xf32> to vector<1x1x1x16xf32>
        tpu.vector_store %arg7[%swap3A_1175, %swap3A_1176, %swap3A_1177, %swap3A_1178], %swap3A_1181 {strides = array<i32>} : memref<4x32x2x128xf32, #tpu.memory_space<vmem>>, vector<1x1x1x16xf32>,
        %get3A_1182 = arith.constant 1 : i32
        %get3A_1183 = arith.constant 1 : i32
        %get3A_1184 = arith.index_cast %get3A_1182 : i32 to index
        %get3A_1185 = arith.index_cast %scan3A_930 : i32 to index
        %get3A_1186 = arith.index_cast %get3A_1183 : i32 to index
        %get3A_1187 = arith.constant 96 : index
        %get3A_1188 = tpu.vector_load %arg6[%get3A_1184, %get3A_1185, %get3A_1186, %get3A_1187] {strides = array<i32>} : memref<4x32x2x128xf32, #tpu.memory_space<vmem>>, vector<1x1x1x16xf32>,
        %get3A_1189 = vector.shape_cast %get3A_1188 : vector<1x1x1x16xf32> to vector<16xf32>
        %add3A_1190 = arith.addf %get3A_1189, %get3A_524 : vector<16xf32>
        %swap3A_1191 = arith.constant 1 : i32
        %swap3A_1192 = arith.constant 1 : i32
        %swap3A_1193 = arith.index_cast %swap3A_1191 : i32 to index
        %swap3A_1194 = arith.index_cast %scan3A_930 : i32 to index
        %swap3A_1195 = arith.index_cast %swap3A_1192 : i32 to index
        %swap3A_1196 = arith.constant 96 : index
        %swap3A_1197 = tpu.vector_load %arg7[%swap3A_1193, %swap3A_1194, %swap3A_1195, %swap3A_1196] {strides = array<i32>} : memref<4x32x2x128xf32, #tpu.memory_space<vmem>>, vector<1x1x1x16xf32>,
        %swap3A_1198 = vector.shape_cast %swap3A_1197 : vector<1x1x1x16xf32> to vector<16xf32>
        %swap3A_1199 = vector.shape_cast %add3A_1190 : vector<16xf32> to vector<1x1x1x16xf32>
        tpu.vector_store %arg7[%swap3A_1193, %swap3A_1194, %swap3A_1195, %swap3A_1196], %swap3A_1199 {strides = array<i32>} : memref<4x32x2x128xf32, #tpu.memory_space<vmem>>, vector<1x1x1x16xf32>,
        %get3A_1200 = arith.constant 1 : i32
        %get3A_1201 = arith.constant 1 : i32
        %get3A_1202 = arith.index_cast %get3A_1200 : i32 to index
        %get3A_1203 = arith.index_cast %scan3A_930 : i32 to index
        %get3A_1204 = arith.index_cast %get3A_1201 : i32 to index
        %get3A_1205 = arith.constant 112 : index
        %get3A_1206 = tpu.vector_load %arg6[%get3A_1202, %get3A_1203, %get3A_1204, %get3A_1205] {strides = array<i32>} : memref<4x32x2x128xf32, #tpu.memory_space<vmem>>, vector<1x1x1x16xf32>,
        %get3A_1207 = vector.shape_cast %get3A_1206 : vector<1x1x1x16xf32> to vector<16xf32>
        %add3A_1208 = arith.addf %get3A_1207, %get3A_531 : vector<16xf32>
        %swap3A_1209 = arith.constant 1 : i32
        %swap3A_1210 = arith.constant 1 : i32
        %swap3A_1211 = arith.index_cast %swap3A_1209 : i32 to index
        %swap3A_1212 = arith.index_cast %scan3A_930 : i32 to index
        %swap3A_1213 = arith.index_cast %swap3A_1210 : i32 to index
        %swap3A_1214 = arith.constant 112 : index
        %swap3A_1215 = tpu.vector_load %arg7[%swap3A_1211, %swap3A_1212, %swap3A_1213, %swap3A_1214] {strides = array<i32>} : memref<4x32x2x128xf32, #tpu.memory_space<vmem>>, vector<1x1x1x16xf32>,
        %swap3A_1216 = vector.shape_cast %swap3A_1215 : vector<1x1x1x16xf32> to vector<16xf32>
        %swap3A_1217 = vector.shape_cast %add3A_1208 : vector<16xf32> to vector<1x1x1x16xf32>
        tpu.vector_store %arg7[%swap3A_1211, %swap3A_1212, %swap3A_1213, %swap3A_1214], %swap3A_1217 {strides = array<i32>} : memref<4x32x2x128xf32, #tpu.memory_space<vmem>>, vector<1x1x1x16xf32>,
      }
      %scan3A_536 = arith.constant 32 : i32
      %mul3A_537 = arith.constant 2 : i32
      %mul3A_538 = arith.muli %add3A_384, %mul3A_537 : i32
      %add3A_539 = arith.addi %mul3A_2, %mul3A_538 : i32
      %dma_start3A_540 = arith.constant 1 : i32
      %dma_start3A_541 = arith.constant 0 : i32
      %dma_start3A_542 = arith.constant 0 : i32
      %dma_start3A_543 = arith.constant 0 : i32
      %dma_start3A_544 = tpu.memref_slice %arg7[%dma_start3A_540, %dma_start3A_541, %dma_start3A_542, %dma_start3A_543] : memref<4x32x2x128xf32, #tpu.memory_space<vmem>> -> memref<1x32x2x128xf32, #tpu.memory_space<vmem>>
      %dma_start3A_545 = tpu.memref_squeeze %dma_start3A_544 : memref<1x32x2x128xf32, #tpu.memory_space<vmem>> -> memref<32x2x128xf32, #tpu.memory_space<vmem>>
      %dma_start3A_546 = arith.constant 0 : i32
      %dma_start3A_547 = arith.constant 0 : i32
      %dma_start3A_548 = tpu.memref_slice %arg4[%dma_start3A_546, %add3A_539, %dma_start3A_547] : memref<32x8192x128xf32, #tpu.memory_space<hbm>> -> memref<32x2x128xf32, #tpu.memory_space<hbm>>
      %dma_start3A_549 = arith.constant 0 : i32
      %dma_start3A_550 = arith.constant 0 : i32
      %dma_start3A_551 = tpu.memref_slice %arg4[%dma_start3A_549, %add3A_539, %dma_start3A_550] : memref<32x8192x128xf32, #tpu.memory_space<hbm>> -> memref<32x2x128xf32, #tpu.memory_space<hbm>>
      %dma_start3A_552 = arith.constant 0 : i32
      %dma_start3A_553 = arith.constant 0 : i32
      %dma_start3A_554 = arith.constant 0 : i32
      %dma_start3A_555 = tpu.memref_slice %arg7[%dma_start3A_540, %dma_start3A_552, %dma_start3A_553, %dma_start3A_554] : memref<4x32x2x128xf32, #tpu.memory_space<vmem>> -> memref<1x32x2x128xf32, #tpu.memory_space<vmem>>
      %dma_start3A_556 = tpu.memref_squeeze %dma_start3A_555 : memref<1x32x2x128xf32, #tpu.memory_space<vmem>> -> memref<32x2x128xf32, #tpu.memory_space<vmem>>
      tpu.enqueue_dma source(%dma_start3A_556 : memref<32x2x128xf32, #tpu.memory_space<vmem>>) target(%dma_start3A_551 : memref<32x2x128xf32, #tpu.memory_space<hbm>>) target_semaphore(%arg17 : memref<!tpu.dma_semaphore, #tpu.memory_space<semaphore_mem>>)
      %add3A_557 = arith.constant 1 : i32
      %add3A_558 = arith.addi %scan3A_202, %add3A_557 : i32
      %lt3A_559 = arith.constant 32 : i32
      %lt3A_560 = arith.cmpi slt, %add3A_558, %lt3A_559 : i32
      %convert_element_type3A_561 = arith.extui %lt3A_560 : i1 to i32
      %cond3A_562 = arith.constant 0 : i32
      %cond3A_563 = arith.cmpi ne, %convert_element_type3A_561, %cond3A_562 : i32
      scf.if %cond3A_563 {
        %add3A_930 = arith.constant 4 : i32
        %add3A_931 = arith.addi %add3A_384, %add3A_930 : i32
        %mul3A_932 = arith.constant 2 : i32
        %mul3A_933 = arith.muli %add3A_931, %mul3A_932 : i32
        %add3A_934 = arith.addi %mul3A_2, %mul3A_933 : i32
        %dma_start3A_935 = arith.constant 1 : i32
        %dma_start3A_936 = arith.constant 0 : i32
        %dma_start3A_937 = arith.constant 0 : i32
        %dma_start3A_938 = arith.constant 0 : i32
        %dma_start3A_939 = tpu.memref_slice %arg6[%dma_start3A_935, %dma_start3A_936, %dma_start3A_937, %dma_start3A_938] : memref<4x32x2x128xf32, #tpu.memory_space<vmem>> -> memref<1x32x2x128xf32, #tpu.memory_space<vmem>>
        %dma_start3A_940 = tpu.memref_squeeze %dma_start3A_939 : memref<1x32x2x128xf32, #tpu.memory_space<vmem>> -> memref<32x2x128xf32, #tpu.memory_space<vmem>>
        %dma_start3A_941 = arith.constant 0 : i32
        %dma_start3A_942 = arith.constant 0 : i32
        %dma_start3A_943 = tpu.memref_slice %arg2[%dma_start3A_941, %add3A_934, %dma_start3A_942] : memref<32x8192x128xf32, #tpu.memory_space<hbm>> -> memref<32x2x128xf32, #tpu.memory_space<hbm>>
        %dma_start3A_944 = arith.constant 0 : i32
        %dma_start3A_945 = arith.constant 0 : i32
        %dma_start3A_946 = arith.constant 0 : i32
        %dma_start3A_947 = tpu.memref_slice %arg6[%dma_start3A_935, %dma_start3A_944, %dma_start3A_945, %dma_start3A_946] : memref<4x32x2x128xf32, #tpu.memory_space<vmem>> -> memref<1x32x2x128xf32, #tpu.memory_space<vmem>>
        %dma_start3A_948 = tpu.memref_squeeze %dma_start3A_947 : memref<1x32x2x128xf32, #tpu.memory_space<vmem>> -> memref<32x2x128xf32, #tpu.memory_space<vmem>>
        %dma_start3A_949 = arith.constant 0 : i32
        %dma_start3A_950 = arith.constant 0 : i32
        %dma_start3A_951 = tpu.memref_slice %arg2[%dma_start3A_949, %add3A_934, %dma_start3A_950] : memref<32x8192x128xf32, #tpu.memory_space<hbm>> -> memref<32x2x128xf32, #tpu.memory_space<hbm>>
        tpu.enqueue_dma source(%dma_start3A_951 : memref<32x2x128xf32, #tpu.memory_space<hbm>>) target(%dma_start3A_948 : memref<32x2x128xf32, #tpu.memory_space<vmem>>) target_semaphore(%arg13 : memref<!tpu.dma_semaphore, #tpu.memory_space<semaphore_mem>>)
        %dma_start3A_952 = arith.constant 1 : i32
        %dma_start3A_953 = arith.constant 0 : i32
        %dma_start3A_954 = arith.constant 0 : i32
        %dma_start3A_955 = tpu.memref_slice %arg5[%dma_start3A_952, %dma_start3A_953, %dma_start3A_954] : memref<4x2x128xf32, #tpu.memory_space<vmem>> -> memref<1x2x128xf32, #tpu.memory_space<vmem>>
        %dma_start3A_956 = tpu.memref_squeeze %dma_start3A_955 : memref<1x2x128xf32, #tpu.memory_space<vmem>> -> memref<2x128xf32, #tpu.memory_space<vmem>>
        %dma_start3A_957 = arith.constant 0 : i32
        %dma_start3A_958 = tpu.memref_slice %arg3[%add3A_934, %dma_start3A_957] : memref<8192x128xf32, #tpu.memory_space<hbm>> -> memref<2x128xf32, #tpu.memory_space<hbm>>
        %dma_start3A_959 = arith.constant 0 : i32
        %dma_start3A_960 = arith.constant 0 : i32
        %dma_start3A_961 = tpu.memref_slice %arg5[%dma_start3A_952, %dma_start3A_959, %dma_start3A_960] : memref<4x2x128xf32, #tpu.memory_space<vmem>> -> memref<1x2x128xf32, #tpu.memory_space<vmem>>
        %dma_start3A_962 = tpu.memref_squeeze %dma_start3A_961 : memref<1x2x128xf32, #tpu.memory_space<vmem>> -> memref<2x128xf32, #tpu.memory_space<vmem>>
        %dma_start3A_963 = arith.constant 0 : i32
        %dma_start3A_964 = tpu.memref_slice %arg3[%add3A_934, %dma_start3A_963] : memref<8192x128xf32, #tpu.memory_space<hbm>> -> memref<2x128xf32, #tpu.memory_space<hbm>>
        tpu.enqueue_dma source(%dma_start3A_964 : memref<2x128xf32, #tpu.memory_space<hbm>>) target(%dma_start3A_962 : memref<2x128xf32, #tpu.memory_space<vmem>>) target_semaphore(%arg9 : memref<!tpu.dma_semaphore, #tpu.memory_space<semaphore_mem>>)
      } else {
      }
      %mul3A_564 = arith.constant 4 : i32
      %mul3A_565 = arith.muli %scan3A_202, %mul3A_564 : i32
      %add3A_566 = arith.constant 2 : i32
      %add3A_567 = arith.addi %mul3A_565, %add3A_566 : i32
      %dma_wait3A_568 = arith.constant 2 : i32
      %dma_wait3A_569 = arith.constant 0 : i32
      %dma_wait3A_570 = arith.constant 0 : i32
      %dma_wait3A_571 = arith.constant 0 : i32
      %dma_wait3A_572 = tpu.memref_slice %arg6[%dma_wait3A_568, %dma_wait3A_569, %dma_wait3A_570, %dma_wait3A_571] : memref<4x32x2x128xf32, #tpu.memory_space<vmem>> -> memref<1x32x2x128xf32, #tpu.memory_space<vmem>>
      %dma_wait3A_573 = tpu.memref_squeeze %dma_wait3A_572 : memref<1x32x2x128xf32, #tpu.memory_space<vmem>> -> memref<32x2x128xf32, #tpu.memory_space<vmem>>
      %dma_wait3A_574 = arith.constant 0 : i32
      %dma_wait3A_575 = arith.constant 0 : i32
      %dma_wait3A_576 = tpu.memref_slice %arg2[%dma_wait3A_574, %mul3A_2, %dma_wait3A_575] : memref<32x8192x128xf32, #tpu.memory_space<hbm>> -> memref<32x2x128xf32, #tpu.memory_space<hbm>>
      %dma_wait3A_577 = arith.constant 0 : i32
      %dma_wait3A_578 = arith.constant 0 : i32
      %dma_wait3A_579 = arith.constant 0 : i32
      %dma_wait3A_580 = tpu.memref_slice %arg6[%dma_wait3A_568, %dma_wait3A_577, %dma_wait3A_578, %dma_wait3A_579] : memref<4x32x2x128xf32, #tpu.memory_space<vmem>> -> memref<1x32x2x128xf32, #tpu.memory_space<vmem>>
      %dma_wait3A_581 = tpu.memref_squeeze %dma_wait3A_580 : memref<1x32x2x128xf32, #tpu.memory_space<vmem>> -> memref<32x2x128xf32, #tpu.memory_space<vmem>>
      %dma_wait3A_582 = arith.constant 0 : i32
      %dma_wait3A_583 = arith.constant 0 : i32
      %dma_wait3A_584 = tpu.memref_slice %arg2[%dma_wait3A_582, %mul3A_2, %dma_wait3A_583] : memref<32x8192x128xf32, #tpu.memory_space<hbm>> -> memref<32x2x128xf32, #tpu.memory_space<hbm>>
      tpu.wait_dma2 semaphore(%arg14 : memref<!tpu.dma_semaphore, #tpu.memory_space<semaphore_mem>>) src(%dma_wait3A_584 : memref<32x2x128xf32, #tpu.memory_space<hbm>>) dst(%dma_wait3A_581 : memref<32x2x128xf32, #tpu.memory_space<vmem>>)
      %dma_wait3A_585 = arith.constant 2 : i32
      %dma_wait3A_586 = arith.constant 0 : i32
      %dma_wait3A_587 = arith.constant 0 : i32
      %dma_wait3A_588 = tpu.memref_slice %arg5[%dma_wait3A_585, %dma_wait3A_586, %dma_wait3A_587] : memref<4x2x128xf32, #tpu.memory_space<vmem>> -> memref<1x2x128xf32, #tpu.memory_space<vmem>>
      %dma_wait3A_589 = tpu.memref_squeeze %dma_wait3A_588 : memref<1x2x128xf32, #tpu.memory_space<vmem>> -> memref<2x128xf32, #tpu.memory_space<vmem>>
      %dma_wait3A_590 = arith.constant 0 : i32
      %dma_wait3A_591 = tpu.memref_slice %arg3[%mul3A_2, %dma_wait3A_590] : memref<8192x128xf32, #tpu.memory_space<hbm>> -> memref<2x128xf32, #tpu.memory_space<hbm>>
      %dma_wait3A_592 = arith.constant 0 : i32
      %dma_wait3A_593 = arith.constant 0 : i32
      %dma_wait3A_594 = tpu.memref_slice %arg5[%dma_wait3A_585, %dma_wait3A_592, %dma_wait3A_593] : memref<4x2x128xf32, #tpu.memory_space<vmem>> -> memref<1x2x128xf32, #tpu.memory_space<vmem>>
      %dma_wait3A_595 = tpu.memref_squeeze %dma_wait3A_594 : memref<1x2x128xf32, #tpu.memory_space<vmem>> -> memref<2x128xf32, #tpu.memory_space<vmem>>
      %dma_wait3A_596 = arith.constant 0 : i32
      %dma_wait3A_597 = tpu.memref_slice %arg3[%mul3A_2, %dma_wait3A_596] : memref<8192x128xf32, #tpu.memory_space<hbm>> -> memref<2x128xf32, #tpu.memory_space<hbm>>
      tpu.wait_dma2 semaphore(%arg10 : memref<!tpu.dma_semaphore, #tpu.memory_space<semaphore_mem>>) src(%dma_wait3A_597 : memref<2x128xf32, #tpu.memory_space<hbm>>) dst(%dma_wait3A_595 : memref<2x128xf32, #tpu.memory_space<vmem>>)
      %ge3A_598 = arith.constant 1 : i32
      %ge3A_599 = arith.cmpi sge, %scan3A_202, %ge3A_598 : i32
      %convert_element_type3A_600 = arith.extui %ge3A_599 : i1 to i32
      %cond3A_601 = arith.constant 0 : i32
      %cond3A_602 = arith.cmpi ne, %convert_element_type3A_600, %cond3A_601 : i32
      scf.if %cond3A_602 {
        %dma_wait3A_930 = arith.constant 2 : i32
        %dma_wait3A_931 = arith.constant 0 : i32
        %dma_wait3A_932 = arith.constant 0 : i32
        %dma_wait3A_933 = arith.constant 0 : i32
        %dma_wait3A_934 = tpu.memref_slice %arg7[%dma_wait3A_930, %dma_wait3A_931, %dma_wait3A_932, %dma_wait3A_933] : memref<4x32x2x128xf32, #tpu.memory_space<vmem>> -> memref<1x32x2x128xf32, #tpu.memory_space<vmem>>
        %dma_wait3A_935 = tpu.memref_squeeze %dma_wait3A_934 : memref<1x32x2x128xf32, #tpu.memory_space<vmem>> -> memref<32x2x128xf32, #tpu.memory_space<vmem>>
        %dma_wait3A_936 = arith.constant 0 : i32
        %dma_wait3A_937 = arith.constant 0 : i32
        %dma_wait3A_938 = tpu.memref_slice %arg4[%dma_wait3A_936, %mul3A_2, %dma_wait3A_937] : memref<32x8192x128xf32, #tpu.memory_space<hbm>> -> memref<32x2x128xf32, #tpu.memory_space<hbm>>
        %dma_wait3A_939 = arith.constant 0 : i32
        %dma_wait3A_940 = arith.constant 0 : i32
        %dma_wait3A_941 = tpu.memref_slice %arg4[%dma_wait3A_939, %mul3A_2, %dma_wait3A_940] : memref<32x8192x128xf32, #tpu.memory_space<hbm>> -> memref<32x2x128xf32, #tpu.memory_space<hbm>>
        %dma_wait3A_942 = arith.constant 0 : i32
        %dma_wait3A_943 = arith.constant 0 : i32
        %dma_wait3A_944 = arith.constant 0 : i32
        %dma_wait3A_945 = tpu.memref_slice %arg7[%dma_wait3A_930, %dma_wait3A_942, %dma_wait3A_943, %dma_wait3A_944] : memref<4x32x2x128xf32, #tpu.memory_space<vmem>> -> memref<1x32x2x128xf32, #tpu.memory_space<vmem>>
        %dma_wait3A_946 = tpu.memref_squeeze %dma_wait3A_945 : memref<1x32x2x128xf32, #tpu.memory_space<vmem>> -> memref<32x2x128xf32, #tpu.memory_space<vmem>>
        tpu.wait_dma2 semaphore(%arg18 : memref<!tpu.dma_semaphore, #tpu.memory_space<semaphore_mem>>) src(%dma_wait3A_946 : memref<32x2x128xf32, #tpu.memory_space<vmem>>) dst(%dma_wait3A_941 : memref<32x2x128xf32, #tpu.memory_space<hbm>>)
      } else {
      }
      %get3A_603 = arith.constant 2 : i32
      %get3A_604 = arith.constant 0 : i32
      %get3A_605 = arith.index_cast %get3A_603 : i32 to index
      %get3A_606 = arith.index_cast %get3A_604 : i32 to index
      %get3A_607 = arith.constant 0 : index
      %get3A_608 = tpu.vector_load %arg5[%get3A_605, %get3A_606, %get3A_607] {strides = array<i32>} : memref<4x2x128xf32, #tpu.memory_space<vmem>>, vector<1x1x16xf32>,
      %get3A_609 = vector.shape_cast %get3A_608 : vector<1x1x16xf32> to vector<16xf32>
      %get3A_610 = arith.constant 2 : i32
      %get3A_611 = arith.constant 0 : i32
      %get3A_612 = arith.index_cast %get3A_610 : i32 to index
      %get3A_613 = arith.index_cast %get3A_611 : i32 to index
      %get3A_614 = arith.constant 16 : index
      %get3A_615 = tpu.vector_load %arg5[%get3A_612, %get3A_613, %get3A_614] {strides = array<i32>} : memref<4x2x128xf32, #tpu.memory_space<vmem>>, vector<1x1x16xf32>,
      %get3A_616 = vector.shape_cast %get3A_615 : vector<1x1x16xf32> to vector<16xf32>
      %get3A_617 = arith.constant 2 : i32
      %get3A_618 = arith.constant 0 : i32
      %get3A_619 = arith.index_cast %get3A_617 : i32 to index
      %get3A_620 = arith.index_cast %get3A_618 : i32 to index
      %get3A_621 = arith.constant 32 : index
      %get3A_622 = tpu.vector_load %arg5[%get3A_619, %get3A_620, %get3A_621] {strides = array<i32>} : memref<4x2x128xf32, #tpu.memory_space<vmem>>, vector<1x1x16xf32>,
      %get3A_623 = vector.shape_cast %get3A_622 : vector<1x1x16xf32> to vector<16xf32>
      %get3A_624 = arith.constant 2 : i32
      %get3A_625 = arith.constant 0 : i32
      %get3A_626 = arith.index_cast %get3A_624 : i32 to index
      %get3A_627 = arith.index_cast %get3A_625 : i32 to index
      %get3A_628 = arith.constant 48 : index
      %get3A_629 = tpu.vector_load %arg5[%get3A_626, %get3A_627, %get3A_628] {strides = array<i32>} : memref<4x2x128xf32, #tpu.memory_space<vmem>>, vector<1x1x16xf32>,
      %get3A_630 = vector.shape_cast %get3A_629 : vector<1x1x16xf32> to vector<16xf32>
      %get3A_631 = arith.constant 2 : i32
      %get3A_632 = arith.constant 0 : i32
      %get3A_633 = arith.index_cast %get3A_631 : i32 to index
      %get3A_634 = arith.index_cast %get3A_632 : i32 to index
      %get3A_635 = arith.constant 64 : index
      %get3A_636 = tpu.vector_load %arg5[%get3A_633, %get3A_634, %get3A_635] {strides = array<i32>} : memref<4x2x128xf32, #tpu.memory_space<vmem>>, vector<1x1x16xf32>,
      %get3A_637 = vector.shape_cast %get3A_636 : vector<1x1x16xf32> to vector<16xf32>
      %get3A_638 = arith.constant 2 : i32
      %get3A_639 = arith.constant 0 : i32
      %get3A_640 = arith.index_cast %get3A_638 : i32 to index
      %get3A_641 = arith.index_cast %get3A_639 : i32 to index
      %get3A_642 = arith.constant 80 : index
      %get3A_643 = tpu.vector_load %arg5[%get3A_640, %get3A_641, %get3A_642] {strides = array<i32>} : memref<4x2x128xf32, #tpu.memory_space<vmem>>, vector<1x1x16xf32>,
      %get3A_644 = vector.shape_cast %get3A_643 : vector<1x1x16xf32> to vector<16xf32>
      %get3A_645 = arith.constant 2 : i32
      %get3A_646 = arith.constant 0 : i32
      %get3A_647 = arith.index_cast %get3A_645 : i32 to index
      %get3A_648 = arith.index_cast %get3A_646 : i32 to index
      %get3A_649 = arith.constant 96 : index
      %get3A_650 = tpu.vector_load %arg5[%get3A_647, %get3A_648, %get3A_649] {strides = array<i32>} : memref<4x2x128xf32, #tpu.memory_space<vmem>>, vector<1x1x16xf32>,
      %get3A_651 = vector.shape_cast %get3A_650 : vector<1x1x16xf32> to vector<16xf32>
      %get3A_652 = arith.constant 2 : i32
      %get3A_653 = arith.constant 0 : i32
      %get3A_654 = arith.index_cast %get3A_652 : i32 to index
      %get3A_655 = arith.index_cast %get3A_653 : i32 to index
      %get3A_656 = arith.constant 112 : index
      %get3A_657 = tpu.vector_load %arg5[%get3A_654, %get3A_655, %get3A_656] {strides = array<i32>} : memref<4x2x128xf32, #tpu.memory_space<vmem>>, vector<1x1x16xf32>,
      %get3A_658 = vector.shape_cast %get3A_657 : vector<1x1x16xf32> to vector<16xf32>
      %get3A_659 = arith.constant 2 : i32
      %get3A_660 = arith.constant 1 : i32
      %get3A_661 = arith.index_cast %get3A_659 : i32 to index
      %get3A_662 = arith.index_cast %get3A_660 : i32 to index
      %get3A_663 = arith.constant 0 : index
      %get3A_664 = tpu.vector_load %arg5[%get3A_661, %get3A_662, %get3A_663] {strides = array<i32>} : memref<4x2x128xf32, #tpu.memory_space<vmem>>, vector<1x1x16xf32>,
      %get3A_665 = vector.shape_cast %get3A_664 : vector<1x1x16xf32> to vector<16xf32>
      %get3A_666 = arith.constant 2 : i32
      %get3A_667 = arith.constant 1 : i32
      %get3A_668 = arith.index_cast %get3A_666 : i32 to index
      %get3A_669 = arith.index_cast %get3A_667 : i32 to index
      %get3A_670 = arith.constant 16 : index
      %get3A_671 = tpu.vector_load %arg5[%get3A_668, %get3A_669, %get3A_670] {strides = array<i32>} : memref<4x2x128xf32, #tpu.memory_space<vmem>>, vector<1x1x16xf32>,
      %get3A_672 = vector.shape_cast %get3A_671 : vector<1x1x16xf32> to vector<16xf32>
      %get3A_673 = arith.constant 2 : i32
      %get3A_674 = arith.constant 1 : i32
      %get3A_675 = arith.index_cast %get3A_673 : i32 to index
      %get3A_676 = arith.index_cast %get3A_674 : i32 to index
      %get3A_677 = arith.constant 32 : index
      %get3A_678 = tpu.vector_load %arg5[%get3A_675, %get3A_676, %get3A_677] {strides = array<i32>} : memref<4x2x128xf32, #tpu.memory_space<vmem>>, vector<1x1x16xf32>,
      %get3A_679 = vector.shape_cast %get3A_678 : vector<1x1x16xf32> to vector<16xf32>
      %get3A_680 = arith.constant 2 : i32
      %get3A_681 = arith.constant 1 : i32
      %get3A_682 = arith.index_cast %get3A_680 : i32 to index
      %get3A_683 = arith.index_cast %get3A_681 : i32 to index
      %get3A_684 = arith.constant 48 : index
      %get3A_685 = tpu.vector_load %arg5[%get3A_682, %get3A_683, %get3A_684] {strides = array<i32>} : memref<4x2x128xf32, #tpu.memory_space<vmem>>, vector<1x1x16xf32>,
      %get3A_686 = vector.shape_cast %get3A_685 : vector<1x1x16xf32> to vector<16xf32>
      %get3A_687 = arith.constant 2 : i32
      %get3A_688 = arith.constant 1 : i32
      %get3A_689 = arith.index_cast %get3A_687 : i32 to index
      %get3A_690 = arith.index_cast %get3A_688 : i32 to index
      %get3A_691 = arith.constant 64 : index
      %get3A_692 = tpu.vector_load %arg5[%get3A_689, %get3A_690, %get3A_691] {strides = array<i32>} : memref<4x2x128xf32, #tpu.memory_space<vmem>>, vector<1x1x16xf32>,
      %get3A_693 = vector.shape_cast %get3A_692 : vector<1x1x16xf32> to vector<16xf32>
      %get3A_694 = arith.constant 2 : i32
      %get3A_695 = arith.constant 1 : i32
      %get3A_696 = arith.index_cast %get3A_694 : i32 to index
      %get3A_697 = arith.index_cast %get3A_695 : i32 to index
      %get3A_698 = arith.constant 80 : index
      %get3A_699 = tpu.vector_load %arg5[%get3A_696, %get3A_697, %get3A_698] {strides = array<i32>} : memref<4x2x128xf32, #tpu.memory_space<vmem>>, vector<1x1x16xf32>,
      %get3A_700 = vector.shape_cast %get3A_699 : vector<1x1x16xf32> to vector<16xf32>
      %get3A_701 = arith.constant 2 : i32
      %get3A_702 = arith.constant 1 : i32
      %get3A_703 = arith.index_cast %get3A_701 : i32 to index
      %get3A_704 = arith.index_cast %get3A_702 : i32 to index
      %get3A_705 = arith.constant 96 : index
      %get3A_706 = tpu.vector_load %arg5[%get3A_703, %get3A_704, %get3A_705] {strides = array<i32>} : memref<4x2x128xf32, #tpu.memory_space<vmem>>, vector<1x1x16xf32>,
      %get3A_707 = vector.shape_cast %get3A_706 : vector<1x1x16xf32> to vector<16xf32>
      %get3A_708 = arith.constant 2 : i32
      %get3A_709 = arith.constant 1 : i32
      %get3A_710 = arith.index_cast %get3A_708 : i32 to index
      %get3A_711 = arith.index_cast %get3A_709 : i32 to index
      %get3A_712 = arith.constant 112 : index
      %get3A_713 = tpu.vector_load %arg5[%get3A_710, %get3A_711, %get3A_712] {strides = array<i32>} : memref<4x2x128xf32, #tpu.memory_space<vmem>>, vector<1x1x16xf32>,
      %get3A_714 = vector.shape_cast %get3A_713 : vector<1x1x16xf32> to vector<16xf32>
      %scan3A_715 = arith.constant 0 : i32
      %scan3A_716 = arith.constant 32 : i32
      %scan3A_717 = arith.addi %scan3A_715, %scan3A_716 : i32
      %scan3A_718 = arith.constant 1 : i32
      scf.for %scan3A_930 = %scan3A_715 to %scan3A_717 step %scan3A_718  : i32 {
        %get3A_931 = arith.constant 2 : i32
        %get3A_932 = arith.constant 0 : i32
        %get3A_933 = arith.index_cast %get3A_931 : i32 to index
        %get3A_934 = arith.index_cast %scan3A_930 : i32 to index
        %get3A_935 = arith.index_cast %get3A_932 : i32 to index
        %get3A_936 = arith.constant 0 : index
        %get3A_937 = tpu.vector_load %arg6[%get3A_933, %get3A_934, %get3A_935, %get3A_936] {strides = array<i32>} : memref<4x32x2x128xf32, #tpu.memory_space<vmem>>, vector<1x1x1x16xf32>,
        %get3A_938 = vector.shape_cast %get3A_937 : vector<1x1x1x16xf32> to vector<16xf32>
        %add3A_939 = arith.addf %get3A_938, %get3A_609 : vector<16xf32>
        %swap3A = arith.constant 2 : i32
        %swap3A_940 = arith.constant 0 : i32
        %swap3A_941 = arith.index_cast %swap3A : i32 to index
        %swap3A_942 = arith.index_cast %scan3A_930 : i32 to index
        %swap3A_943 = arith.index_cast %swap3A_940 : i32 to index
        %swap3A_944 = arith.constant 0 : index
        %swap3A_945 = tpu.vector_load %arg7[%swap3A_941, %swap3A_942, %swap3A_943, %swap3A_944] {strides = array<i32>} : memref<4x32x2x128xf32, #tpu.memory_space<vmem>>, vector<1x1x1x16xf32>,
        %swap3A_946 = vector.shape_cast %swap3A_945 : vector<1x1x1x16xf32> to vector<16xf32>
        %swap3A_947 = vector.shape_cast %add3A_939 : vector<16xf32> to vector<1x1x1x16xf32>
        tpu.vector_store %arg7[%swap3A_941, %swap3A_942, %swap3A_943, %swap3A_944], %swap3A_947 {strides = array<i32>} : memref<4x32x2x128xf32, #tpu.memory_space<vmem>>, vector<1x1x1x16xf32>,
        %get3A_948 = arith.constant 2 : i32
        %get3A_949 = arith.constant 0 : i32
        %get3A_950 = arith.index_cast %get3A_948 : i32 to index
        %get3A_951 = arith.index_cast %scan3A_930 : i32 to index
        %get3A_952 = arith.index_cast %get3A_949 : i32 to index
        %get3A_953 = arith.constant 16 : index
        %get3A_954 = tpu.vector_load %arg6[%get3A_950, %get3A_951, %get3A_952, %get3A_953] {strides = array<i32>} : memref<4x32x2x128xf32, #tpu.memory_space<vmem>>, vector<1x1x1x16xf32>,
        %get3A_955 = vector.shape_cast %get3A_954 : vector<1x1x1x16xf32> to vector<16xf32>
        %add3A_956 = arith.addf %get3A_955, %get3A_616 : vector<16xf32>
        %swap3A_957 = arith.constant 2 : i32
        %swap3A_958 = arith.constant 0 : i32
        %swap3A_959 = arith.index_cast %swap3A_957 : i32 to index
        %swap3A_960 = arith.index_cast %scan3A_930 : i32 to index
        %swap3A_961 = arith.index_cast %swap3A_958 : i32 to index
        %swap3A_962 = arith.constant 16 : index
        %swap3A_963 = tpu.vector_load %arg7[%swap3A_959, %swap3A_960, %swap3A_961, %swap3A_962] {strides = array<i32>} : memref<4x32x2x128xf32, #tpu.memory_space<vmem>>, vector<1x1x1x16xf32>,
        %swap3A_964 = vector.shape_cast %swap3A_963 : vector<1x1x1x16xf32> to vector<16xf32>
        %swap3A_965 = vector.shape_cast %add3A_956 : vector<16xf32> to vector<1x1x1x16xf32>
        tpu.vector_store %arg7[%swap3A_959, %swap3A_960, %swap3A_961, %swap3A_962], %swap3A_965 {strides = array<i32>} : memref<4x32x2x128xf32, #tpu.memory_space<vmem>>, vector<1x1x1x16xf32>,
        %get3A_966 = arith.constant 2 : i32
        %get3A_967 = arith.constant 0 : i32
        %get3A_968 = arith.index_cast %get3A_966 : i32 to index
        %get3A_969 = arith.index_cast %scan3A_930 : i32 to index
        %get3A_970 = arith.index_cast %get3A_967 : i32 to index
        %get3A_971 = arith.constant 32 : index
        %get3A_972 = tpu.vector_load %arg6[%get3A_968, %get3A_969, %get3A_970, %get3A_971] {strides = array<i32>} : memref<4x32x2x128xf32, #tpu.memory_space<vmem>>, vector<1x1x1x16xf32>,
        %get3A_973 = vector.shape_cast %get3A_972 : vector<1x1x1x16xf32> to vector<16xf32>
        %add3A_974 = arith.addf %get3A_973, %get3A_623 : vector<16xf32>
        %swap3A_975 = arith.constant 2 : i32
        %swap3A_976 = arith.constant 0 : i32
        %swap3A_977 = arith.index_cast %swap3A_975 : i32 to index
        %swap3A_978 = arith.index_cast %scan3A_930 : i32 to index
        %swap3A_979 = arith.index_cast %swap3A_976 : i32 to index
        %swap3A_980 = arith.constant 32 : index
        %swap3A_981 = tpu.vector_load %arg7[%swap3A_977, %swap3A_978, %swap3A_979, %swap3A_980] {strides = array<i32>} : memref<4x32x2x128xf32, #tpu.memory_space<vmem>>, vector<1x1x1x16xf32>,
        %swap3A_982 = vector.shape_cast %swap3A_981 : vector<1x1x1x16xf32> to vector<16xf32>
        %swap3A_983 = vector.shape_cast %add3A_974 : vector<16xf32> to vector<1x1x1x16xf32>
        tpu.vector_store %arg7[%swap3A_977, %swap3A_978, %swap3A_979, %swap3A_980], %swap3A_983 {strides = array<i32>} : memref<4x32x2x128xf32, #tpu.memory_space<vmem>>, vector<1x1x1x16xf32>,
        %get3A_984 = arith.constant 2 : i32
        %get3A_985 = arith.constant 0 : i32
        %get3A_986 = arith.index_cast %get3A_984 : i32 to index
        %get3A_987 = arith.index_cast %scan3A_930 : i32 to index
        %get3A_988 = arith.index_cast %get3A_985 : i32 to index
        %get3A_989 = arith.constant 48 : index
        %get3A_990 = tpu.vector_load %arg6[%get3A_986, %get3A_987, %get3A_988, %get3A_989] {strides = array<i32>} : memref<4x32x2x128xf32, #tpu.memory_space<vmem>>, vector<1x1x1x16xf32>,
        %get3A_991 = vector.shape_cast %get3A_990 : vector<1x1x1x16xf32> to vector<16xf32>
        %add3A_992 = arith.addf %get3A_991, %get3A_630 : vector<16xf32>
        %swap3A_993 = arith.constant 2 : i32
        %swap3A_994 = arith.constant 0 : i32
        %swap3A_995 = arith.index_cast %swap3A_993 : i32 to index
        %swap3A_996 = arith.index_cast %scan3A_930 : i32 to index
        %swap3A_997 = arith.index_cast %swap3A_994 : i32 to index
        %swap3A_998 = arith.constant 48 : index
        %swap3A_999 = tpu.vector_load %arg7[%swap3A_995, %swap3A_996, %swap3A_997, %swap3A_998] {strides = array<i32>} : memref<4x32x2x128xf32, #tpu.memory_space<vmem>>, vector<1x1x1x16xf32>,
        %swap3A_1000 = vector.shape_cast %swap3A_999 : vector<1x1x1x16xf32> to vector<16xf32>
        %swap3A_1001 = vector.shape_cast %add3A_992 : vector<16xf32> to vector<1x1x1x16xf32>
        tpu.vector_store %arg7[%swap3A_995, %swap3A_996, %swap3A_997, %swap3A_998], %swap3A_1001 {strides = array<i32>} : memref<4x32x2x128xf32, #tpu.memory_space<vmem>>, vector<1x1x1x16xf32>,
        %get3A_1002 = arith.constant 2 : i32
        %get3A_1003 = arith.constant 0 : i32
        %get3A_1004 = arith.index_cast %get3A_1002 : i32 to index
        %get3A_1005 = arith.index_cast %scan3A_930 : i32 to index
        %get3A_1006 = arith.index_cast %get3A_1003 : i32 to index
        %get3A_1007 = arith.constant 64 : index
        %get3A_1008 = tpu.vector_load %arg6[%get3A_1004, %get3A_1005, %get3A_1006, %get3A_1007] {strides = array<i32>} : memref<4x32x2x128xf32, #tpu.memory_space<vmem>>, vector<1x1x1x16xf32>,
        %get3A_1009 = vector.shape_cast %get3A_1008 : vector<1x1x1x16xf32> to vector<16xf32>
        %add3A_1010 = arith.addf %get3A_1009, %get3A_637 : vector<16xf32>
        %swap3A_1011 = arith.constant 2 : i32
        %swap3A_1012 = arith.constant 0 : i32
        %swap3A_1013 = arith.index_cast %swap3A_1011 : i32 to index
        %swap3A_1014 = arith.index_cast %scan3A_930 : i32 to index
        %swap3A_1015 = arith.index_cast %swap3A_1012 : i32 to index
        %swap3A_1016 = arith.constant 64 : index
        %swap3A_1017 = tpu.vector_load %arg7[%swap3A_1013, %swap3A_1014, %swap3A_1015, %swap3A_1016] {strides = array<i32>} : memref<4x32x2x128xf32, #tpu.memory_space<vmem>>, vector<1x1x1x16xf32>,
        %swap3A_1018 = vector.shape_cast %swap3A_1017 : vector<1x1x1x16xf32> to vector<16xf32>
        %swap3A_1019 = vector.shape_cast %add3A_1010 : vector<16xf32> to vector<1x1x1x16xf32>
        tpu.vector_store %arg7[%swap3A_1013, %swap3A_1014, %swap3A_1015, %swap3A_1016], %swap3A_1019 {strides = array<i32>} : memref<4x32x2x128xf32, #tpu.memory_space<vmem>>, vector<1x1x1x16xf32>,
        %get3A_1020 = arith.constant 2 : i32
        %get3A_1021 = arith.constant 0 : i32
        %get3A_1022 = arith.index_cast %get3A_1020 : i32 to index
        %get3A_1023 = arith.index_cast %scan3A_930 : i32 to index
        %get3A_1024 = arith.index_cast %get3A_1021 : i32 to index
        %get3A_1025 = arith.constant 80 : index
        %get3A_1026 = tpu.vector_load %arg6[%get3A_1022, %get3A_1023, %get3A_1024, %get3A_1025] {strides = array<i32>} : memref<4x32x2x128xf32, #tpu.memory_space<vmem>>, vector<1x1x1x16xf32>,
        %get3A_1027 = vector.shape_cast %get3A_1026 : vector<1x1x1x16xf32> to vector<16xf32>
        %add3A_1028 = arith.addf %get3A_1027, %get3A_644 : vector<16xf32>
        %swap3A_1029 = arith.constant 2 : i32
        %swap3A_1030 = arith.constant 0 : i32
        %swap3A_1031 = arith.index_cast %swap3A_1029 : i32 to index
        %swap3A_1032 = arith.index_cast %scan3A_930 : i32 to index
        %swap3A_1033 = arith.index_cast %swap3A_1030 : i32 to index
        %swap3A_1034 = arith.constant 80 : index
        %swap3A_1035 = tpu.vector_load %arg7[%swap3A_1031, %swap3A_1032, %swap3A_1033, %swap3A_1034] {strides = array<i32>} : memref<4x32x2x128xf32, #tpu.memory_space<vmem>>, vector<1x1x1x16xf32>,
        %swap3A_1036 = vector.shape_cast %swap3A_1035 : vector<1x1x1x16xf32> to vector<16xf32>
        %swap3A_1037 = vector.shape_cast %add3A_1028 : vector<16xf32> to vector<1x1x1x16xf32>
        tpu.vector_store %arg7[%swap3A_1031, %swap3A_1032, %swap3A_1033, %swap3A_1034], %swap3A_1037 {strides = array<i32>} : memref<4x32x2x128xf32, #tpu.memory_space<vmem>>, vector<1x1x1x16xf32>,
        %get3A_1038 = arith.constant 2 : i32
        %get3A_1039 = arith.constant 0 : i32
        %get3A_1040 = arith.index_cast %get3A_1038 : i32 to index
        %get3A_1041 = arith.index_cast %scan3A_930 : i32 to index
        %get3A_1042 = arith.index_cast %get3A_1039 : i32 to index
        %get3A_1043 = arith.constant 96 : index
        %get3A_1044 = tpu.vector_load %arg6[%get3A_1040, %get3A_1041, %get3A_1042, %get3A_1043] {strides = array<i32>} : memref<4x32x2x128xf32, #tpu.memory_space<vmem>>, vector<1x1x1x16xf32>,
        %get3A_1045 = vector.shape_cast %get3A_1044 : vector<1x1x1x16xf32> to vector<16xf32>
        %add3A_1046 = arith.addf %get3A_1045, %get3A_651 : vector<16xf32>
        %swap3A_1047 = arith.constant 2 : i32
        %swap3A_1048 = arith.constant 0 : i32
        %swap3A_1049 = arith.index_cast %swap3A_1047 : i32 to index
        %swap3A_1050 = arith.index_cast %scan3A_930 : i32 to index
        %swap3A_1051 = arith.index_cast %swap3A_1048 : i32 to index
        %swap3A_1052 = arith.constant 96 : index
        %swap3A_1053 = tpu.vector_load %arg7[%swap3A_1049, %swap3A_1050, %swap3A_1051, %swap3A_1052] {strides = array<i32>} : memref<4x32x2x128xf32, #tpu.memory_space<vmem>>, vector<1x1x1x16xf32>,
        %swap3A_1054 = vector.shape_cast %swap3A_1053 : vector<1x1x1x16xf32> to vector<16xf32>
        %swap3A_1055 = vector.shape_cast %add3A_1046 : vector<16xf32> to vector<1x1x1x16xf32>
        tpu.vector_store %arg7[%swap3A_1049, %swap3A_1050, %swap3A_1051, %swap3A_1052], %swap3A_1055 {strides = array<i32>} : memref<4x32x2x128xf32, #tpu.memory_space<vmem>>, vector<1x1x1x16xf32>,
        %get3A_1056 = arith.constant 2 : i32
        %get3A_1057 = arith.constant 0 : i32
        %get3A_1058 = arith.index_cast %get3A_1056 : i32 to index
        %get3A_1059 = arith.index_cast %scan3A_930 : i32 to index
        %get3A_1060 = arith.index_cast %get3A_1057 : i32 to index
        %get3A_1061 = arith.constant 112 : index
        %get3A_1062 = tpu.vector_load %arg6[%get3A_1058, %get3A_1059, %get3A_1060, %get3A_1061] {strides = array<i32>} : memref<4x32x2x128xf32, #tpu.memory_space<vmem>>, vector<1x1x1x16xf32>,
        %get3A_1063 = vector.shape_cast %get3A_1062 : vector<1x1x1x16xf32> to vector<16xf32>
        %add3A_1064 = arith.addf %get3A_1063, %get3A_658 : vector<16xf32>
        %swap3A_1065 = arith.constant 2 : i32
        %swap3A_1066 = arith.constant 0 : i32
        %swap3A_1067 = arith.index_cast %swap3A_1065 : i32 to index
        %swap3A_1068 = arith.index_cast %scan3A_930 : i32 to index
        %swap3A_1069 = arith.index_cast %swap3A_1066 : i32 to index
        %swap3A_1070 = arith.constant 112 : index
        %swap3A_1071 = tpu.vector_load %arg7[%swap3A_1067, %swap3A_1068, %swap3A_1069, %swap3A_1070] {strides = array<i32>} : memref<4x32x2x128xf32, #tpu.memory_space<vmem>>, vector<1x1x1x16xf32>,
        %swap3A_1072 = vector.shape_cast %swap3A_1071 : vector<1x1x1x16xf32> to vector<16xf32>
        %swap3A_1073 = vector.shape_cast %add3A_1064 : vector<16xf32> to vector<1x1x1x16xf32>
        tpu.vector_store %arg7[%swap3A_1067, %swap3A_1068, %swap3A_1069, %swap3A_1070], %swap3A_1073 {strides = array<i32>} : memref<4x32x2x128xf32, #tpu.memory_space<vmem>>, vector<1x1x1x16xf32>,
        %get3A_1074 = arith.constant 2 : i32
        %get3A_1075 = arith.constant 1 : i32
        %get3A_1076 = arith.index_cast %get3A_1074 : i32 to index
        %get3A_1077 = arith.index_cast %scan3A_930 : i32 to index
        %get3A_1078 = arith.index_cast %get3A_1075 : i32 to index
        %get3A_1079 = arith.constant 0 : index
        %get3A_1080 = tpu.vector_load %arg6[%get3A_1076, %get3A_1077, %get3A_1078, %get3A_1079] {strides = array<i32>} : memref<4x32x2x128xf32, #tpu.memory_space<vmem>>, vector<1x1x1x16xf32>,
        %get3A_1081 = vector.shape_cast %get3A_1080 : vector<1x1x1x16xf32> to vector<16xf32>
        %add3A_1082 = arith.addf %get3A_1081, %get3A_665 : vector<16xf32>
        %swap3A_1083 = arith.constant 2 : i32
        %swap3A_1084 = arith.constant 1 : i32
        %swap3A_1085 = arith.index_cast %swap3A_1083 : i32 to index
        %swap3A_1086 = arith.index_cast %scan3A_930 : i32 to index
        %swap3A_1087 = arith.index_cast %swap3A_1084 : i32 to index
        %swap3A_1088 = arith.constant 0 : index
        %swap3A_1089 = tpu.vector_load %arg7[%swap3A_1085, %swap3A_1086, %swap3A_1087, %swap3A_1088] {strides = array<i32>} : memref<4x32x2x128xf32, #tpu.memory_space<vmem>>, vector<1x1x1x16xf32>,
        %swap3A_1090 = vector.shape_cast %swap3A_1089 : vector<1x1x1x16xf32> to vector<16xf32>
        %swap3A_1091 = vector.shape_cast %add3A_1082 : vector<16xf32> to vector<1x1x1x16xf32>
        tpu.vector_store %arg7[%swap3A_1085, %swap3A_1086, %swap3A_1087, %swap3A_1088], %swap3A_1091 {strides = array<i32>} : memref<4x32x2x128xf32, #tpu.memory_space<vmem>>, vector<1x1x1x16xf32>,
        %get3A_1092 = arith.constant 2 : i32
        %get3A_1093 = arith.constant 1 : i32
        %get3A_1094 = arith.index_cast %get3A_1092 : i32 to index
        %get3A_1095 = arith.index_cast %scan3A_930 : i32 to index
        %get3A_1096 = arith.index_cast %get3A_1093 : i32 to index
        %get3A_1097 = arith.constant 16 : index
        %get3A_1098 = tpu.vector_load %arg6[%get3A_1094, %get3A_1095, %get3A_1096, %get3A_1097] {strides = array<i32>} : memref<4x32x2x128xf32, #tpu.memory_space<vmem>>, vector<1x1x1x16xf32>,
        %get3A_1099 = vector.shape_cast %get3A_1098 : vector<1x1x1x16xf32> to vector<16xf32>
        %add3A_1100 = arith.addf %get3A_1099, %get3A_672 : vector<16xf32>
        %swap3A_1101 = arith.constant 2 : i32
        %swap3A_1102 = arith.constant 1 : i32
        %swap3A_1103 = arith.index_cast %swap3A_1101 : i32 to index
        %swap3A_1104 = arith.index_cast %scan3A_930 : i32 to index
        %swap3A_1105 = arith.index_cast %swap3A_1102 : i32 to index
        %swap3A_1106 = arith.constant 16 : index
        %swap3A_1107 = tpu.vector_load %arg7[%swap3A_1103, %swap3A_1104, %swap3A_1105, %swap3A_1106] {strides = array<i32>} : memref<4x32x2x128xf32, #tpu.memory_space<vmem>>, vector<1x1x1x16xf32>,
        %swap3A_1108 = vector.shape_cast %swap3A_1107 : vector<1x1x1x16xf32> to vector<16xf32>
        %swap3A_1109 = vector.shape_cast %add3A_1100 : vector<16xf32> to vector<1x1x1x16xf32>
        tpu.vector_store %arg7[%swap3A_1103, %swap3A_1104, %swap3A_1105, %swap3A_1106], %swap3A_1109 {strides = array<i32>} : memref<4x32x2x128xf32, #tpu.memory_space<vmem>>, vector<1x1x1x16xf32>,
        %get3A_1110 = arith.constant 2 : i32
        %get3A_1111 = arith.constant 1 : i32
        %get3A_1112 = arith.index_cast %get3A_1110 : i32 to index
        %get3A_1113 = arith.index_cast %scan3A_930 : i32 to index
        %get3A_1114 = arith.index_cast %get3A_1111 : i32 to index
        %get3A_1115 = arith.constant 32 : index
        %get3A_1116 = tpu.vector_load %arg6[%get3A_1112, %get3A_1113, %get3A_1114, %get3A_1115] {strides = array<i32>} : memref<4x32x2x128xf32, #tpu.memory_space<vmem>>, vector<1x1x1x16xf32>,
        %get3A_1117 = vector.shape_cast %get3A_1116 : vector<1x1x1x16xf32> to vector<16xf32>
        %add3A_1118 = arith.addf %get3A_1117, %get3A_679 : vector<16xf32>
        %swap3A_1119 = arith.constant 2 : i32
        %swap3A_1120 = arith.constant 1 : i32
        %swap3A_1121 = arith.index_cast %swap3A_1119 : i32 to index
        %swap3A_1122 = arith.index_cast %scan3A_930 : i32 to index
        %swap3A_1123 = arith.index_cast %swap3A_1120 : i32 to index
        %swap3A_1124 = arith.constant 32 : index
        %swap3A_1125 = tpu.vector_load %arg7[%swap3A_1121, %swap3A_1122, %swap3A_1123, %swap3A_1124] {strides = array<i32>} : memref<4x32x2x128xf32, #tpu.memory_space<vmem>>, vector<1x1x1x16xf32>,
        %swap3A_1126 = vector.shape_cast %swap3A_1125 : vector<1x1x1x16xf32> to vector<16xf32>
        %swap3A_1127 = vector.shape_cast %add3A_1118 : vector<16xf32> to vector<1x1x1x16xf32>
        tpu.vector_store %arg7[%swap3A_1121, %swap3A_1122, %swap3A_1123, %swap3A_1124], %swap3A_1127 {strides = array<i32>} : memref<4x32x2x128xf32, #tpu.memory_space<vmem>>, vector<1x1x1x16xf32>,
        %get3A_1128 = arith.constant 2 : i32
        %get3A_1129 = arith.constant 1 : i32
        %get3A_1130 = arith.index_cast %get3A_1128 : i32 to index
        %get3A_1131 = arith.index_cast %scan3A_930 : i32 to index
        %get3A_1132 = arith.index_cast %get3A_1129 : i32 to index
        %get3A_1133 = arith.constant 48 : index
        %get3A_1134 = tpu.vector_load %arg6[%get3A_1130, %get3A_1131, %get3A_1132, %get3A_1133] {strides = array<i32>} : memref<4x32x2x128xf32, #tpu.memory_space<vmem>>, vector<1x1x1x16xf32>,
        %get3A_1135 = vector.shape_cast %get3A_1134 : vector<1x1x1x16xf32> to vector<16xf32>
        %add3A_1136 = arith.addf %get3A_1135, %get3A_686 : vector<16xf32>
        %swap3A_1137 = arith.constant 2 : i32
        %swap3A_1138 = arith.constant 1 : i32
        %swap3A_1139 = arith.index_cast %swap3A_1137 : i32 to index
        %swap3A_1140 = arith.index_cast %scan3A_930 : i32 to index
        %swap3A_1141 = arith.index_cast %swap3A_1138 : i32 to index
        %swap3A_1142 = arith.constant 48 : index
        %swap3A_1143 = tpu.vector_load %arg7[%swap3A_1139, %swap3A_1140, %swap3A_1141, %swap3A_1142] {strides = array<i32>} : memref<4x32x2x128xf32, #tpu.memory_space<vmem>>, vector<1x1x1x16xf32>,
        %swap3A_1144 = vector.shape_cast %swap3A_1143 : vector<1x1x1x16xf32> to vector<16xf32>
        %swap3A_1145 = vector.shape_cast %add3A_1136 : vector<16xf32> to vector<1x1x1x16xf32>
        tpu.vector_store %arg7[%swap3A_1139, %swap3A_1140, %swap3A_1141, %swap3A_1142], %swap3A_1145 {strides = array<i32>} : memref<4x32x2x128xf32, #tpu.memory_space<vmem>>, vector<1x1x1x16xf32>,
        %get3A_1146 = arith.constant 2 : i32
        %get3A_1147 = arith.constant 1 : i32
        %get3A_1148 = arith.index_cast %get3A_1146 : i32 to index
        %get3A_1149 = arith.index_cast %scan3A_930 : i32 to index
        %get3A_1150 = arith.index_cast %get3A_1147 : i32 to index
        %get3A_1151 = arith.constant 64 : index
        %get3A_1152 = tpu.vector_load %arg6[%get3A_1148, %get3A_1149, %get3A_1150, %get3A_1151] {strides = array<i32>} : memref<4x32x2x128xf32, #tpu.memory_space<vmem>>, vector<1x1x1x16xf32>,
        %get3A_1153 = vector.shape_cast %get3A_1152 : vector<1x1x1x16xf32> to vector<16xf32>
        %add3A_1154 = arith.addf %get3A_1153, %get3A_693 : vector<16xf32>
        %swap3A_1155 = arith.constant 2 : i32
        %swap3A_1156 = arith.constant 1 : i32
        %swap3A_1157 = arith.index_cast %swap3A_1155 : i32 to index
        %swap3A_1158 = arith.index_cast %scan3A_930 : i32 to index
        %swap3A_1159 = arith.index_cast %swap3A_1156 : i32 to index
        %swap3A_1160 = arith.constant 64 : index
        %swap3A_1161 = tpu.vector_load %arg7[%swap3A_1157, %swap3A_1158, %swap3A_1159, %swap3A_1160] {strides = array<i32>} : memref<4x32x2x128xf32, #tpu.memory_space<vmem>>, vector<1x1x1x16xf32>,
        %swap3A_1162 = vector.shape_cast %swap3A_1161 : vector<1x1x1x16xf32> to vector<16xf32>
        %swap3A_1163 = vector.shape_cast %add3A_1154 : vector<16xf32> to vector<1x1x1x16xf32>
        tpu.vector_store %arg7[%swap3A_1157, %swap3A_1158, %swap3A_1159, %swap3A_1160], %swap3A_1163 {strides = array<i32>} : memref<4x32x2x128xf32, #tpu.memory_space<vmem>>, vector<1x1x1x16xf32>,
        %get3A_1164 = arith.constant 2 : i32
        %get3A_1165 = arith.constant 1 : i32
        %get3A_1166 = arith.index_cast %get3A_1164 : i32 to index
        %get3A_1167 = arith.index_cast %scan3A_930 : i32 to index
        %get3A_1168 = arith.index_cast %get3A_1165 : i32 to index
        %get3A_1169 = arith.constant 80 : index
        %get3A_1170 = tpu.vector_load %arg6[%get3A_1166, %get3A_1167, %get3A_1168, %get3A_1169] {strides = array<i32>} : memref<4x32x2x128xf32, #tpu.memory_space<vmem>>, vector<1x1x1x16xf32>,
        %get3A_1171 = vector.shape_cast %get3A_1170 : vector<1x1x1x16xf32> to vector<16xf32>
        %add3A_1172 = arith.addf %get3A_1171, %get3A_700 : vector<16xf32>
        %swap3A_1173 = arith.constant 2 : i32
        %swap3A_1174 = arith.constant 1 : i32
        %swap3A_1175 = arith.index_cast %swap3A_1173 : i32 to index
        %swap3A_1176 = arith.index_cast %scan3A_930 : i32 to index
        %swap3A_1177 = arith.index_cast %swap3A_1174 : i32 to index
        %swap3A_1178 = arith.constant 80 : index
        %swap3A_1179 = tpu.vector_load %arg7[%swap3A_1175, %swap3A_1176, %swap3A_1177, %swap3A_1178] {strides = array<i32>} : memref<4x32x2x128xf32, #tpu.memory_space<vmem>>, vector<1x1x1x16xf32>,
        %swap3A_1180 = vector.shape_cast %swap3A_1179 : vector<1x1x1x16xf32> to vector<16xf32>
        %swap3A_1181 = vector.shape_cast %add3A_1172 : vector<16xf32> to vector<1x1x1x16xf32>
        tpu.vector_store %arg7[%swap3A_1175, %swap3A_1176, %swap3A_1177, %swap3A_1178], %swap3A_1181 {strides = array<i32>} : memref<4x32x2x128xf32, #tpu.memory_space<vmem>>, vector<1x1x1x16xf32>,
        %get3A_1182 = arith.constant 2 : i32
        %get3A_1183 = arith.constant 1 : i32
        %get3A_1184 = arith.index_cast %get3A_1182 : i32 to index
        %get3A_1185 = arith.index_cast %scan3A_930 : i32 to index
        %get3A_1186 = arith.index_cast %get3A_1183 : i32 to index
        %get3A_1187 = arith.constant 96 : index
        %get3A_1188 = tpu.vector_load %arg6[%get3A_1184, %get3A_1185, %get3A_1186, %get3A_1187] {strides = array<i32>} : memref<4x32x2x128xf32, #tpu.memory_space<vmem>>, vector<1x1x1x16xf32>,
        %get3A_1189 = vector.shape_cast %get3A_1188 : vector<1x1x1x16xf32> to vector<16xf32>
        %add3A_1190 = arith.addf %get3A_1189, %get3A_707 : vector<16xf32>
        %swap3A_1191 = arith.constant 2 : i32
        %swap3A_1192 = arith.constant 1 : i32
        %swap3A_1193 = arith.index_cast %swap3A_1191 : i32 to index
        %swap3A_1194 = arith.index_cast %scan3A_930 : i32 to index
        %swap3A_1195 = arith.index_cast %swap3A_1192 : i32 to index
        %swap3A_1196 = arith.constant 96 : index
        %swap3A_1197 = tpu.vector_load %arg7[%swap3A_1193, %swap3A_1194, %swap3A_1195, %swap3A_1196] {strides = array<i32>} : memref<4x32x2x128xf32, #tpu.memory_space<vmem>>, vector<1x1x1x16xf32>,
        %swap3A_1198 = vector.shape_cast %swap3A_1197 : vector<1x1x1x16xf32> to vector<16xf32>
        %swap3A_1199 = vector.shape_cast %add3A_1190 : vector<16xf32> to vector<1x1x1x16xf32>
        tpu.vector_store %arg7[%swap3A_1193, %swap3A_1194, %swap3A_1195, %swap3A_1196], %swap3A_1199 {strides = array<i32>} : memref<4x32x2x128xf32, #tpu.memory_space<vmem>>, vector<1x1x1x16xf32>,
        %get3A_1200 = arith.constant 2 : i32
        %get3A_1201 = arith.constant 1 : i32
        %get3A_1202 = arith.index_cast %get3A_1200 : i32 to index
        %get3A_1203 = arith.index_cast %scan3A_930 : i32 to index
        %get3A_1204 = arith.index_cast %get3A_1201 : i32 to index
        %get3A_1205 = arith.constant 112 : index
        %get3A_1206 = tpu.vector_load %arg6[%get3A_1202, %get3A_1203, %get3A_1204, %get3A_1205] {strides = array<i32>} : memref<4x32x2x128xf32, #tpu.memory_space<vmem>>, vector<1x1x1x16xf32>,
        %get3A_1207 = vector.shape_cast %get3A_1206 : vector<1x1x1x16xf32> to vector<16xf32>
        %add3A_1208 = arith.addf %get3A_1207, %get3A_714 : vector<16xf32>
        %swap3A_1209 = arith.constant 2 : i32
        %swap3A_1210 = arith.constant 1 : i32
        %swap3A_1211 = arith.index_cast %swap3A_1209 : i32 to index
        %swap3A_1212 = arith.index_cast %scan3A_930 : i32 to index
        %swap3A_1213 = arith.index_cast %swap3A_1210 : i32 to index
        %swap3A_1214 = arith.constant 112 : index
        %swap3A_1215 = tpu.vector_load %arg7[%swap3A_1211, %swap3A_1212, %swap3A_1213, %swap3A_1214] {strides = array<i32>} : memref<4x32x2x128xf32, #tpu.memory_space<vmem>>, vector<1x1x1x16xf32>,
        %swap3A_1216 = vector.shape_cast %swap3A_1215 : vector<1x1x1x16xf32> to vector<16xf32>
        %swap3A_1217 = vector.shape_cast %add3A_1208 : vector<16xf32> to vector<1x1x1x16xf32>
        tpu.vector_store %arg7[%swap3A_1211, %swap3A_1212, %swap3A_1213, %swap3A_1214], %swap3A_1217 {strides = array<i32>} : memref<4x32x2x128xf32, #tpu.memory_space<vmem>>, vector<1x1x1x16xf32>,
      }
      %scan3A_719 = arith.constant 32 : i32
      %mul3A_720 = arith.constant 2 : i32
      %mul3A_721 = arith.muli %add3A_567, %mul3A_720 : i32
      %add3A_722 = arith.addi %mul3A_2, %mul3A_721 : i32
      %dma_start3A_723 = arith.constant 2 : i32
      %dma_start3A_724 = arith.constant 0 : i32
      %dma_start3A_725 = arith.constant 0 : i32
      %dma_start3A_726 = arith.constant 0 : i32
      %dma_start3A_727 = tpu.memref_slice %arg7[%dma_start3A_723, %dma_start3A_724, %dma_start3A_725, %dma_start3A_726] : memref<4x32x2x128xf32, #tpu.memory_space<vmem>> -> memref<1x32x2x128xf32, #tpu.memory_space<vmem>>
      %dma_start3A_728 = tpu.memref_squeeze %dma_start3A_727 : memref<1x32x2x128xf32, #tpu.memory_space<vmem>> -> memref<32x2x128xf32, #tpu.memory_space<vmem>>
      %dma_start3A_729 = arith.constant 0 : i32
      %dma_start3A_730 = arith.constant 0 : i32
      %dma_start3A_731 = tpu.memref_slice %arg4[%dma_start3A_729, %add3A_722, %dma_start3A_730] : memref<32x8192x128xf32, #tpu.memory_space<hbm>> -> memref<32x2x128xf32, #tpu.memory_space<hbm>>
      %dma_start3A_732 = arith.constant 0 : i32
      %dma_start3A_733 = arith.constant 0 : i32
      %dma_start3A_734 = tpu.memref_slice %arg4[%dma_start3A_732, %add3A_722, %dma_start3A_733] : memref<32x8192x128xf32, #tpu.memory_space<hbm>> -> memref<32x2x128xf32, #tpu.memory_space<hbm>>
      %dma_start3A_735 = arith.constant 0 : i32
      %dma_start3A_736 = arith.constant 0 : i32
      %dma_start3A_737 = arith.constant 0 : i32
      %dma_start3A_738 = tpu.memref_slice %arg7[%dma_start3A_723, %dma_start3A_735, %dma_start3A_736, %dma_start3A_737] : memref<4x32x2x128xf32, #tpu.memory_space<vmem>> -> memref<1x32x2x128xf32, #tpu.memory_space<vmem>>
      %dma_start3A_739 = tpu.memref_squeeze %dma_start3A_738 : memref<1x32x2x128xf32, #tpu.memory_space<vmem>> -> memref<32x2x128xf32, #tpu.memory_space<vmem>>
      tpu.enqueue_dma source(%dma_start3A_739 : memref<32x2x128xf32, #tpu.memory_space<vmem>>) target(%dma_start3A_734 : memref<32x2x128xf32, #tpu.memory_space<hbm>>) target_semaphore(%arg18 : memref<!tpu.dma_semaphore, #tpu.memory_space<semaphore_mem>>)
      %add3A_740 = arith.constant 1 : i32
      %add3A_741 = arith.addi %scan3A_202, %add3A_740 : i32
      %lt3A_742 = arith.constant 32 : i32
      %lt3A_743 = arith.cmpi slt, %add3A_741, %lt3A_742 : i32
      %convert_element_type3A_744 = arith.extui %lt3A_743 : i1 to i32
      %cond3A_745 = arith.constant 0 : i32
      %cond3A_746 = arith.cmpi ne, %convert_element_type3A_744, %cond3A_745 : i32
      scf.if %cond3A_746 {
        %add3A_930 = arith.constant 4 : i32
        %add3A_931 = arith.addi %add3A_567, %add3A_930 : i32
        %mul3A_932 = arith.constant 2 : i32
        %mul3A_933 = arith.muli %add3A_931, %mul3A_932 : i32
        %add3A_934 = arith.addi %mul3A_2, %mul3A_933 : i32
        %dma_start3A_935 = arith.constant 2 : i32
        %dma_start3A_936 = arith.constant 0 : i32
        %dma_start3A_937 = arith.constant 0 : i32
        %dma_start3A_938 = arith.constant 0 : i32
        %dma_start3A_939 = tpu.memref_slice %arg6[%dma_start3A_935, %dma_start3A_936, %dma_start3A_937, %dma_start3A_938] : memref<4x32x2x128xf32, #tpu.memory_space<vmem>> -> memref<1x32x2x128xf32, #tpu.memory_space<vmem>>
        %dma_start3A_940 = tpu.memref_squeeze %dma_start3A_939 : memref<1x32x2x128xf32, #tpu.memory_space<vmem>> -> memref<32x2x128xf32, #tpu.memory_space<vmem>>
        %dma_start3A_941 = arith.constant 0 : i32
        %dma_start3A_942 = arith.constant 0 : i32
        %dma_start3A_943 = tpu.memref_slice %arg2[%dma_start3A_941, %add3A_934, %dma_start3A_942] : memref<32x8192x128xf32, #tpu.memory_space<hbm>> -> memref<32x2x128xf32, #tpu.memory_space<hbm>>
        %dma_start3A_944 = arith.constant 0 : i32
        %dma_start3A_945 = arith.constant 0 : i32
        %dma_start3A_946 = arith.constant 0 : i32
        %dma_start3A_947 = tpu.memref_slice %arg6[%dma_start3A_935, %dma_start3A_944, %dma_start3A_945, %dma_start3A_946] : memref<4x32x2x128xf32, #tpu.memory_space<vmem>> -> memref<1x32x2x128xf32, #tpu.memory_space<vmem>>
        %dma_start3A_948 = tpu.memref_squeeze %dma_start3A_947 : memref<1x32x2x128xf32, #tpu.memory_space<vmem>> -> memref<32x2x128xf32, #tpu.memory_space<vmem>>
        %dma_start3A_949 = arith.constant 0 : i32
        %dma_start3A_950 = arith.constant 0 : i32
        %dma_start3A_951 = tpu.memref_slice %arg2[%dma_start3A_949, %add3A_934, %dma_start3A_950] : memref<32x8192x128xf32, #tpu.memory_space<hbm>> -> memref<32x2x128xf32, #tpu.memory_space<hbm>>
        tpu.enqueue_dma source(%dma_start3A_951 : memref<32x2x128xf32, #tpu.memory_space<hbm>>) target(%dma_start3A_948 : memref<32x2x128xf32, #tpu.memory_space<vmem>>) target_semaphore(%arg14 : memref<!tpu.dma_semaphore, #tpu.memory_space<semaphore_mem>>)
        %dma_start3A_952 = arith.constant 2 : i32
        %dma_start3A_953 = arith.constant 0 : i32
        %dma_start3A_954 = arith.constant 0 : i32
        %dma_start3A_955 = tpu.memref_slice %arg5[%dma_start3A_952, %dma_start3A_953, %dma_start3A_954] : memref<4x2x128xf32, #tpu.memory_space<vmem>> -> memref<1x2x128xf32, #tpu.memory_space<vmem>>
        %dma_start3A_956 = tpu.memref_squeeze %dma_start3A_955 : memref<1x2x128xf32, #tpu.memory_space<vmem>> -> memref<2x128xf32, #tpu.memory_space<vmem>>
        %dma_start3A_957 = arith.constant 0 : i32
        %dma_start3A_958 = tpu.memref_slice %arg3[%add3A_934, %dma_start3A_957] : memref<8192x128xf32, #tpu.memory_space<hbm>> -> memref<2x128xf32, #tpu.memory_space<hbm>>
        %dma_start3A_959 = arith.constant 0 : i32
        %dma_start3A_960 = arith.constant 0 : i32
        %dma_start3A_961 = tpu.memref_slice %arg5[%dma_start3A_952, %dma_start3A_959, %dma_start3A_960] : memref<4x2x128xf32, #tpu.memory_space<vmem>> -> memref<1x2x128xf32, #tpu.memory_space<vmem>>
        %dma_start3A_962 = tpu.memref_squeeze %dma_start3A_961 : memref<1x2x128xf32, #tpu.memory_space<vmem>> -> memref<2x128xf32, #tpu.memory_space<vmem>>
        %dma_start3A_963 = arith.constant 0 : i32
        %dma_start3A_964 = tpu.memref_slice %arg3[%add3A_934, %dma_start3A_963] : memref<8192x128xf32, #tpu.memory_space<hbm>> -> memref<2x128xf32, #tpu.memory_space<hbm>>
        tpu.enqueue_dma source(%dma_start3A_964 : memref<2x128xf32, #tpu.memory_space<hbm>>) target(%dma_start3A_962 : memref<2x128xf32, #tpu.memory_space<vmem>>) target_semaphore(%arg10 : memref<!tpu.dma_semaphore, #tpu.memory_space<semaphore_mem>>)
      } else {
      }
      %mul3A_747 = arith.constant 4 : i32
      %mul3A_748 = arith.muli %scan3A_202, %mul3A_747 : i32
      %add3A_749 = arith.constant 3 : i32
      %add3A_750 = arith.addi %mul3A_748, %add3A_749 : i32
      %dma_wait3A_751 = arith.constant 3 : i32
      %dma_wait3A_752 = arith.constant 0 : i32
      %dma_wait3A_753 = arith.constant 0 : i32
      %dma_wait3A_754 = arith.constant 0 : i32
      %dma_wait3A_755 = tpu.memref_slice %arg6[%dma_wait3A_751, %dma_wait3A_752, %dma_wait3A_753, %dma_wait3A_754] : memref<4x32x2x128xf32, #tpu.memory_space<vmem>> -> memref<1x32x2x128xf32, #tpu.memory_space<vmem>>
      %dma_wait3A_756 = tpu.memref_squeeze %dma_wait3A_755 : memref<1x32x2x128xf32, #tpu.memory_space<vmem>> -> memref<32x2x128xf32, #tpu.memory_space<vmem>>
      %dma_wait3A_757 = arith.constant 0 : i32
      %dma_wait3A_758 = arith.constant 0 : i32
      %dma_wait3A_759 = tpu.memref_slice %arg2[%dma_wait3A_757, %mul3A_2, %dma_wait3A_758] : memref<32x8192x128xf32, #tpu.memory_space<hbm>> -> memref<32x2x128xf32, #tpu.memory_space<hbm>>
      %dma_wait3A_760 = arith.constant 0 : i32
      %dma_wait3A_761 = arith.constant 0 : i32
      %dma_wait3A_762 = arith.constant 0 : i32
      %dma_wait3A_763 = tpu.memref_slice %arg6[%dma_wait3A_751, %dma_wait3A_760, %dma_wait3A_761, %dma_wait3A_762] : memref<4x32x2x128xf32, #tpu.memory_space<vmem>> -> memref<1x32x2x128xf32, #tpu.memory_space<vmem>>
      %dma_wait3A_764 = tpu.memref_squeeze %dma_wait3A_763 : memref<1x32x2x128xf32, #tpu.memory_space<vmem>> -> memref<32x2x128xf32, #tpu.memory_space<vmem>>
      %dma_wait3A_765 = arith.constant 0 : i32
      %dma_wait3A_766 = arith.constant 0 : i32
      %dma_wait3A_767 = tpu.memref_slice %arg2[%dma_wait3A_765, %mul3A_2, %dma_wait3A_766] : memref<32x8192x128xf32, #tpu.memory_space<hbm>> -> memref<32x2x128xf32, #tpu.memory_space<hbm>>
      tpu.wait_dma2 semaphore(%arg15 : memref<!tpu.dma_semaphore, #tpu.memory_space<semaphore_mem>>) src(%dma_wait3A_767 : memref<32x2x128xf32, #tpu.memory_space<hbm>>) dst(%dma_wait3A_764 : memref<32x2x128xf32, #tpu.memory_space<vmem>>)
      %dma_wait3A_768 = arith.constant 3 : i32
      %dma_wait3A_769 = arith.constant 0 : i32
      %dma_wait3A_770 = arith.constant 0 : i32
      %dma_wait3A_771 = tpu.memref_slice %arg5[%dma_wait3A_768, %dma_wait3A_769, %dma_wait3A_770] : memref<4x2x128xf32, #tpu.memory_space<vmem>> -> memref<1x2x128xf32, #tpu.memory_space<vmem>>
      %dma_wait3A_772 = tpu.memref_squeeze %dma_wait3A_771 : memref<1x2x128xf32, #tpu.memory_space<vmem>> -> memref<2x128xf32, #tpu.memory_space<vmem>>
      %dma_wait3A_773 = arith.constant 0 : i32
      %dma_wait3A_774 = tpu.memref_slice %arg3[%mul3A_2, %dma_wait3A_773] : memref<8192x128xf32, #tpu.memory_space<hbm>> -> memref<2x128xf32, #tpu.memory_space<hbm>>
      %dma_wait3A_775 = arith.constant 0 : i32
      %dma_wait3A_776 = arith.constant 0 : i32
      %dma_wait3A_777 = tpu.memref_slice %arg5[%dma_wait3A_768, %dma_wait3A_775, %dma_wait3A_776] : memref<4x2x128xf32, #tpu.memory_space<vmem>> -> memref<1x2x128xf32, #tpu.memory_space<vmem>>
      %dma_wait3A_778 = tpu.memref_squeeze %dma_wait3A_777 : memref<1x2x128xf32, #tpu.memory_space<vmem>> -> memref<2x128xf32, #tpu.memory_space<vmem>>
      %dma_wait3A_779 = arith.constant 0 : i32
      %dma_wait3A_780 = tpu.memref_slice %arg3[%mul3A_2, %dma_wait3A_779] : memref<8192x128xf32, #tpu.memory_space<hbm>> -> memref<2x128xf32, #tpu.memory_space<hbm>>
      tpu.wait_dma2 semaphore(%arg11 : memref<!tpu.dma_semaphore, #tpu.memory_space<semaphore_mem>>) src(%dma_wait3A_780 : memref<2x128xf32, #tpu.memory_space<hbm>>) dst(%dma_wait3A_778 : memref<2x128xf32, #tpu.memory_space<vmem>>)
      %ge3A_781 = arith.constant 1 : i32
      %ge3A_782 = arith.cmpi sge, %scan3A_202, %ge3A_781 : i32
      %convert_element_type3A_783 = arith.extui %ge3A_782 : i1 to i32
      %cond3A_784 = arith.constant 0 : i32
      %cond3A_785 = arith.cmpi ne, %convert_element_type3A_783, %cond3A_784 : i32
      scf.if %cond3A_785 {
        %dma_wait3A_930 = arith.constant 3 : i32
        %dma_wait3A_931 = arith.constant 0 : i32
        %dma_wait3A_932 = arith.constant 0 : i32
        %dma_wait3A_933 = arith.constant 0 : i32
        %dma_wait3A_934 = tpu.memref_slice %arg7[%dma_wait3A_930, %dma_wait3A_931, %dma_wait3A_932, %dma_wait3A_933] : memref<4x32x2x128xf32, #tpu.memory_space<vmem>> -> memref<1x32x2x128xf32, #tpu.memory_space<vmem>>
        %dma_wait3A_935 = tpu.memref_squeeze %dma_wait3A_934 : memref<1x32x2x128xf32, #tpu.memory_space<vmem>> -> memref<32x2x128xf32, #tpu.memory_space<vmem>>
        %dma_wait3A_936 = arith.constant 0 : i32
        %dma_wait3A_937 = arith.constant 0 : i32
        %dma_wait3A_938 = tpu.memref_slice %arg4[%dma_wait3A_936, %mul3A_2, %dma_wait3A_937] : memref<32x8192x128xf32, #tpu.memory_space<hbm>> -> memref<32x2x128xf32, #tpu.memory_space<hbm>>
        %dma_wait3A_939 = arith.constant 0 : i32
        %dma_wait3A_940 = arith.constant 0 : i32
        %dma_wait3A_941 = tpu.memref_slice %arg4[%dma_wait3A_939, %mul3A_2, %dma_wait3A_940] : memref<32x8192x128xf32, #tpu.memory_space<hbm>> -> memref<32x2x128xf32, #tpu.memory_space<hbm>>
        %dma_wait3A_942 = arith.constant 0 : i32
        %dma_wait3A_943 = arith.constant 0 : i32
        %dma_wait3A_944 = arith.constant 0 : i32
        %dma_wait3A_945 = tpu.memref_slice %arg7[%dma_wait3A_930, %dma_wait3A_942, %dma_wait3A_943, %dma_wait3A_944] : memref<4x32x2x128xf32, #tpu.memory_space<vmem>> -> memref<1x32x2x128xf32, #tpu.memory_space<vmem>>
        %dma_wait3A_946 = tpu.memref_squeeze %dma_wait3A_945 : memref<1x32x2x128xf32, #tpu.memory_space<vmem>> -> memref<32x2x128xf32, #tpu.memory_space<vmem>>
        tpu.wait_dma2 semaphore(%arg19 : memref<!tpu.dma_semaphore, #tpu.memory_space<semaphore_mem>>) src(%dma_wait3A_946 : memref<32x2x128xf32, #tpu.memory_space<vmem>>) dst(%dma_wait3A_941 : memref<32x2x128xf32, #tpu.memory_space<hbm>>)
      } else {
      }
      %get3A_786 = arith.constant 3 : i32
      %get3A_787 = arith.constant 0 : i32
      %get3A_788 = arith.index_cast %get3A_786 : i32 to index
      %get3A_789 = arith.index_cast %get3A_787 : i32 to index
      %get3A_790 = arith.constant 0 : index
      %get3A_791 = tpu.vector_load %arg5[%get3A_788, %get3A_789, %get3A_790] {strides = array<i32>} : memref<4x2x128xf32, #tpu.memory_space<vmem>>, vector<1x1x16xf32>,
      %get3A_792 = vector.shape_cast %get3A_791 : vector<1x1x16xf32> to vector<16xf32>
      %get3A_793 = arith.constant 3 : i32
      %get3A_794 = arith.constant 0 : i32
      %get3A_795 = arith.index_cast %get3A_793 : i32 to index
      %get3A_796 = arith.index_cast %get3A_794 : i32 to index
      %get3A_797 = arith.constant 16 : index
      %get3A_798 = tpu.vector_load %arg5[%get3A_795, %get3A_796, %get3A_797] {strides = array<i32>} : memref<4x2x128xf32, #tpu.memory_space<vmem>>, vector<1x1x16xf32>,
      %get3A_799 = vector.shape_cast %get3A_798 : vector<1x1x16xf32> to vector<16xf32>
      %get3A_800 = arith.constant 3 : i32
      %get3A_801 = arith.constant 0 : i32
      %get3A_802 = arith.index_cast %get3A_800 : i32 to index
      %get3A_803 = arith.index_cast %get3A_801 : i32 to index
      %get3A_804 = arith.constant 32 : index
      %get3A_805 = tpu.vector_load %arg5[%get3A_802, %get3A_803, %get3A_804] {strides = array<i32>} : memref<4x2x128xf32, #tpu.memory_space<vmem>>, vector<1x1x16xf32>,
      %get3A_806 = vector.shape_cast %get3A_805 : vector<1x1x16xf32> to vector<16xf32>
      %get3A_807 = arith.constant 3 : i32
      %get3A_808 = arith.constant 0 : i32
      %get3A_809 = arith.index_cast %get3A_807 : i32 to index
      %get3A_810 = arith.index_cast %get3A_808 : i32 to index
      %get3A_811 = arith.constant 48 : index
      %get3A_812 = tpu.vector_load %arg5[%get3A_809, %get3A_810, %get3A_811] {strides = array<i32>} : memref<4x2x128xf32, #tpu.memory_space<vmem>>, vector<1x1x16xf32>,
      %get3A_813 = vector.shape_cast %get3A_812 : vector<1x1x16xf32> to vector<16xf32>
      %get3A_814 = arith.constant 3 : i32
      %get3A_815 = arith.constant 0 : i32
      %get3A_816 = arith.index_cast %get3A_814 : i32 to index
      %get3A_817 = arith.index_cast %get3A_815 : i32 to index
      %get3A_818 = arith.constant 64 : index
      %get3A_819 = tpu.vector_load %arg5[%get3A_816, %get3A_817, %get3A_818] {strides = array<i32>} : memref<4x2x128xf32, #tpu.memory_space<vmem>>, vector<1x1x16xf32>,
      %get3A_820 = vector.shape_cast %get3A_819 : vector<1x1x16xf32> to vector<16xf32>
      %get3A_821 = arith.constant 3 : i32
      %get3A_822 = arith.constant 0 : i32
      %get3A_823 = arith.index_cast %get3A_821 : i32 to index
      %get3A_824 = arith.index_cast %get3A_822 : i32 to index
      %get3A_825 = arith.constant 80 : index
      %get3A_826 = tpu.vector_load %arg5[%get3A_823, %get3A_824, %get3A_825] {strides = array<i32>} : memref<4x2x128xf32, #tpu.memory_space<vmem>>, vector<1x1x16xf32>,
      %get3A_827 = vector.shape_cast %get3A_826 : vector<1x1x16xf32> to vector<16xf32>
      %get3A_828 = arith.constant 3 : i32
      %get3A_829 = arith.constant 0 : i32
      %get3A_830 = arith.index_cast %get3A_828 : i32 to index
      %get3A_831 = arith.index_cast %get3A_829 : i32 to index
      %get3A_832 = arith.constant 96 : index
      %get3A_833 = tpu.vector_load %arg5[%get3A_830, %get3A_831, %get3A_832] {strides = array<i32>} : memref<4x2x128xf32, #tpu.memory_space<vmem>>, vector<1x1x16xf32>,
      %get3A_834 = vector.shape_cast %get3A_833 : vector<1x1x16xf32> to vector<16xf32>
      %get3A_835 = arith.constant 3 : i32
      %get3A_836 = arith.constant 0 : i32
      %get3A_837 = arith.index_cast %get3A_835 : i32 to index
      %get3A_838 = arith.index_cast %get3A_836 : i32 to index
      %get3A_839 = arith.constant 112 : index
      %get3A_840 = tpu.vector_load %arg5[%get3A_837, %get3A_838, %get3A_839] {strides = array<i32>} : memref<4x2x128xf32, #tpu.memory_space<vmem>>, vector<1x1x16xf32>,
      %get3A_841 = vector.shape_cast %get3A_840 : vector<1x1x16xf32> to vector<16xf32>
      %get3A_842 = arith.constant 3 : i32
      %get3A_843 = arith.constant 1 : i32
      %get3A_844 = arith.index_cast %get3A_842 : i32 to index
      %get3A_845 = arith.index_cast %get3A_843 : i32 to index
      %get3A_846 = arith.constant 0 : index
      %get3A_847 = tpu.vector_load %arg5[%get3A_844, %get3A_845, %get3A_846] {strides = array<i32>} : memref<4x2x128xf32, #tpu.memory_space<vmem>>, vector<1x1x16xf32>,
      %get3A_848 = vector.shape_cast %get3A_847 : vector<1x1x16xf32> to vector<16xf32>
      %get3A_849 = arith.constant 3 : i32
      %get3A_850 = arith.constant 1 : i32
      %get3A_851 = arith.index_cast %get3A_849 : i32 to index
      %get3A_852 = arith.index_cast %get3A_850 : i32 to index
      %get3A_853 = arith.constant 16 : index
      %get3A_854 = tpu.vector_load %arg5[%get3A_851, %get3A_852, %get3A_853] {strides = array<i32>} : memref<4x2x128xf32, #tpu.memory_space<vmem>>, vector<1x1x16xf32>,
      %get3A_855 = vector.shape_cast %get3A_854 : vector<1x1x16xf32> to vector<16xf32>
      %get3A_856 = arith.constant 3 : i32
      %get3A_857 = arith.constant 1 : i32
      %get3A_858 = arith.index_cast %get3A_856 : i32 to index
      %get3A_859 = arith.index_cast %get3A_857 : i32 to index
      %get3A_860 = arith.constant 32 : index
      %get3A_861 = tpu.vector_load %arg5[%get3A_858, %get3A_859, %get3A_860] {strides = array<i32>} : memref<4x2x128xf32, #tpu.memory_space<vmem>>, vector<1x1x16xf32>,
      %get3A_862 = vector.shape_cast %get3A_861 : vector<1x1x16xf32> to vector<16xf32>
      %get3A_863 = arith.constant 3 : i32
      %get3A_864 = arith.constant 1 : i32
      %get3A_865 = arith.index_cast %get3A_863 : i32 to index
      %get3A_866 = arith.index_cast %get3A_864 : i32 to index
      %get3A_867 = arith.constant 48 : index
      %get3A_868 = tpu.vector_load %arg5[%get3A_865, %get3A_866, %get3A_867] {strides = array<i32>} : memref<4x2x128xf32, #tpu.memory_space<vmem>>, vector<1x1x16xf32>,
      %get3A_869 = vector.shape_cast %get3A_868 : vector<1x1x16xf32> to vector<16xf32>
      %get3A_870 = arith.constant 3 : i32
      %get3A_871 = arith.constant 1 : i32
      %get3A_872 = arith.index_cast %get3A_870 : i32 to index
      %get3A_873 = arith.index_cast %get3A_871 : i32 to index
      %get3A_874 = arith.constant 64 : index
      %get3A_875 = tpu.vector_load %arg5[%get3A_872, %get3A_873, %get3A_874] {strides = array<i32>} : memref<4x2x128xf32, #tpu.memory_space<vmem>>, vector<1x1x16xf32>,
      %get3A_876 = vector.shape_cast %get3A_875 : vector<1x1x16xf32> to vector<16xf32>
      %get3A_877 = arith.constant 3 : i32
      %get3A_878 = arith.constant 1 : i32
      %get3A_879 = arith.index_cast %get3A_877 : i32 to index
      %get3A_880 = arith.index_cast %get3A_878 : i32 to index
      %get3A_881 = arith.constant 80 : index
      %get3A_882 = tpu.vector_load %arg5[%get3A_879, %get3A_880, %get3A_881] {strides = array<i32>} : memref<4x2x128xf32, #tpu.memory_space<vmem>>, vector<1x1x16xf32>,
      %get3A_883 = vector.shape_cast %get3A_882 : vector<1x1x16xf32> to vector<16xf32>
      %get3A_884 = arith.constant 3 : i32
      %get3A_885 = arith.constant 1 : i32
      %get3A_886 = arith.index_cast %get3A_884 : i32 to index
      %get3A_887 = arith.index_cast %get3A_885 : i32 to index
      %get3A_888 = arith.constant 96 : index
      %get3A_889 = tpu.vector_load %arg5[%get3A_886, %get3A_887, %get3A_888] {strides = array<i32>} : memref<4x2x128xf32, #tpu.memory_space<vmem>>, vector<1x1x16xf32>,
      %get3A_890 = vector.shape_cast %get3A_889 : vector<1x1x16xf32> to vector<16xf32>
      %get3A_891 = arith.constant 3 : i32
      %get3A_892 = arith.constant 1 : i32
      %get3A_893 = arith.index_cast %get3A_891 : i32 to index
      %get3A_894 = arith.index_cast %get3A_892 : i32 to index
      %get3A_895 = arith.constant 112 : index
      %get3A_896 = tpu.vector_load %arg5[%get3A_893, %get3A_894, %get3A_895] {strides = array<i32>} : memref<4x2x128xf32, #tpu.memory_space<vmem>>, vector<1x1x16xf32>,
      %get3A_897 = vector.shape_cast %get3A_896 : vector<1x1x16xf32> to vector<16xf32>
      %scan3A_898 = arith.constant 0 : i32
      %scan3A_899 = arith.constant 32 : i32
      %scan3A_900 = arith.addi %scan3A_898, %scan3A_899 : i32
      %scan3A_901 = arith.constant 1 : i32
      scf.for %scan3A_930 = %scan3A_898 to %scan3A_900 step %scan3A_901  : i32 {
        %get3A_931 = arith.constant 3 : i32
        %get3A_932 = arith.constant 0 : i32
        %get3A_933 = arith.index_cast %get3A_931 : i32 to index
        %get3A_934 = arith.index_cast %scan3A_930 : i32 to index
        %get3A_935 = arith.index_cast %get3A_932 : i32 to index
        %get3A_936 = arith.constant 0 : index
        %get3A_937 = tpu.vector_load %arg6[%get3A_933, %get3A_934, %get3A_935, %get3A_936] {strides = array<i32>} : memref<4x32x2x128xf32, #tpu.memory_space<vmem>>, vector<1x1x1x16xf32>,
        %get3A_938 = vector.shape_cast %get3A_937 : vector<1x1x1x16xf32> to vector<16xf32>
        %add3A_939 = arith.addf %get3A_938, %get3A_792 : vector<16xf32>
        %swap3A = arith.constant 3 : i32
        %swap3A_940 = arith.constant 0 : i32
        %swap3A_941 = arith.index_cast %swap3A : i32 to index
        %swap3A_942 = arith.index_cast %scan3A_930 : i32 to index
        %swap3A_943 = arith.index_cast %swap3A_940 : i32 to index
        %swap3A_944 = arith.constant 0 : index
        %swap3A_945 = tpu.vector_load %arg7[%swap3A_941, %swap3A_942, %swap3A_943, %swap3A_944] {strides = array<i32>} : memref<4x32x2x128xf32, #tpu.memory_space<vmem>>, vector<1x1x1x16xf32>,
        %swap3A_946 = vector.shape_cast %swap3A_945 : vector<1x1x1x16xf32> to vector<16xf32>
        %swap3A_947 = vector.shape_cast %add3A_939 : vector<16xf32> to vector<1x1x1x16xf32>
        tpu.vector_store %arg7[%swap3A_941, %swap3A_942, %swap3A_943, %swap3A_944], %swap3A_947 {strides = array<i32>} : memref<4x32x2x128xf32, #tpu.memory_space<vmem>>, vector<1x1x1x16xf32>,
        %get3A_948 = arith.constant 3 : i32
        %get3A_949 = arith.constant 0 : i32
        %get3A_950 = arith.index_cast %get3A_948 : i32 to index
        %get3A_951 = arith.index_cast %scan3A_930 : i32 to index
        %get3A_952 = arith.index_cast %get3A_949 : i32 to index
        %get3A_953 = arith.constant 16 : index
        %get3A_954 = tpu.vector_load %arg6[%get3A_950, %get3A_951, %get3A_952, %get3A_953] {strides = array<i32>} : memref<4x32x2x128xf32, #tpu.memory_space<vmem>>, vector<1x1x1x16xf32>,
        %get3A_955 = vector.shape_cast %get3A_954 : vector<1x1x1x16xf32> to vector<16xf32>
        %add3A_956 = arith.addf %get3A_955, %get3A_799 : vector<16xf32>
        %swap3A_957 = arith.constant 3 : i32
        %swap3A_958 = arith.constant 0 : i32
        %swap3A_959 = arith.index_cast %swap3A_957 : i32 to index
        %swap3A_960 = arith.index_cast %scan3A_930 : i32 to index
        %swap3A_961 = arith.index_cast %swap3A_958 : i32 to index
        %swap3A_962 = arith.constant 16 : index
        %swap3A_963 = tpu.vector_load %arg7[%swap3A_959, %swap3A_960, %swap3A_961, %swap3A_962] {strides = array<i32>} : memref<4x32x2x128xf32, #tpu.memory_space<vmem>>, vector<1x1x1x16xf32>,
        %swap3A_964 = vector.shape_cast %swap3A_963 : vector<1x1x1x16xf32> to vector<16xf32>
        %swap3A_965 = vector.shape_cast %add3A_956 : vector<16xf32> to vector<1x1x1x16xf32>
        tpu.vector_store %arg7[%swap3A_959, %swap3A_960, %swap3A_961, %swap3A_962], %swap3A_965 {strides = array<i32>} : memref<4x32x2x128xf32, #tpu.memory_space<vmem>>, vector<1x1x1x16xf32>,
        %get3A_966 = arith.constant 3 : i32
        %get3A_967 = arith.constant 0 : i32
        %get3A_968 = arith.index_cast %get3A_966 : i32 to index
        %get3A_969 = arith.index_cast %scan3A_930 : i32 to index
        %get3A_970 = arith.index_cast %get3A_967 : i32 to index
        %get3A_971 = arith.constant 32 : index
        %get3A_972 = tpu.vector_load %arg6[%get3A_968, %get3A_969, %get3A_970, %get3A_971] {strides = array<i32>} : memref<4x32x2x128xf32, #tpu.memory_space<vmem>>, vector<1x1x1x16xf32>,
        %get3A_973 = vector.shape_cast %get3A_972 : vector<1x1x1x16xf32> to vector<16xf32>
        %add3A_974 = arith.addf %get3A_973, %get3A_806 : vector<16xf32>
        %swap3A_975 = arith.constant 3 : i32
        %swap3A_976 = arith.constant 0 : i32
        %swap3A_977 = arith.index_cast %swap3A_975 : i32 to index
        %swap3A_978 = arith.index_cast %scan3A_930 : i32 to index
        %swap3A_979 = arith.index_cast %swap3A_976 : i32 to index
        %swap3A_980 = arith.constant 32 : index
        %swap3A_981 = tpu.vector_load %arg7[%swap3A_977, %swap3A_978, %swap3A_979, %swap3A_980] {strides = array<i32>} : memref<4x32x2x128xf32, #tpu.memory_space<vmem>>, vector<1x1x1x16xf32>,
        %swap3A_982 = vector.shape_cast %swap3A_981 : vector<1x1x1x16xf32> to vector<16xf32>
        %swap3A_983 = vector.shape_cast %add3A_974 : vector<16xf32> to vector<1x1x1x16xf32>
        tpu.vector_store %arg7[%swap3A_977, %swap3A_978, %swap3A_979, %swap3A_980], %swap3A_983 {strides = array<i32>} : memref<4x32x2x128xf32, #tpu.memory_space<vmem>>, vector<1x1x1x16xf32>,
        %get3A_984 = arith.constant 3 : i32
        %get3A_985 = arith.constant 0 : i32
        %get3A_986 = arith.index_cast %get3A_984 : i32 to index
        %get3A_987 = arith.index_cast %scan3A_930 : i32 to index
        %get3A_988 = arith.index_cast %get3A_985 : i32 to index
        %get3A_989 = arith.constant 48 : index
        %get3A_990 = tpu.vector_load %arg6[%get3A_986, %get3A_987, %get3A_988, %get3A_989] {strides = array<i32>} : memref<4x32x2x128xf32, #tpu.memory_space<vmem>>, vector<1x1x1x16xf32>,
        %get3A_991 = vector.shape_cast %get3A_990 : vector<1x1x1x16xf32> to vector<16xf32>
        %add3A_992 = arith.addf %get3A_991, %get3A_813 : vector<16xf32>
        %swap3A_993 = arith.constant 3 : i32
        %swap3A_994 = arith.constant 0 : i32
        %swap3A_995 = arith.index_cast %swap3A_993 : i32 to index
        %swap3A_996 = arith.index_cast %scan3A_930 : i32 to index
        %swap3A_997 = arith.index_cast %swap3A_994 : i32 to index
        %swap3A_998 = arith.constant 48 : index
        %swap3A_999 = tpu.vector_load %arg7[%swap3A_995, %swap3A_996, %swap3A_997, %swap3A_998] {strides = array<i32>} : memref<4x32x2x128xf32, #tpu.memory_space<vmem>>, vector<1x1x1x16xf32>,
        %swap3A_1000 = vector.shape_cast %swap3A_999 : vector<1x1x1x16xf32> to vector<16xf32>
        %swap3A_1001 = vector.shape_cast %add3A_992 : vector<16xf32> to vector<1x1x1x16xf32>
        tpu.vector_store %arg7[%swap3A_995, %swap3A_996, %swap3A_997, %swap3A_998], %swap3A_1001 {strides = array<i32>} : memref<4x32x2x128xf32, #tpu.memory_space<vmem>>, vector<1x1x1x16xf32>,
        %get3A_1002 = arith.constant 3 : i32
        %get3A_1003 = arith.constant 0 : i32
        %get3A_1004 = arith.index_cast %get3A_1002 : i32 to index
        %get3A_1005 = arith.index_cast %scan3A_930 : i32 to index
        %get3A_1006 = arith.index_cast %get3A_1003 : i32 to index
        %get3A_1007 = arith.constant 64 : index
        %get3A_1008 = tpu.vector_load %arg6[%get3A_1004, %get3A_1005, %get3A_1006, %get3A_1007] {strides = array<i32>} : memref<4x32x2x128xf32, #tpu.memory_space<vmem>>, vector<1x1x1x16xf32>,
        %get3A_1009 = vector.shape_cast %get3A_1008 : vector<1x1x1x16xf32> to vector<16xf32>
        %add3A_1010 = arith.addf %get3A_1009, %get3A_820 : vector<16xf32>
        %swap3A_1011 = arith.constant 3 : i32
        %swap3A_1012 = arith.constant 0 : i32
        %swap3A_1013 = arith.index_cast %swap3A_1011 : i32 to index
        %swap3A_1014 = arith.index_cast %scan3A_930 : i32 to index
        %swap3A_1015 = arith.index_cast %swap3A_1012 : i32 to index
        %swap3A_1016 = arith.constant 64 : index
        %swap3A_1017 = tpu.vector_load %arg7[%swap3A_1013, %swap3A_1014, %swap3A_1015, %swap3A_1016] {strides = array<i32>} : memref<4x32x2x128xf32, #tpu.memory_space<vmem>>, vector<1x1x1x16xf32>,
        %swap3A_1018 = vector.shape_cast %swap3A_1017 : vector<1x1x1x16xf32> to vector<16xf32>
        %swap3A_1019 = vector.shape_cast %add3A_1010 : vector<16xf32> to vector<1x1x1x16xf32>
        tpu.vector_store %arg7[%swap3A_1013, %swap3A_1014, %swap3A_1015, %swap3A_1016], %swap3A_1019 {strides = array<i32>} : memref<4x32x2x128xf32, #tpu.memory_space<vmem>>, vector<1x1x1x16xf32>,
        %get3A_1020 = arith.constant 3 : i32
        %get3A_1021 = arith.constant 0 : i32
        %get3A_1022 = arith.index_cast %get3A_1020 : i32 to index
        %get3A_1023 = arith.index_cast %scan3A_930 : i32 to index
        %get3A_1024 = arith.index_cast %get3A_1021 : i32 to index
        %get3A_1025 = arith.constant 80 : index
        %get3A_1026 = tpu.vector_load %arg6[%get3A_1022, %get3A_1023, %get3A_1024, %get3A_1025] {strides = array<i32>} : memref<4x32x2x128xf32, #tpu.memory_space<vmem>>, vector<1x1x1x16xf32>,
        %get3A_1027 = vector.shape_cast %get3A_1026 : vector<1x1x1x16xf32> to vector<16xf32>
        %add3A_1028 = arith.addf %get3A_1027, %get3A_827 : vector<16xf32>
        %swap3A_1029 = arith.constant 3 : i32
        %swap3A_1030 = arith.constant 0 : i32
        %swap3A_1031 = arith.index_cast %swap3A_1029 : i32 to index
        %swap3A_1032 = arith.index_cast %scan3A_930 : i32 to index
        %swap3A_1033 = arith.index_cast %swap3A_1030 : i32 to index
        %swap3A_1034 = arith.constant 80 : index
        %swap3A_1035 = tpu.vector_load %arg7[%swap3A_1031, %swap3A_1032, %swap3A_1033, %swap3A_1034] {strides = array<i32>} : memref<4x32x2x128xf32, #tpu.memory_space<vmem>>, vector<1x1x1x16xf32>,
        %swap3A_1036 = vector.shape_cast %swap3A_1035 : vector<1x1x1x16xf32> to vector<16xf32>
        %swap3A_1037 = vector.shape_cast %add3A_1028 : vector<16xf32> to vector<1x1x1x16xf32>
        tpu.vector_store %arg7[%swap3A_1031, %swap3A_1032, %swap3A_1033, %swap3A_1034], %swap3A_1037 {strides = array<i32>} : memref<4x32x2x128xf32, #tpu.memory_space<vmem>>, vector<1x1x1x16xf32>,
        %get3A_1038 = arith.constant 3 : i32
        %get3A_1039 = arith.constant 0 : i32
        %get3A_1040 = arith.index_cast %get3A_1038 : i32 to index
        %get3A_1041 = arith.index_cast %scan3A_930 : i32 to index
        %get3A_1042 = arith.index_cast %get3A_1039 : i32 to index
        %get3A_1043 = arith.constant 96 : index
        %get3A_1044 = tpu.vector_load %arg6[%get3A_1040, %get3A_1041, %get3A_1042, %get3A_1043] {strides = array<i32>} : memref<4x32x2x128xf32, #tpu.memory_space<vmem>>, vector<1x1x1x16xf32>,
        %get3A_1045 = vector.shape_cast %get3A_1044 : vector<1x1x1x16xf32> to vector<16xf32>
        %add3A_1046 = arith.addf %get3A_1045, %get3A_834 : vector<16xf32>
        %swap3A_1047 = arith.constant 3 : i32
        %swap3A_1048 = arith.constant 0 : i32
        %swap3A_1049 = arith.index_cast %swap3A_1047 : i32 to index
        %swap3A_1050 = arith.index_cast %scan3A_930 : i32 to index
        %swap3A_1051 = arith.index_cast %swap3A_1048 : i32 to index
        %swap3A_1052 = arith.constant 96 : index
        %swap3A_1053 = tpu.vector_load %arg7[%swap3A_1049, %swap3A_1050, %swap3A_1051, %swap3A_1052] {strides = array<i32>} : memref<4x32x2x128xf32, #tpu.memory_space<vmem>>, vector<1x1x1x16xf32>,
        %swap3A_1054 = vector.shape_cast %swap3A_1053 : vector<1x1x1x16xf32> to vector<16xf32>
        %swap3A_1055 = vector.shape_cast %add3A_1046 : vector<16xf32> to vector<1x1x1x16xf32>
        tpu.vector_store %arg7[%swap3A_1049, %swap3A_1050, %swap3A_1051, %swap3A_1052], %swap3A_1055 {strides = array<i32>} : memref<4x32x2x128xf32, #tpu.memory_space<vmem>>, vector<1x1x1x16xf32>,
        %get3A_1056 = arith.constant 3 : i32
        %get3A_1057 = arith.constant 0 : i32
        %get3A_1058 = arith.index_cast %get3A_1056 : i32 to index
        %get3A_1059 = arith.index_cast %scan3A_930 : i32 to index
        %get3A_1060 = arith.index_cast %get3A_1057 : i32 to index
        %get3A_1061 = arith.constant 112 : index
        %get3A_1062 = tpu.vector_load %arg6[%get3A_1058, %get3A_1059, %get3A_1060, %get3A_1061] {strides = array<i32>} : memref<4x32x2x128xf32, #tpu.memory_space<vmem>>, vector<1x1x1x16xf32>,
        %get3A_1063 = vector.shape_cast %get3A_1062 : vector<1x1x1x16xf32> to vector<16xf32>
        %add3A_1064 = arith.addf %get3A_1063, %get3A_841 : vector<16xf32>
        %swap3A_1065 = arith.constant 3 : i32
        %swap3A_1066 = arith.constant 0 : i32
        %swap3A_1067 = arith.index_cast %swap3A_1065 : i32 to index
        %swap3A_1068 = arith.index_cast %scan3A_930 : i32 to index
        %swap3A_1069 = arith.index_cast %swap3A_1066 : i32 to index
        %swap3A_1070 = arith.constant 112 : index
        %swap3A_1071 = tpu.vector_load %arg7[%swap3A_1067, %swap3A_1068, %swap3A_1069, %swap3A_1070] {strides = array<i32>} : memref<4x32x2x128xf32, #tpu.memory_space<vmem>>, vector<1x1x1x16xf32>,
        %swap3A_1072 = vector.shape_cast %swap3A_1071 : vector<1x1x1x16xf32> to vector<16xf32>
        %swap3A_1073 = vector.shape_cast %add3A_1064 : vector<16xf32> to vector<1x1x1x16xf32>
        tpu.vector_store %arg7[%swap3A_1067, %swap3A_1068, %swap3A_1069, %swap3A_1070], %swap3A_1073 {strides = array<i32>} : memref<4x32x2x128xf32, #tpu.memory_space<vmem>>, vector<1x1x1x16xf32>,
        %get3A_1074 = arith.constant 3 : i32
        %get3A_1075 = arith.constant 1 : i32
        %get3A_1076 = arith.index_cast %get3A_1074 : i32 to index
        %get3A_1077 = arith.index_cast %scan3A_930 : i32 to index
        %get3A_1078 = arith.index_cast %get3A_1075 : i32 to index
        %get3A_1079 = arith.constant 0 : index
        %get3A_1080 = tpu.vector_load %arg6[%get3A_1076, %get3A_1077, %get3A_1078, %get3A_1079] {strides = array<i32>} : memref<4x32x2x128xf32, #tpu.memory_space<vmem>>, vector<1x1x1x16xf32>,
        %get3A_1081 = vector.shape_cast %get3A_1080 : vector<1x1x1x16xf32> to vector<16xf32>
        %add3A_1082 = arith.addf %get3A_1081, %get3A_848 : vector<16xf32>
        %swap3A_1083 = arith.constant 3 : i32
        %swap3A_1084 = arith.constant 1 : i32
        %swap3A_1085 = arith.index_cast %swap3A_1083 : i32 to index
        %swap3A_1086 = arith.index_cast %scan3A_930 : i32 to index
        %swap3A_1087 = arith.index_cast %swap3A_1084 : i32 to index
        %swap3A_1088 = arith.constant 0 : index
        %swap3A_1089 = tpu.vector_load %arg7[%swap3A_1085, %swap3A_1086, %swap3A_1087, %swap3A_1088] {strides = array<i32>} : memref<4x32x2x128xf32, #tpu.memory_space<vmem>>, vector<1x1x1x16xf32>,
        %swap3A_1090 = vector.shape_cast %swap3A_1089 : vector<1x1x1x16xf32> to vector<16xf32>
        %swap3A_1091 = vector.shape_cast %add3A_1082 : vector<16xf32> to vector<1x1x1x16xf32>
        tpu.vector_store %arg7[%swap3A_1085, %swap3A_1086, %swap3A_1087, %swap3A_1088], %swap3A_1091 {strides = array<i32>} : memref<4x32x2x128xf32, #tpu.memory_space<vmem>>, vector<1x1x1x16xf32>,
        %get3A_1092 = arith.constant 3 : i32
        %get3A_1093 = arith.constant 1 : i32
        %get3A_1094 = arith.index_cast %get3A_1092 : i32 to index
        %get3A_1095 = arith.index_cast %scan3A_930 : i32 to index
        %get3A_1096 = arith.index_cast %get3A_1093 : i32 to index
        %get3A_1097 = arith.constant 16 : index
        %get3A_1098 = tpu.vector_load %arg6[%get3A_1094, %get3A_1095, %get3A_1096, %get3A_1097] {strides = array<i32>} : memref<4x32x2x128xf32, #tpu.memory_space<vmem>>, vector<1x1x1x16xf32>,
        %get3A_1099 = vector.shape_cast %get3A_1098 : vector<1x1x1x16xf32> to vector<16xf32>
        %add3A_1100 = arith.addf %get3A_1099, %get3A_855 : vector<16xf32>
        %swap3A_1101 = arith.constant 3 : i32
        %swap3A_1102 = arith.constant 1 : i32
        %swap3A_1103 = arith.index_cast %swap3A_1101 : i32 to index
        %swap3A_1104 = arith.index_cast %scan3A_930 : i32 to index
        %swap3A_1105 = arith.index_cast %swap3A_1102 : i32 to index
        %swap3A_1106 = arith.constant 16 : index
        %swap3A_1107 = tpu.vector_load %arg7[%swap3A_1103, %swap3A_1104, %swap3A_1105, %swap3A_1106] {strides = array<i32>} : memref<4x32x2x128xf32, #tpu.memory_space<vmem>>, vector<1x1x1x16xf32>,
        %swap3A_1108 = vector.shape_cast %swap3A_1107 : vector<1x1x1x16xf32> to vector<16xf32>
        %swap3A_1109 = vector.shape_cast %add3A_1100 : vector<16xf32> to vector<1x1x1x16xf32>
        tpu.vector_store %arg7[%swap3A_1103, %swap3A_1104, %swap3A_1105, %swap3A_1106], %swap3A_1109 {strides = array<i32>} : memref<4x32x2x128xf32, #tpu.memory_space<vmem>>, vector<1x1x1x16xf32>,
        %get3A_1110 = arith.constant 3 : i32
        %get3A_1111 = arith.constant 1 : i32
        %get3A_1112 = arith.index_cast %get3A_1110 : i32 to index
        %get3A_1113 = arith.index_cast %scan3A_930 : i32 to index
        %get3A_1114 = arith.index_cast %get3A_1111 : i32 to index
        %get3A_1115 = arith.constant 32 : index
        %get3A_1116 = tpu.vector_load %arg6[%get3A_1112, %get3A_1113, %get3A_1114, %get3A_1115] {strides = array<i32>} : memref<4x32x2x128xf32, #tpu.memory_space<vmem>>, vector<1x1x1x16xf32>,
        %get3A_1117 = vector.shape_cast %get3A_1116 : vector<1x1x1x16xf32> to vector<16xf32>
        %add3A_1118 = arith.addf %get3A_1117, %get3A_862 : vector<16xf32>
        %swap3A_1119 = arith.constant 3 : i32
        %swap3A_1120 = arith.constant 1 : i32
        %swap3A_1121 = arith.index_cast %swap3A_1119 : i32 to index
        %swap3A_1122 = arith.index_cast %scan3A_930 : i32 to index
        %swap3A_1123 = arith.index_cast %swap3A_1120 : i32 to index
        %swap3A_1124 = arith.constant 32 : index
        %swap3A_1125 = tpu.vector_load %arg7[%swap3A_1121, %swap3A_1122, %swap3A_1123, %swap3A_1124] {strides = array<i32>} : memref<4x32x2x128xf32, #tpu.memory_space<vmem>>, vector<1x1x1x16xf32>,
        %swap3A_1126 = vector.shape_cast %swap3A_1125 : vector<1x1x1x16xf32> to vector<16xf32>
        %swap3A_1127 = vector.shape_cast %add3A_1118 : vector<16xf32> to vector<1x1x1x16xf32>
        tpu.vector_store %arg7[%swap3A_1121, %swap3A_1122, %swap3A_1123, %swap3A_1124], %swap3A_1127 {strides = array<i32>} : memref<4x32x2x128xf32, #tpu.memory_space<vmem>>, vector<1x1x1x16xf32>,
        %get3A_1128 = arith.constant 3 : i32
        %get3A_1129 = arith.constant 1 : i32
        %get3A_1130 = arith.index_cast %get3A_1128 : i32 to index
        %get3A_1131 = arith.index_cast %scan3A_930 : i32 to index
        %get3A_1132 = arith.index_cast %get3A_1129 : i32 to index
        %get3A_1133 = arith.constant 48 : index
        %get3A_1134 = tpu.vector_load %arg6[%get3A_1130, %get3A_1131, %get3A_1132, %get3A_1133] {strides = array<i32>} : memref<4x32x2x128xf32, #tpu.memory_space<vmem>>, vector<1x1x1x16xf32>,
        %get3A_1135 = vector.shape_cast %get3A_1134 : vector<1x1x1x16xf32> to vector<16xf32>
        %add3A_1136 = arith.addf %get3A_1135, %get3A_869 : vector<16xf32>
        %swap3A_1137 = arith.constant 3 : i32
        %swap3A_1138 = arith.constant 1 : i32
        %swap3A_1139 = arith.index_cast %swap3A_1137 : i32 to index
        %swap3A_1140 = arith.index_cast %scan3A_930 : i32 to index
        %swap3A_1141 = arith.index_cast %swap3A_1138 : i32 to index
        %swap3A_1142 = arith.constant 48 : index
        %swap3A_1143 = tpu.vector_load %arg7[%swap3A_1139, %swap3A_1140, %swap3A_1141, %swap3A_1142] {strides = array<i32>} : memref<4x32x2x128xf32, #tpu.memory_space<vmem>>, vector<1x1x1x16xf32>,
        %swap3A_1144 = vector.shape_cast %swap3A_1143 : vector<1x1x1x16xf32> to vector<16xf32>
        %swap3A_1145 = vector.shape_cast %add3A_1136 : vector<16xf32> to vector<1x1x1x16xf32>
        tpu.vector_store %arg7[%swap3A_1139, %swap3A_1140, %swap3A_1141, %swap3A_1142], %swap3A_1145 {strides = array<i32>} : memref<4x32x2x128xf32, #tpu.memory_space<vmem>>, vector<1x1x1x16xf32>,
        %get3A_1146 = arith.constant 3 : i32
        %get3A_1147 = arith.constant 1 : i32
        %get3A_1148 = arith.index_cast %get3A_1146 : i32 to index
        %get3A_1149 = arith.index_cast %scan3A_930 : i32 to index
        %get3A_1150 = arith.index_cast %get3A_1147 : i32 to index
        %get3A_1151 = arith.constant 64 : index
        %get3A_1152 = tpu.vector_load %arg6[%get3A_1148, %get3A_1149, %get3A_1150, %get3A_1151] {strides = array<i32>} : memref<4x32x2x128xf32, #tpu.memory_space<vmem>>, vector<1x1x1x16xf32>,
        %get3A_1153 = vector.shape_cast %get3A_1152 : vector<1x1x1x16xf32> to vector<16xf32>
        %add3A_1154 = arith.addf %get3A_1153, %get3A_876 : vector<16xf32>
        %swap3A_1155 = arith.constant 3 : i32
        %swap3A_1156 = arith.constant 1 : i32
        %swap3A_1157 = arith.index_cast %swap3A_1155 : i32 to index
        %swap3A_1158 = arith.index_cast %scan3A_930 : i32 to index
        %swap3A_1159 = arith.index_cast %swap3A_1156 : i32 to index
        %swap3A_1160 = arith.constant 64 : index
        %swap3A_1161 = tpu.vector_load %arg7[%swap3A_1157, %swap3A_1158, %swap3A_1159, %swap3A_1160] {strides = array<i32>} : memref<4x32x2x128xf32, #tpu.memory_space<vmem>>, vector<1x1x1x16xf32>,
        %swap3A_1162 = vector.shape_cast %swap3A_1161 : vector<1x1x1x16xf32> to vector<16xf32>
        %swap3A_1163 = vector.shape_cast %add3A_1154 : vector<16xf32> to vector<1x1x1x16xf32>
        tpu.vector_store %arg7[%swap3A_1157, %swap3A_1158, %swap3A_1159, %swap3A_1160], %swap3A_1163 {strides = array<i32>} : memref<4x32x2x128xf32, #tpu.memory_space<vmem>>, vector<1x1x1x16xf32>,
        %get3A_1164 = arith.constant 3 : i32
        %get3A_1165 = arith.constant 1 : i32
        %get3A_1166 = arith.index_cast %get3A_1164 : i32 to index
        %get3A_1167 = arith.index_cast %scan3A_930 : i32 to index
        %get3A_1168 = arith.index_cast %get3A_1165 : i32 to index
        %get3A_1169 = arith.constant 80 : index
        %get3A_1170 = tpu.vector_load %arg6[%get3A_1166, %get3A_1167, %get3A_1168, %get3A_1169] {strides = array<i32>} : memref<4x32x2x128xf32, #tpu.memory_space<vmem>>, vector<1x1x1x16xf32>,
        %get3A_1171 = vector.shape_cast %get3A_1170 : vector<1x1x1x16xf32> to vector<16xf32>
        %add3A_1172 = arith.addf %get3A_1171, %get3A_883 : vector<16xf32>
        %swap3A_1173 = arith.constant 3 : i32
        %swap3A_1174 = arith.constant 1 : i32
        %swap3A_1175 = arith.index_cast %swap3A_1173 : i32 to index
        %swap3A_1176 = arith.index_cast %scan3A_930 : i32 to index
        %swap3A_1177 = arith.index_cast %swap3A_1174 : i32 to index
        %swap3A_1178 = arith.constant 80 : index
        %swap3A_1179 = tpu.vector_load %arg7[%swap3A_1175, %swap3A_1176, %swap3A_1177, %swap3A_1178] {strides = array<i32>} : memref<4x32x2x128xf32, #tpu.memory_space<vmem>>, vector<1x1x1x16xf32>,
        %swap3A_1180 = vector.shape_cast %swap3A_1179 : vector<1x1x1x16xf32> to vector<16xf32>
        %swap3A_1181 = vector.shape_cast %add3A_1172 : vector<16xf32> to vector<1x1x1x16xf32>
        tpu.vector_store %arg7[%swap3A_1175, %swap3A_1176, %swap3A_1177, %swap3A_1178], %swap3A_1181 {strides = array<i32>} : memref<4x32x2x128xf32, #tpu.memory_space<vmem>>, vector<1x1x1x16xf32>,
        %get3A_1182 = arith.constant 3 : i32
        %get3A_1183 = arith.constant 1 : i32
        %get3A_1184 = arith.index_cast %get3A_1182 : i32 to index
        %get3A_1185 = arith.index_cast %scan3A_930 : i32 to index
        %get3A_1186 = arith.index_cast %get3A_1183 : i32 to index
        %get3A_1187 = arith.constant 96 : index
        %get3A_1188 = tpu.vector_load %arg6[%get3A_1184, %get3A_1185, %get3A_1186, %get3A_1187] {strides = array<i32>} : memref<4x32x2x128xf32, #tpu.memory_space<vmem>>, vector<1x1x1x16xf32>,
        %get3A_1189 = vector.shape_cast %get3A_1188 : vector<1x1x1x16xf32> to vector<16xf32>
        %add3A_1190 = arith.addf %get3A_1189, %get3A_890 : vector<16xf32>
        %swap3A_1191 = arith.constant 3 : i32
        %swap3A_1192 = arith.constant 1 : i32
        %swap3A_1193 = arith.index_cast %swap3A_1191 : i32 to index
        %swap3A_1194 = arith.index_cast %scan3A_930 : i32 to index
        %swap3A_1195 = arith.index_cast %swap3A_1192 : i32 to index
        %swap3A_1196 = arith.constant 96 : index
        %swap3A_1197 = tpu.vector_load %arg7[%swap3A_1193, %swap3A_1194, %swap3A_1195, %swap3A_1196] {strides = array<i32>} : memref<4x32x2x128xf32, #tpu.memory_space<vmem>>, vector<1x1x1x16xf32>,
        %swap3A_1198 = vector.shape_cast %swap3A_1197 : vector<1x1x1x16xf32> to vector<16xf32>
        %swap3A_1199 = vector.shape_cast %add3A_1190 : vector<16xf32> to vector<1x1x1x16xf32>
        tpu.vector_store %arg7[%swap3A_1193, %swap3A_1194, %swap3A_1195, %swap3A_1196], %swap3A_1199 {strides = array<i32>} : memref<4x32x2x128xf32, #tpu.memory_space<vmem>>, vector<1x1x1x16xf32>,
        %get3A_1200 = arith.constant 3 : i32
        %get3A_1201 = arith.constant 1 : i32
        %get3A_1202 = arith.index_cast %get3A_1200 : i32 to index
        %get3A_1203 = arith.index_cast %scan3A_930 : i32 to index
        %get3A_1204 = arith.index_cast %get3A_1201 : i32 to index
        %get3A_1205 = arith.constant 112 : index
        %get3A_1206 = tpu.vector_load %arg6[%get3A_1202, %get3A_1203, %get3A_1204, %get3A_1205] {strides = array<i32>} : memref<4x32x2x128xf32, #tpu.memory_space<vmem>>, vector<1x1x1x16xf32>,
        %get3A_1207 = vector.shape_cast %get3A_1206 : vector<1x1x1x16xf32> to vector<16xf32>
        %add3A_1208 = arith.addf %get3A_1207, %get3A_897 : vector<16xf32>
        %swap3A_1209 = arith.constant 3 : i32
        %swap3A_1210 = arith.constant 1 : i32
        %swap3A_1211 = arith.index_cast %swap3A_1209 : i32 to index
        %swap3A_1212 = arith.index_cast %scan3A_930 : i32 to index
        %swap3A_1213 = arith.index_cast %swap3A_1210 : i32 to index
        %swap3A_1214 = arith.constant 112 : index
        %swap3A_1215 = tpu.vector_load %arg7[%swap3A_1211, %swap3A_1212, %swap3A_1213, %swap3A_1214] {strides = array<i32>} : memref<4x32x2x128xf32, #tpu.memory_space<vmem>>, vector<1x1x1x16xf32>,
        %swap3A_1216 = vector.shape_cast %swap3A_1215 : vector<1x1x1x16xf32> to vector<16xf32>
        %swap3A_1217 = vector.shape_cast %add3A_1208 : vector<16xf32> to vector<1x1x1x16xf32>
        tpu.vector_store %arg7[%swap3A_1211, %swap3A_1212, %swap3A_1213, %swap3A_1214], %swap3A_1217 {strides = array<i32>} : memref<4x32x2x128xf32, #tpu.memory_space<vmem>>, vector<1x1x1x16xf32>,
      }
      %scan3A_902 = arith.constant 32 : i32
      %mul3A_903 = arith.constant 2 : i32
      %mul3A_904 = arith.muli %add3A_750, %mul3A_903 : i32
      %add3A_905 = arith.addi %mul3A_2, %mul3A_904 : i32
      %dma_start3A_906 = arith.constant 3 : i32
      %dma_start3A_907 = arith.constant 0 : i32
      %dma_start3A_908 = arith.constant 0 : i32
      %dma_start3A_909 = arith.constant 0 : i32
      %dma_start3A_910 = tpu.memref_slice %arg7[%dma_start3A_906, %dma_start3A_907, %dma_start3A_908, %dma_start3A_909] : memref<4x32x2x128xf32, #tpu.memory_space<vmem>> -> memref<1x32x2x128xf32, #tpu.memory_space<vmem>>
      %dma_start3A_911 = tpu.memref_squeeze %dma_start3A_910 : memref<1x32x2x128xf32, #tpu.memory_space<vmem>> -> memref<32x2x128xf32, #tpu.memory_space<vmem>>
      %dma_start3A_912 = arith.constant 0 : i32
      %dma_start3A_913 = arith.constant 0 : i32
      %dma_start3A_914 = tpu.memref_slice %arg4[%dma_start3A_912, %add3A_905, %dma_start3A_913] : memref<32x8192x128xf32, #tpu.memory_space<hbm>> -> memref<32x2x128xf32, #tpu.memory_space<hbm>>
      %dma_start3A_915 = arith.constant 0 : i32
      %dma_start3A_916 = arith.constant 0 : i32
      %dma_start3A_917 = tpu.memref_slice %arg4[%dma_start3A_915, %add3A_905, %dma_start3A_916] : memref<32x8192x128xf32, #tpu.memory_space<hbm>> -> memref<32x2x128xf32, #tpu.memory_space<hbm>>
      %dma_start3A_918 = arith.constant 0 : i32
      %dma_start3A_919 = arith.constant 0 : i32
      %dma_start3A_920 = arith.constant 0 : i32
      %dma_start3A_921 = tpu.memref_slice %arg7[%dma_start3A_906, %dma_start3A_918, %dma_start3A_919, %dma_start3A_920] : memref<4x32x2x128xf32, #tpu.memory_space<vmem>> -> memref<1x32x2x128xf32, #tpu.memory_space<vmem>>
      %dma_start3A_922 = tpu.memref_squeeze %dma_start3A_921 : memref<1x32x2x128xf32, #tpu.memory_space<vmem>> -> memref<32x2x128xf32, #tpu.memory_space<vmem>>
      tpu.enqueue_dma source(%dma_start3A_922 : memref<32x2x128xf32, #tpu.memory_space<vmem>>) target(%dma_start3A_917 : memref<32x2x128xf32, #tpu.memory_space<hbm>>) target_semaphore(%arg19 : memref<!tpu.dma_semaphore, #tpu.memory_space<semaphore_mem>>)
      %add3A_923 = arith.constant 1 : i32
      %add3A_924 = arith.addi %scan3A_202, %add3A_923 : i32
      %lt3A_925 = arith.constant 32 : i32
      %lt3A_926 = arith.cmpi slt, %add3A_924, %lt3A_925 : i32
      %convert_element_type3A_927 = arith.extui %lt3A_926 : i1 to i32
      %cond3A_928 = arith.constant 0 : i32
      %cond3A_929 = arith.cmpi ne, %convert_element_type3A_927, %cond3A_928 : i32
      scf.if %cond3A_929 {
        %add3A_930 = arith.constant 4 : i32
        %add3A_931 = arith.addi %add3A_750, %add3A_930 : i32
        %mul3A_932 = arith.constant 2 : i32
        %mul3A_933 = arith.muli %add3A_931, %mul3A_932 : i32
        %add3A_934 = arith.addi %mul3A_2, %mul3A_933 : i32
        %dma_start3A_935 = arith.constant 3 : i32
        %dma_start3A_936 = arith.constant 0 : i32
        %dma_start3A_937 = arith.constant 0 : i32
        %dma_start3A_938 = arith.constant 0 : i32
        %dma_start3A_939 = tpu.memref_slice %arg6[%dma_start3A_935, %dma_start3A_936, %dma_start3A_937, %dma_start3A_938] : memref<4x32x2x128xf32, #tpu.memory_space<vmem>> -> memref<1x32x2x128xf32, #tpu.memory_space<vmem>>
        %dma_start3A_940 = tpu.memref_squeeze %dma_start3A_939 : memref<1x32x2x128xf32, #tpu.memory_space<vmem>> -> memref<32x2x128xf32, #tpu.memory_space<vmem>>
        %dma_start3A_941 = arith.constant 0 : i32
        %dma_start3A_942 = arith.constant 0 : i32
        %dma_start3A_943 = tpu.memref_slice %arg2[%dma_start3A_941, %add3A_934, %dma_start3A_942] : memref<32x8192x128xf32, #tpu.memory_space<hbm>> -> memref<32x2x128xf32, #tpu.memory_space<hbm>>
        %dma_start3A_944 = arith.constant 0 : i32
        %dma_start3A_945 = arith.constant 0 : i32
        %dma_start3A_946 = arith.constant 0 : i32
        %dma_start3A_947 = tpu.memref_slice %arg6[%dma_start3A_935, %dma_start3A_944, %dma_start3A_945, %dma_start3A_946] : memref<4x32x2x128xf32, #tpu.memory_space<vmem>> -> memref<1x32x2x128xf32, #tpu.memory_space<vmem>>
        %dma_start3A_948 = tpu.memref_squeeze %dma_start3A_947 : memref<1x32x2x128xf32, #tpu.memory_space<vmem>> -> memref<32x2x128xf32, #tpu.memory_space<vmem>>
        %dma_start3A_949 = arith.constant 0 : i32
        %dma_start3A_950 = arith.constant 0 : i32
        %dma_start3A_951 = tpu.memref_slice %arg2[%dma_start3A_949, %add3A_934, %dma_start3A_950] : memref<32x8192x128xf32, #tpu.memory_space<hbm>> -> memref<32x2x128xf32, #tpu.memory_space<hbm>>
        tpu.enqueue_dma source(%dma_start3A_951 : memref<32x2x128xf32, #tpu.memory_space<hbm>>) target(%dma_start3A_948 : memref<32x2x128xf32, #tpu.memory_space<vmem>>) target_semaphore(%arg15 : memref<!tpu.dma_semaphore, #tpu.memory_space<semaphore_mem>>)
        %dma_start3A_952 = arith.constant 3 : i32
        %dma_start3A_953 = arith.constant 0 : i32
        %dma_start3A_954 = arith.constant 0 : i32
        %dma_start3A_955 = tpu.memref_slice %arg5[%dma_start3A_952, %dma_start3A_953, %dma_start3A_954] : memref<4x2x128xf32, #tpu.memory_space<vmem>> -> memref<1x2x128xf32, #tpu.memory_space<vmem>>
        %dma_start3A_956 = tpu.memref_squeeze %dma_start3A_955 : memref<1x2x128xf32, #tpu.memory_space<vmem>> -> memref<2x128xf32, #tpu.memory_space<vmem>>
        %dma_start3A_957 = arith.constant 0 : i32
        %dma_start3A_958 = tpu.memref_slice %arg3[%add3A_934, %dma_start3A_957] : memref<8192x128xf32, #tpu.memory_space<hbm>> -> memref<2x128xf32, #tpu.memory_space<hbm>>
        %dma_start3A_959 = arith.constant 0 : i32
        %dma_start3A_960 = arith.constant 0 : i32
        %dma_start3A_961 = tpu.memref_slice %arg5[%dma_start3A_952, %dma_start3A_959, %dma_start3A_960] : memref<4x2x128xf32, #tpu.memory_space<vmem>> -> memref<1x2x128xf32, #tpu.memory_space<vmem>>
        %dma_start3A_962 = tpu.memref_squeeze %dma_start3A_961 : memref<1x2x128xf32, #tpu.memory_space<vmem>> -> memref<2x128xf32, #tpu.memory_space<vmem>>
        %dma_start3A_963 = arith.constant 0 : i32
        %dma_start3A_964 = tpu.memref_slice %arg3[%add3A_934, %dma_start3A_963] : memref<8192x128xf32, #tpu.memory_space<hbm>> -> memref<2x128xf32, #tpu.memory_space<hbm>>
        tpu.enqueue_dma source(%dma_start3A_964 : memref<2x128xf32, #tpu.memory_space<hbm>>) target(%dma_start3A_962 : memref<2x128xf32, #tpu.memory_space<vmem>>) target_semaphore(%arg11 : memref<!tpu.dma_semaphore, #tpu.memory_space<semaphore_mem>>)
      } else {
      }
    }
    %scan3A_134 = arith.constant 32 : i32
    %dma_wait3A = arith.constant 0 : i32
    %dma_wait3A_135 = arith.constant 0 : i32
    %dma_wait3A_136 = arith.constant 0 : i32
    %dma_wait3A_137 = arith.constant 0 : i32
    %dma_wait3A_138 = tpu.memref_slice %arg7[%dma_wait3A, %dma_wait3A_135, %dma_wait3A_136, %dma_wait3A_137] : memref<4x32x2x128xf32, #tpu.memory_space<vmem>> -> memref<1x32x2x128xf32, #tpu.memory_space<vmem>>
    %dma_wait3A_139 = tpu.memref_squeeze %dma_wait3A_138 : memref<1x32x2x128xf32, #tpu.memory_space<vmem>> -> memref<32x2x128xf32, #tpu.memory_space<vmem>>
    %dma_wait3A_140 = arith.constant 0 : i32
    %dma_wait3A_141 = arith.constant 0 : i32
    %dma_wait3A_142 = tpu.memref_slice %arg4[%dma_wait3A_140, %mul3A_2, %dma_wait3A_141] : memref<32x8192x128xf32, #tpu.memory_space<hbm>> -> memref<32x2x128xf32, #tpu.memory_space<hbm>>
    %dma_wait3A_143 = arith.constant 0 : i32
    %dma_wait3A_144 = arith.constant 0 : i32
    %dma_wait3A_145 = tpu.memref_slice %arg4[%dma_wait3A_143, %mul3A_2, %dma_wait3A_144] : memref<32x8192x128xf32, #tpu.memory_space<hbm>> -> memref<32x2x128xf32, #tpu.memory_space<hbm>>
    %dma_wait3A_146 = arith.constant 0 : i32
    %dma_wait3A_147 = arith.constant 0 : i32
    %dma_wait3A_148 = arith.constant 0 : i32
    %dma_wait3A_149 = tpu.memref_slice %arg7[%dma_wait3A, %dma_wait3A_146, %dma_wait3A_147, %dma_wait3A_148] : memref<4x32x2x128xf32, #tpu.memory_space<vmem>> -> memref<1x32x2x128xf32, #tpu.memory_space<vmem>>
    %dma_wait3A_150 = tpu.memref_squeeze %dma_wait3A_149 : memref<1x32x2x128xf32, #tpu.memory_space<vmem>> -> memref<32x2x128xf32, #tpu.memory_space<vmem>>
    tpu.wait_dma2 semaphore(%arg16 : memref<!tpu.dma_semaphore, #tpu.memory_space<semaphore_mem>>) src(%dma_wait3A_150 : memref<32x2x128xf32, #tpu.memory_space<vmem>>) dst(%dma_wait3A_145 : memref<32x2x128xf32, #tpu.memory_space<hbm>>)
    %dma_wait3A_151 = arith.constant 1 : i32
    %dma_wait3A_152 = arith.constant 0 : i32
    %dma_wait3A_153 = arith.constant 0 : i32
    %dma_wait3A_154 = arith.constant 0 : i32
    %dma_wait3A_155 = tpu.memref_slice %arg7[%dma_wait3A_151, %dma_wait3A_152, %dma_wait3A_153, %dma_wait3A_154] : memref<4x32x2x128xf32, #tpu.memory_space<vmem>> -> memref<1x32x2x128xf32, #tpu.memory_space<vmem>>
    %dma_wait3A_156 = tpu.memref_squeeze %dma_wait3A_155 : memref<1x32x2x128xf32, #tpu.memory_space<vmem>> -> memref<32x2x128xf32, #tpu.memory_space<vmem>>
    %dma_wait3A_157 = arith.constant 0 : i32
    %dma_wait3A_158 = arith.constant 0 : i32
    %dma_wait3A_159 = tpu.memref_slice %arg4[%dma_wait3A_157, %mul3A_2, %dma_wait3A_158] : memref<32x8192x128xf32, #tpu.memory_space<hbm>> -> memref<32x2x128xf32, #tpu.memory_space<hbm>>
    %dma_wait3A_160 = arith.constant 0 : i32
    %dma_wait3A_161 = arith.constant 0 : i32
    %dma_wait3A_162 = tpu.memref_slice %arg4[%dma_wait3A_160, %mul3A_2, %dma_wait3A_161] : memref<32x8192x128xf32, #tpu.memory_space<hbm>> -> memref<32x2x128xf32, #tpu.memory_space<hbm>>
    %dma_wait3A_163 = arith.constant 0 : i32
    %dma_wait3A_164 = arith.constant 0 : i32
    %dma_wait3A_165 = arith.constant 0 : i32
    %dma_wait3A_166 = tpu.memref_slice %arg7[%dma_wait3A_151, %dma_wait3A_163, %dma_wait3A_164, %dma_wait3A_165] : memref<4x32x2x128xf32, #tpu.memory_space<vmem>> -> memref<1x32x2x128xf32, #tpu.memory_space<vmem>>
    %dma_wait3A_167 = tpu.memref_squeeze %dma_wait3A_166 : memref<1x32x2x128xf32, #tpu.memory_space<vmem>> -> memref<32x2x128xf32, #tpu.memory_space<vmem>>
    tpu.wait_dma2 semaphore(%arg17 : memref<!tpu.dma_semaphore, #tpu.memory_space<semaphore_mem>>) src(%dma_wait3A_167 : memref<32x2x128xf32, #tpu.memory_space<vmem>>) dst(%dma_wait3A_162 : memref<32x2x128xf32, #tpu.memory_space<hbm>>)
    %dma_wait3A_168 = arith.constant 2 : i32
    %dma_wait3A_169 = arith.constant 0 : i32
    %dma_wait3A_170 = arith.constant 0 : i32
    %dma_wait3A_171 = arith.constant 0 : i32
    %dma_wait3A_172 = tpu.memref_slice %arg7[%dma_wait3A_168, %dma_wait3A_169, %dma_wait3A_170, %dma_wait3A_171] : memref<4x32x2x128xf32, #tpu.memory_space<vmem>> -> memref<1x32x2x128xf32, #tpu.memory_space<vmem>>
    %dma_wait3A_173 = tpu.memref_squeeze %dma_wait3A_172 : memref<1x32x2x128xf32, #tpu.memory_space<vmem>> -> memref<32x2x128xf32, #tpu.memory_space<vmem>>
    %dma_wait3A_174 = arith.constant 0 : i32
    %dma_wait3A_175 = arith.constant 0 : i32
    %dma_wait3A_176 = tpu.memref_slice %arg4[%dma_wait3A_174, %mul3A_2, %dma_wait3A_175] : memref<32x8192x128xf32, #tpu.memory_space<hbm>> -> memref<32x2x128xf32, #tpu.memory_space<hbm>>
    %dma_wait3A_177 = arith.constant 0 : i32
    %dma_wait3A_178 = arith.constant 0 : i32
    %dma_wait3A_179 = tpu.memref_slice %arg4[%dma_wait3A_177, %mul3A_2, %dma_wait3A_178] : memref<32x8192x128xf32, #tpu.memory_space<hbm>> -> memref<32x2x128xf32, #tpu.memory_space<hbm>>
    %dma_wait3A_180 = arith.constant 0 : i32
    %dma_wait3A_181 = arith.constant 0 : i32
    %dma_wait3A_182 = arith.constant 0 : i32
    %dma_wait3A_183 = tpu.memref_slice %arg7[%dma_wait3A_168, %dma_wait3A_180, %dma_wait3A_181, %dma_wait3A_182] : memref<4x32x2x128xf32, #tpu.memory_space<vmem>> -> memref<1x32x2x128xf32, #tpu.memory_space<vmem>>
    %dma_wait3A_184 = tpu.memref_squeeze %dma_wait3A_183 : memref<1x32x2x128xf32, #tpu.memory_space<vmem>> -> memref<32x2x128xf32, #tpu.memory_space<vmem>>
    tpu.wait_dma2 semaphore(%arg18 : memref<!tpu.dma_semaphore, #tpu.memory_space<semaphore_mem>>) src(%dma_wait3A_184 : memref<32x2x128xf32, #tpu.memory_space<vmem>>) dst(%dma_wait3A_179 : memref<32x2x128xf32, #tpu.memory_space<hbm>>)
    %dma_wait3A_185 = arith.constant 3 : i32
    %dma_wait3A_186 = arith.constant 0 : i32
    %dma_wait3A_187 = arith.constant 0 : i32
    %dma_wait3A_188 = arith.constant 0 : i32
    %dma_wait3A_189 = tpu.memref_slice %arg7[%dma_wait3A_185, %dma_wait3A_186, %dma_wait3A_187, %dma_wait3A_188] : memref<4x32x2x128xf32, #tpu.memory_space<vmem>> -> memref<1x32x2x128xf32, #tpu.memory_space<vmem>>
    %dma_wait3A_190 = tpu.memref_squeeze %dma_wait3A_189 : memref<1x32x2x128xf32, #tpu.memory_space<vmem>> -> memref<32x2x128xf32, #tpu.memory_space<vmem>>
    %dma_wait3A_191 = arith.constant 0 : i32
    %dma_wait3A_192 = arith.constant 0 : i32
    %dma_wait3A_193 = tpu.memref_slice %arg4[%dma_wait3A_191, %mul3A_2, %dma_wait3A_192] : memref<32x8192x128xf32, #tpu.memory_space<hbm>> -> memref<32x2x128xf32, #tpu.memory_space<hbm>>
    %dma_wait3A_194 = arith.constant 0 : i32
    %dma_wait3A_195 = arith.constant 0 : i32
    %dma_wait3A_196 = tpu.memref_slice %arg4[%dma_wait3A_194, %mul3A_2, %dma_wait3A_195] : memref<32x8192x128xf32, #tpu.memory_space<hbm>> -> memref<32x2x128xf32, #tpu.memory_space<hbm>>
    %dma_wait3A_197 = arith.constant 0 : i32
    %dma_wait3A_198 = arith.constant 0 : i32
    %dma_wait3A_199 = arith.constant 0 : i32
    %dma_wait3A_200 = tpu.memref_slice %arg7[%dma_wait3A_185, %dma_wait3A_197, %dma_wait3A_198, %dma_wait3A_199] : memref<4x32x2x128xf32, #tpu.memory_space<vmem>> -> memref<1x32x2x128xf32, #tpu.memory_space<vmem>>
    %dma_wait3A_201 = tpu.memref_squeeze %dma_wait3A_200 : memref<1x32x2x128xf32, #tpu.memory_space<vmem>> -> memref<32x2x128xf32, #tpu.memory_space<vmem>>
    tpu.wait_dma2 semaphore(%arg19 : memref<!tpu.dma_semaphore, #tpu.memory_space<semaphore_mem>>) src(%dma_wait3A_201 : memref<32x2x128xf32, #tpu.memory_space<vmem>>) dst(%dma_wait3A_196 : memref<32x2x128xf32, #tpu.memory_space<hbm>>)
    return
  }
}

</mosaic_0001>

<sc_bundles>
// kernel: kernel.3.cloned.1.call-start
scs
__scs_entry_jumppad:
0x0: {  	(pc) =	sbr.rel $0x88, $3  }
0x1: {  	(tag) =	ssettag $0x0;
	lr =	simm.s32 $0x1  }
0x2: {  	[smem:$0x3F9F] =	sst lr;
	_ =	strace $0xD0000000  }
0x3: {  	_ = 	snop  }
0x4: {  	_ = 	snop  }
0x5: {  	_ = 	snop  }
0x6: {  	_ = 	snop  }
0x7: {  	_ = 	snop  }
__scs_overlays_trampoline_lowered:
0x8: {  	[smem:$0x3FAE] =	sst s0  }
0x9: {  	[smem:$0x3FAF] =	sst s1  }
0xa: {  	[smem:$0x3FB0] =	sst s2  }
0xb: {  	[smem:$0x3FB1] =	sst s3  }
0xc: {  	[smem:$0x3FB2] =	sst s4  }
0xd: {  	[smem:$0x3FB3] =	sst s5  }
0xe: {  	[smem:$0x3FB4] =	sst s6  }
0xf: {  	[smem:$0x3FB5] =	sst s7  }
0x10: {  	[smem:$0x3FB6] =	sst s8  }
0x11: {  	[smem:$0x3FB7] =	sst s9;
	s0 =	simm.s32 @!p0 $0x0  }
0x12: {  	s1 =	sld [smem:$0x3F9D];
	s0 =	simm.s32 @p0 $0x1  }
0x13: {  	[smem:$0x3FB8] =	sst s0;
	s0 =	simm.s32 @!p1 $0x0  }
0x14: {  	s2 =	sld [smem:$0x3F9C];
	s0 =	simm.s32 @p1 $0x1  }
0x15: {  	[smem:$0x3FB9] =	sst s0;
	s0 =	simm.s32 @!p2 $0x0  }
0x16: {  	s3 =	sld [smem:$0x3FDB];
	s0 =	simm.s32 @p2 $0x1  }
0x17: {  	s4 =	simm.s32 $0x1BF5;
	[smem:$0x3FBB] =	sst s0  }
0x18: {  	s0 =	sld [smem:$0x3F9E];
	_ =	swait.ge [sflag:s4], $0x0  }
0x19: {  	s7 =	sld [smem:$0x3F9F]  }
0x1a: {  	s8 =	sadd.s32 $0xFFFFE003, lr  }
0x1b: {  	s9 =	sadd.s32 $0xFFFFFEF7, lr;
	s5 =	simm.s32 $0xFFFFFFFF;
	p2 =	slt.u32 s8, $0xFFFFF086  }
0x1c: {  	p1 =	slt.u32 s9, $0xF7A;
	s5 =	simm.s32 @!p2 $0x0  }
0x1d: {  	s5 =	simm.s32 @p1 $0x1;
	p0 =	seq.s32 s7, s2  }
0x1e: {  	s7 =	smul.u32 @!p0 $0xF7A, s2;
	p2 =	seq.s32 @!p0 s5, $0x0  }
0x1f: {  	s9 =	smul.u32 $0xF7A, s1;
	s8 =	simm.s32 @!p0 $0x1BF5;
	p2 =	por !p2, p0  }
0x20: {  	[sflag:s8] =	ssyncset.s32 @!p0 $0xFFFFF086;
	s6 =	sadd.s32 @!p0 s3, s7;
	s7 =	simm.s32 @!p0 $0x108  }
0x21: {  	s3 =	sadd.s32 s3, s9;
	s6 =	sadd.s32 @!p0 $0x88, s6;
	s7 =	simm.s32 @p2 $0x1082  }
0x22: {  	[simem:s7], [sflag:s8] =	dma.local @!p0 [hbm:s6], $0xF7A  }
0x23: {  	s9 =	sor.u32 $0xD0000000, s2;
	s6 =	simm.s32 $0x108;
	_ =	swait.ge @!p0 [sflag:s8], $0x0  }
0x24: {  	s3 =	sadd.s32 $0x88, s3;
	s6 =	simm.s32 @!p1 $0x1082;
	[sflag:s4] =	ssyncset.s32 $0xFFFFF086  }
0x25: {  	[simem:s6], [sflag:s4] =	dma.local [hbm:s3], $0xF7A  }
0x26: {  	[smem:$0x3F9F] =	sst s1;
	(tag) =	ssettag s2;
	_ =	strace s9  }
0x27: {  	s1 =	sld [smem:$0x3FAF]  }
0x28: {  	s2 =	sld [smem:$0x3FB0]  }
0x29: {  	s4 =	sld [smem:$0x3FB2]  }
0x2a: {  	p0 =	seq.s32 s5, $0x0;
	s5 =	sld [smem:$0x3FB3]  }
0x2b: {  	s6 =	sld [smem:$0x3FB4]  }
0x2c: {  	s7 =	sld [smem:$0x3FB5]  }
0x2d: {  	s3 =	simm.s32 $0x108;
	s8 =	sld [smem:$0x3FB6]  }
0x2e: {  	s3 =	simm.s32 @!p0 $0x1082;
	s9 =	sld [smem:$0x3FB7]  }
0x2f: {  	lr =	sadd.s32 s0, s3;
	s0 =	sld [smem:$0x3FAE]  }
0x30: {  	s3 =	sld [smem:$0x3FB1]  }
0x31: {  	[smem:$0x3FBA] =	sst s10  }
0x32: {  	s10 =	sld [smem:$0x3FB8];
	_ =	sdelay $0x3  }
0x33: {  	p0 =	seq.s32 s10, $0x1;
	s10 =	sld [smem:$0x3FBA];
	_ =	sdelay $0x3  }
0x34: {  	[smem:$0x3FBA] =	sst s10  }
0x35: {  	s10 =	sld [smem:$0x3FB9];
	_ =	sdelay $0x3  }
0x36: {  	p1 =	seq.s32 s10, $0x1;
	s10 =	sld [smem:$0x3FBA];
	_ =	sdelay $0x3  }
0x37: {  	[smem:$0x3FBA] =	sst s10  }
0x38: {  	s10 =	sld [smem:$0x3FBB]  }
0x39: {  	_ = 	snop;
	(pc) =	sbr.ind lr, $3  }
0x3a: {  	_ = 	snop  }
0x3b: {  	_ = 	snop  }
0x3c: {  	p2 =	seq.s32 s10, $0x1;
	s10 =	sld [smem:$0x3FBA]  }
0x3d: {  	_ =	shalt  }
0x3e: {  	_ =	shalt  }
0x3f: {  	_ =	shalt  }
0x40: {  	_ =	shalt  }
0x41: {  	_ =	shalt  }
0x42: {  	_ =	shalt  }
0x43: {  	_ =	shalt  }
0x44: {  	_ =	shalt  }
0x45: {  	_ =	shalt  }
0x46: {  	_ =	shalt  }
0x47: {  	_ =	shalt  }
0x48: {  	_ =	shalt  }
0x49: {  	_ =	shalt  }
0x4a: {  	_ =	shalt  }
0x4b: {  	_ =	shalt  }
0x4c: {  	_ =	shalt  }
0x4d: {  	_ =	shalt  }
0x4e: {  	_ =	shalt  }
0x4f: {  	_ =	shalt  }
0x50: {  	_ =	shalt  }
0x51: {  	_ =	shalt  }
0x52: {  	_ =	shalt  }
0x53: {  	_ =	shalt  }
0x54: {  	_ =	shalt  }
0x55: {  	_ =	shalt  }
0x56: {  	_ =	shalt  }
0x57: {  	_ =	shalt  }
0x58: {  	_ =	shalt  }
0x59: {  	_ =	shalt  }
0x5a: {  	_ =	shalt  }
0x5b: {  	_ =	shalt  }
0x5c: {  	_ =	shalt  }
0x5d: {  	_ =	shalt  }
0x5e: {  	_ =	shalt  }
0x5f: {  	_ =	shalt  }
0x60: {  	_ =	shalt  }
0x61: {  	_ =	shalt  }
0x62: {  	_ =	shalt  }
0x63: {  	_ =	shalt  }
0x64: {  	_ =	shalt  }
0x65: {  	_ =	shalt  }
0x66: {  	_ =	shalt  }
0x67: {  	_ =	shalt  }
0x68: {  	_ =	shalt  }
0x69: {  	_ =	shalt  }
0x6a: {  	_ =	shalt  }
0x6b: {  	_ =	shalt  }
0x6c: {  	_ =	shalt  }
0x6d: {  	_ =	shalt  }
0x6e: {  	_ =	shalt  }
0x6f: {  	_ =	shalt  }
0x70: {  	_ =	shalt  }
0x71: {  	_ =	shalt  }
0x72: {  	_ =	shalt  }
0x73: {  	_ =	shalt  }
0x74: {  	_ =	shalt  }
0x75: {  	_ =	shalt  }
0x76: {  	_ =	shalt  }
0x77: {  	_ =	shalt  }
0x78: {  	_ =	shalt  }
0x79: {  	_ =	shalt  }
0x7a: {  	_ =	shalt  }
0x7b: {  	_ =	shalt  }
0x7c: {  	_ =	shalt  }
0x7d: {  	_ =	shalt  }
0x7e: {  	_ =	shalt  }
0x7f: {  	_ =	shalt  }
0x80: {  	_ =	shalt  }
0x81: {  	_ =	shalt  }
0x82: {  	_ =	shalt  }
0x83: {  	_ =	shalt  }
0x84: {  	_ =	shalt  }
0x85: {  	_ =	shalt  }
0x86: {  	_ =	shalt  }
0x87: {  	_ =	shalt  }
.Lfunc_end0:
.L_simem_size_0:
called_computation_lowered:
.L_overlay_start_0:
0x88: {  	s2 =	sld [smem:$0x3FD9]  }
0x89: {  	s3 =	sld [smem:$0x3FFE];
	_ =	sdelay $0x1  }
0x8a: {  	s1 =	srdreg.scid  }
0x8b: {  	s0 =	sand.u32 $0x1, s1  }
0x8c: {  	s18 =	sshll.u32 s0, $0xA;
	s2 =	sadd.s32 s3, s2  }
0x8d: {  	s2 =	sadd.s32 s2, s18  }
0x8e: {  	[smem:$0x3FC6] =	sst s2  }
0x8f: {  	_ = 	snop  }
0x90: {  	s2 =	sld [smem:$0x3FC9]  }
0x91: {  	s19 =	sld [smem:$0x3FC8]  }
0x92: {  	s4 =	sld [smem:$0x3FD0];
	(tm) =	ssettm $0x1  }
0x93: {  	s5 =	sld [smem:$0x3FFB];
	_ =	sdelay $0x3  }
0x94: {  	_ =	strace s5  }
0x95: {  	s5 =	sld [smem:$0x3FFC];
	_ =	sdelay $0x3  }
0x96: {  	_ =	strace s5  }
0x97: {  	s5 =	sld [smem:$0x3FFD];
	_ =	sdelay $0x3  }
0x98: {  	_ =	strace s5  }
0x99: {  	_ =	strace $0x8FFFFFFF  }
0x9a: {  	s20 =	sld [smem:$0x3FDB];
	_ =	sdelay $0x1  }
0x9b: {  	s6 =	simm.s32 $_scs_section_size  }
0x9c: {  	s7 =	simm.s32 $_size__tile_overlayer_lowered;
	s8 =	simm.s32 $_tile_overlayer_lowered  }
0x9d: {  	s23 =	simm.s32 $0x1BFF;
	s22 =	sshll.u32 s8, $0x1;
	s5 =	sadd.s32 s6, s20  }
0x9e: {  	s9 =	simm.s32 $0x0;
	s21 =	sshll.u32 s7, $0x1;
	s7 =	sadd.s32 s22, s5  }
0x9f: {  	[timem:s9], [sflag:s23] =	dma.local [hbm:s7], s21  }
0xa0: {  	_ =	swait.ge [sflag:s23], s21  }
0xa1: {  	s6 =	ssub.s32 $0x0, s21;
	[sflag:s23] =	ssyncset.done $0x0  }
0xa2: {  	[sflag:s23] =	ssyncadd.s32 s6;
	_ =	sdelay $0x1  }
0xa3: {  	s24 =	simm.s32 $0x1B8B  }
0xa4: {  	_ =	swait.ge [sflag:s24], $0x1  }
0xa5: {  	[sflag:s24] =	ssyncset.done $0x0  }
0xa6: {  	s25 =	simm.s32 $0x1B8E;
	[sflag:s24] =	ssyncadd.s32 $0xFFFFFFFF  }
0xa7: {  	s26 =	simm.s32 $execute0_lowered;
	[smem:$0x3FD2] =	sst s25  }
0xa8: {  	s6 =	sshll.u32 s26, $0x1;
	_ =	strace $0x80000046;
	[dreg:$0x1] =	wrdreg $0xFFFFFFFF  }
0xa9: {  	s28 =	simm.s32 $_size_execute0_lowered;
	s5 =	sadd.s32 s5, s6;
	[dreg:$0x0] =	wrdreg $0x0  }
0xaa: {  	s6 =	sshll.u32 s28, $0x1;
	[dreg:$0x2] =	wrdreg s5  }
0xab: {  	[dreg:$0x3] =	wrdreg s6  }
0xac: {  	[dreg:$0x4] =	wrdreg $0xC0  }
0xad: {  	_ =	task [dreg:s9], $0x5FFFF  }
0xae: {  	[dreg:$0x1] =	wrdreg $0xFFFFFFFF  }
0xaf: {  	[dreg:$0x0] =	wrdreg $0x60  }
0xb0: {  	[dreg:$0x2] =	wrdreg s2  }
0xb1: {  	[dreg:$0x3] =	wrdreg s19  }
0xb2: {  	[dreg:$0x4] =	wrdreg s4  }
0xb3: {  	[dreg:$0x5] =	wrdreg $0x9  }
0xb4: {  	_ =	task.clear_ibuf [dreg:s9], $0x6FFFF;
	_ =	strace $0x90000046  }
0xb5: {  	s29 =	simm.s32 $0x9;
	_ =	strace $0x80000048  }
0xb6: {  	_ =	swait.ge [sflag:s29], $0x1  }
0xb7: {  	[sflag:s29] =	ssyncadd.s32 $0xFFFFFFFF  }
0xb8: {  	_ =	strace $0x90000048  }
0xb9: {  	_ =	sfence  }
0xba: {  	s30 =	sld [smem:$0x0];
	_ =	sdelay $0x2  }
0xbb: {  	s31 =	sshll.u32 s1, $0xD;
	s1 =	sshrl.u32 s1, $0x2  }
0xbc: {  	s3 =	sand.u32 $0x4000, s31;
	s1 =	sadd.s32 s1, s30  }
0xbd: {  	s0 =	sor.u32 s3, s0;
	s1 =	sshll.u32 s1, $0x11  }
0xbe: {  	s0 =	sor.u32 s1, s0  }
0xbf: {  	s0 =	sadd.s32 $0x8F2B, s0  }
0xc0: {  	[sflag:s0] =	ssyncadd.remote.s32 $0x1  }
0xc1: {  	_ =	sfence.sel $0xFFFF  }
0xc2: {  	[dreg:$0x0] =	wrdreg $0xFFFFFFFF;
	(pc) =	sbr.abs _section_cstart, $3  }
0xc3: {  	[dreg:$0x1] =	wrdreg $0xFFFFFFFF  }
0xc4: {  	_ =	task.clear_ibuf [dreg:s9], $0x2FFFF;
	_ =	strace $0x9FFFFFFF  }
0xc5: {  	(tm) =	ssettm $0x7FFFFFFF  }
tec
execute0_lowered:
.L_overlay_start_1:
0x0: {  	(tag) =	ssettag $0x1  }
0x1: {  	s1 =	rddreg [dreg:$0x0]  }
0x2: {  	s2 =	rddreg [dreg:$0x1]  }
0x3: {  	s4 =	rddreg [dreg:$0x2]  }
0x4: {  	s0 =	srdreg.scid;
	s7 =	simm.s32 $0x0;
	s5 =	stileid.u32  }
0x5: {  	s30 =	simm.s32 $0x5;
	s31 =	simm.s32 $0x1;
	s28 =	simm.s32 $0xC400  }
0x6: {  	s29 =	simm.s32 $0x8;
	s8 =	simm.s32 $0xE400;
	s0 =	sand.u32 $0x1, s0  }
0x7: {  	s6 =	sshll.u32 s5, $0x9;
	s3 =	ssub.s32 $0x2, s0;
	s0 =	sshll.u32 s0, $0x8  }
0x8: {  	s10 =	simm.s32 $0x0;
	[smem:$0x7FF] =	sst s7;
	s6 =	sor.u32 s0, s6  }
0x9: {  	s7 =	simm.s32 $0x4;
	s13 =	sshrl.u32 s3, $0x1;
	s17 =	sshll.u32 s6, $0x4  }
0xa: {  	_ =	strace $0x80000047;
	s14 =	ssub.s32 s3, s13;
	s18 =	sadd.s32 s1, s17  }
0xb: {  	s15 =	sshrl.u32 s6, $0x3;
	s19 =	sadd.s32 s2, s17;
	[dreg:$0x4] =	wrdreg s18  }
0xc: {  	s20 =	sor.u32 $0x20, s17;
	s0 =	smax.u32 s14, $0x1;
	[dreg:$0x5] =	wrdreg s19  }
0xd: {  	s16 =	sor.u32 $0x8, s6;
	s21 =	sadd.s32 s1, s20;
	[dreg:$0xc] =	wrdreg s0  }
0xe: {  	s23 =	sor.u32 $0x40, s17;
	s22 =	sadd.s32 s2, s20;
	[dreg:$0x6] =	wrdreg s21  }
0xf: {  	s3 =	sor.u32 $0x60, s17;
	s24 =	sadd.s32 s1, s23;
	[dreg:$0x7] =	wrdreg s22  }
0x10: {  	s17 =	sor.u32 $0xA, s6;
	s25 =	sadd.s32 s2, s23;
	[dreg:$0x8] =	wrdreg s24  }
0x11: {  	s26 =	sadd.s32 s1, s3;
	s3 =	sadd.s32 s2, s3;
	[dreg:$0x9] =	wrdreg s25  }
0x12: {  	s18 =	sor.u32 $0xC, s6;
	s19 =	sor.u32 $0xE, s6;
	[dreg:$0xa] =	wrdreg s26  }
0x13: {  	s0 =	simm.s32 $0x8400;
	s23 =	simm.s32 $0x2;
	[dreg:$0xb] =	wrdreg s3  }
0x14: {  	s21 =	simm.s32 $0x100;
	s22 =	simm.s32 $0x100000;
	s3 =	simm.s32 $0x6  }
0x15: {  	s24 =	simm.s32 $0xA400;
	s25 =	simm.s32 $0x7;
	s26 =	simm.s32 $0x3  }
.LBB2_1:
0x16: {  	[dreg:$0xd] =	wrdreg s10  }
0x17: {  	s5 =	rddreg [dreg:$0x4];
	s9 =	simm.s32 $0x400  }
0x18: {  	[tilespmem:s9], [sflag:$0x5] =	stream.strided.gather [hbm4b:s5+s21], $0x2000, s22, s21, $0x38;
	[tilespmem:$0x10400] =	vst v63  }
0x19: {  	s10 =	rddreg [dreg:$0x5];
	s5 =	simm.s32 $0x0  }
0x1a: {  	[tilespmem:s5], [sflag:$0x1] =	stream.linear.gather [hbm4b:s10+s5], $0x100, $0x38;
	[tilespmem:$0x10400] =	vst v63  }
0x1b: {  	s11 =	rddreg [dreg:$0x6];
	s12 =	simm.s32 $0x2400  }
0x1c: {  	[tilespmem:s12], [sflag:$0x6] =	stream.strided.gather [hbm4b:s11+s21], $0x2000, s22, s21, $0x38;
	[tilespmem:$0x10400] =	vst v63  }
0x1d: {  	s13 =	rddreg [dreg:$0x7]  }
0x1e: {  	[tilespmem:s21], [sflag:$0x2] =	stream.linear.gather [hbm4b:s13+s5], $0x100, $0x38;
	[tilespmem:$0x10400] =	vst v63  }
0x1f: {  	s14 =	rddreg [dreg:$0x8];
	s20 =	simm.s32 $0x4400  }
0x20: {  	[tilespmem:s20], [sflag:$0x7] =	stream.strided.gather [hbm4b:s14+s21], $0x2000, s22, s21, $0x38;
	[tilespmem:$0x10400] =	vst v63  }
0x21: {  	s10 =	rddreg [dreg:$0x9];
	s11 =	simm.s32 $0x200  }
0x22: {  	[tilespmem:s11], [sflag:$0x3] =	stream.linear.gather [hbm4b:s10+s5], $0x100, $0x38;
	[tilespmem:$0x10400] =	vst v63  }
0x23: {  	s12 =	rddreg [dreg:$0xa];
	s13 =	simm.s32 $0x6400  }
0x24: {  	[tilespmem:s13], [sflag:$0x8] =	stream.strided.gather [hbm4b:s12+s21], $0x2000, s22, s21, $0x38;
	[tilespmem:$0x10400] =	vst v63  }
0x25: {  	s14 =	rddreg [dreg:$0xb];
	s20 =	simm.s32 $0x300  }
0x26: {  	[tilespmem:s20], [sflag:$0x4] =	stream.linear.gather [hbm4b:s14+s5], $0x100, $0x38;
	[tilespmem:$0x10400] =	vst v63  }
0x27: {  	s20 =	simm.s32 $0x0  }
.LBB2_2:
0x28: {  	_ =	swait.ge [sflag:s30], $0x2000  }
0x29: {  	[sflag:s30] =	ssyncset.done $0x0  }
0x2a: {  	[sflag:s30] =	ssyncadd.s32 $0xFFFFE000  }
0x2b: {  	_ =	swait.ge [sflag:s31], $0x100  }
0x2c: {  	p1 =	seq.s32 s20, $0x0;
	[sflag:s31] =	ssyncset.done $0x0  }
0x2d: {  	s9 =	simm.s32 @!p1 $0x9;
	[sflag:s31] =	ssyncadd.s32 $0xFFFFFF00  }
0x2e: {  	_ =	swait.ge @!p1 [sflag:s9], $0x2000  }
0x2f: {  	[sflag:s9] =	ssyncset.done @!p1 $0x0  }
0x30: {  	[sflag:s9] =	ssyncadd.s32 @!p1 $0xFFFFE000  }
0x31: {  	v14 =	vld [tilespmem:$0x0]  }
0x32: {  	v13 =	vld [tilespmem:$0x10]  }
0x33: {  	v12 =	vld [tilespmem:$0x20]  }
0x34: {  	v11 =	vld [tilespmem:$0x30]  }
0x35: {  	v10 =	vld [tilespmem:$0x40]  }
0x36: {  	v9 =	vld [tilespmem:$0x50]  }
0x37: {  	v8 =	vld [tilespmem:$0x60]  }
0x38: {  	v7 =	vld [tilespmem:$0x70]  }
0x39: {  	v6 =	vld [tilespmem:$0x80]  }
0x3a: {  	v5 =	vld [tilespmem:$0x90]  }
0x3b: {  	v4 =	vld [tilespmem:$0xA0]  }
0x3c: {  	v3 =	vld [tilespmem:$0xB0]  }
0x3d: {  	v2 =	vld [tilespmem:$0xC0]  }
0x3e: {  	v1 =	vld [tilespmem:$0xD0]  }
0x3f: {  	v0 =	vld [tilespmem:$0xE0]  }
0x40: {  	s9 =	simm.s32 $0x0;
	v15 =	vld [tilespmem:$0xF0]  }
0x41: {  	v16 =	vld [tilespmem:s9+$0x4F0]  }
0x42: {  	v17 =	vld [tilespmem:s9+$0x400]  }
0x43: {  	v18 =	vld [tilespmem:s9+$0x410]  }
0x44: {  	v19 =	vld [tilespmem:s9+$0x420]  }
0x45: {  	v22 =	vld [tilespmem:s9+$0x450]  }
0x46: {  	v20 =	vld [tilespmem:s9+$0x430];
	v16 =	vadd.f32 v16, v15  }
0x47: {  	v21 =	vld [tilespmem:s9+$0x440];
	v17 =	vadd.f32 v17, v14  }
0x48: {  	v23 =	vld [tilespmem:s9+$0x460];
	[tilespmem:s9+$0x84F0] =	vst v16;
	v16 =	vadd.f32 v18, v13  }
0x49: {  	v24 =	vld [tilespmem:s9+$0x470];
	[tilespmem:s9+$0x8400] =	vst v17;
	v17 =	vadd.f32 v19, v12  }
0x4a: {  	v18 =	vadd.f32 v22, v9;
	[tilespmem:s9+$0x8410] =	vst v16  }
0x4b: {  	v25 =	vld [tilespmem:s9+$0x480];
	v16 =	vadd.f32 v20, v11;
	[tilespmem:s9+$0x8420] =	vst v17  }
0x4c: {  	v20 =	vld [tilespmem:s9+$0x490];
	v17 =	vadd.f32 v21, v10;
	[tilespmem:s9+$0x8450] =	vst v18  }
0x4d: {  	v19 =	vadd.f32 v23, v8;
	[tilespmem:s9+$0x8430] =	vst v16;
	v16 =	vld [tilespmem:s9+$0x4A0]  }
0x4e: {  	v21 =	vadd.f32 v24, v7;
	[tilespmem:s9+$0x8440] =	vst v17;
	v17 =	vld [tilespmem:s9+$0x4B0]  }
0x4f: {  	v18 =	vld [tilespmem:s9+$0x4C0];
	[tilespmem:s9+$0x8460] =	vst v19  }
0x50: {  	v19 =	vld [tilespmem:s9+$0x4D0];
	[tilespmem:s9+$0x8470] =	vst v21;
	v21 =	vadd.f32 v25, v6  }
0x51: {  	s14 =	sshll.u32 s20, $0x3;
	s10 =	simm.s32 $0x100;
	s11 =	simm.s32 $0x800;
	v22 =	vadd.f32 v20, v5;
	v20 =	vld [tilespmem:s9+$0x4E0]  }
.LBB2_3:
0x52: {  	p0 =	sne.s32 s11, $0x7C00;
	v23 =	vld [tilespmem:s10+$0x4F0];
	[tilespmem:s9+$0x8480] =	vst v21;
	v16 =	vadd.f32 v16, v4  }
0x53: {  	v21 =	vld [tilespmem:s10+$0x400];
	[tilespmem:s9+$0x8490] =	vst v22;
	v17 =	vadd.f32 v17, v3  }
0x54: {  	v22 =	vld [tilespmem:s10+$0x410];
	[tilespmem:s9+$0x84A0] =	vst v16;
	v16 =	vadd.f32 v18, v2  }
0x55: {  	v18 =	vld [tilespmem:s10+$0x420];
	[tilespmem:s9+$0x84B0] =	vst v17;
	v17 =	vadd.f32 v19, v1  }
0x56: {  	v19 =	vld [tilespmem:s10+$0x430];
	[tilespmem:s9+$0x84C0] =	vst v16;
	v16 =	vadd.f32 v20, v0  }
0x57: {  	v20 =	vld [tilespmem:s10+$0x440];
	v23 =	vadd.f32 v23, v15;
	[tilespmem:s9+$0x84D0] =	vst v17  }
0x58: {  	v17 =	vadd.f32 v21, v14;
	v21 =	vld [tilespmem:s10+$0x450];
	[tilespmem:s9+$0x84E0] =	vst v16;
	s9 =	smov.u32 s10  }
0x59: {  	v16 =	vadd.f32 v22, v13;
	v22 =	vld [tilespmem:s9+$0x460];
	[tilespmem:s9+$0x84F0] =	vst v23  }
0x5a: {  	[tilespmem:s9+$0x8400] =	vst v17;
	v17 =	vadd.f32 v18, v12;
	v18 =	vld [tilespmem:s9+$0x470]  }
0x5b: {  	[tilespmem:s9+$0x8410] =	vst v16;
	v16 =	vadd.f32 v19, v11;
	v19 =	vld [tilespmem:s9+$0x480]  }
0x5c: {  	[tilespmem:s9+$0x8420] =	vst v17;
	v17 =	vadd.f32 v20, v10;
	v20 =	vld [tilespmem:s9+$0x490]  }
.Ltmp0:
0x5d: {  	[tilespmem:s9+$0x8430] =	vst v16;
	v21 =	vadd.f32 v21, v9;
	v16 =	vld [tilespmem:s9+$0x4A0];
	(pc) =	sbr.rel @p0 .LBB2_3-.Ltmp0, $4  }
0x5e: {  	[tilespmem:s9+$0x8440] =	vst v17;
	v22 =	vadd.f32 v22, v8;
	v17 =	vld [tilespmem:s9+$0x4B0]  }
0x5f: {  	[tilespmem:s9+$0x8450] =	vst v21;
	v23 =	vadd.f32 v18, v7;
	v18 =	vld [tilespmem:s9+$0x4C0]  }
0x60: {  	[tilespmem:s9+$0x8460] =	vst v22;
	v21 =	vadd.f32 v19, v6;
	v19 =	vld [tilespmem:s9+$0x4D0]  }
0x61: {  	s10 =	sshra.s32 s11, $0x2;
	s11 =	sadd.s32 $0x400, s11;
	[tilespmem:s9+$0x8470] =	vst v23;
	v22 =	vadd.f32 v20, v5;
	v20 =	vld [tilespmem:s9+$0x4E0]  }
0x62: {  	v23 =	vld [tilespmem:s10+$0x4F0];
	[tilespmem:s9+$0x8480] =	vst v21;
	v16 =	vadd.f32 v16, v4  }
0x63: {  	v21 =	vld [tilespmem:s10+$0x400];
	[tilespmem:s9+$0x8490] =	vst v22;
	v17 =	vadd.f32 v17, v3  }
0x64: {  	v22 =	vld [tilespmem:s10+$0x410];
	[tilespmem:s9+$0x84A0] =	vst v16;
	v18 =	vadd.f32 v18, v2  }
0x65: {  	v16 =	vld [tilespmem:s10+$0x420];
	[tilespmem:s9+$0x84B0] =	vst v17;
	v19 =	vadd.f32 v19, v1  }
0x66: {  	v17 =	vld [tilespmem:s10+$0x430];
	[tilespmem:s9+$0x84C0] =	vst v18;
	v20 =	vadd.f32 v20, v0  }
0x67: {  	v18 =	vld [tilespmem:s10+$0x440];
	[tilespmem:s9+$0x84D0] =	vst v19;
	v15 =	vadd.f32 v23, v15  }
0x68: {  	v19 =	vld [tilespmem:s10+$0x450];
	[tilespmem:s9+$0x84E0] =	vst v20;
	v14 =	vadd.f32 v21, v14  }
0x69: {  	v20 =	vld [tilespmem:s10+$0x460];
	[tilespmem:s10+$0x84F0] =	vst v15;
	v13 =	vadd.f32 v22, v13  }
0x6a: {  	[tilespmem:s10+$0x8400] =	vst v14;
	v14 =	vld [tilespmem:s10+$0x470];
	v12 =	vadd.f32 v16, v12  }
0x6b: {  	[tilespmem:s10+$0x8410] =	vst v13;
	v13 =	vld [tilespmem:s10+$0x480];
	v11 =	vadd.f32 v17, v11  }
0x6c: {  	[tilespmem:s10+$0x8420] =	vst v12;
	v12 =	vld [tilespmem:s10+$0x490];
	v10 =	vadd.f32 v18, v10  }
0x6d: {  	[tilespmem:s10+$0x8430] =	vst v11;
	v11 =	vld [tilespmem:s10+$0x4A0];
	v9 =	vadd.f32 v19, v9  }
0x6e: {  	[tilespmem:s10+$0x8440] =	vst v10;
	v10 =	vld [tilespmem:s10+$0x4B0];
	v8 =	vadd.f32 v20, v8  }
0x6f: {  	[tilespmem:s10+$0x8450] =	vst v9;
	v9 =	vld [tilespmem:s10+$0x4C0];
	v7 =	vadd.f32 v14, v7  }
0x70: {  	[tilespmem:s10+$0x8460] =	vst v8;
	v8 =	vld [tilespmem:s10+$0x4D0];
	v6 =	vadd.f32 v13, v6  }
0x71: {  	[tilespmem:s10+$0x8470] =	vst v7;
	v5 =	vadd.f32 v12, v5;
	v7 =	vld [tilespmem:s10+$0x4E0]  }
0x72: {  	[tilespmem:s10+$0x8480] =	vst v6;
	v4 =	vadd.f32 v11, v4  }
0x73: {  	[tilespmem:s10+$0x8490] =	vst v5;
	v3 =	vadd.f32 v10, v3  }
0x74: {  	[tilespmem:s10+$0x84A0] =	vst v4;
	v2 =	vadd.f32 v9, v2  }
0x75: {  	[tilespmem:s10+$0x84B0] =	vst v3;
	v1 =	vadd.f32 v8, v1  }
0x76: {  	s13 =	sadd.s32 s15, s20;
	[tilespmem:s10+$0x84C0] =	vst v2;
	v0 =	vadd.f32 v7, v0  }
0x77: {  	s9 =	sshll.u32 s13, $0x7;
	[tilespmem:s10+$0x84D0] =	vst v1  }
0x78: {  	p0 =	seq.s32 s20, $0x1F;
	s9 =	sadd.s32 s4, s9;
	[tilespmem:s10+$0x84E0] =	vst v0  }
0x79: {  	[hbm4b:s9+s21] =	stream.strided.scatter [tilespmem:s0], [sflag:$0x9], $0x2000, s22, s21, $0x38;
	[tilespmem:$0x10400] =	vst v63  }
0x7a: {  	s9 =	sadd.s32 @!p0 s14, s16  }
0x7b: {  	s11 =	simm.s32 @!p0 $0x100;
	s9 =	sshll.u32 @!p0 s9, $0x4  }
0x7c: {  	s12 =	simm.s32 @!p0 $0x100000;
	s5 =	simm.s32 @!p0 $0x400;
	s10 =	sadd.s32 @!p0 s1, s9  }
0x7d: {  	[tilespmem:s5], [sflag:$0x5] =	stream.strided.gather @!p0 [hbm4b:s10+s11], $0x2000, s12, s11, $0x38;
	[tilespmem:$0x10400] =	vst v63  }
0x7e: {  	s5 =	sadd.s32 @!p0 s2, s9;
	s9 =	simm.s32 @!p0 $0x0  }
0x7f: {  	[tilespmem:s9], [sflag:$0x1] =	stream.linear.gather @!p0 [hbm4b:s5+s9], $0x100, $0x38;
	[tilespmem:$0x10400] =	vst v63  }
0x80: {  	_ =	swait.ge [sflag:s3], $0x2000  }
0x81: {  	[sflag:s3] =	ssyncset.done $0x0  }
0x82: {  	[sflag:s3] =	ssyncadd.s32 $0xFFFFE000  }
0x83: {  	_ =	swait.ge [sflag:s23], $0x100  }
0x84: {  	[sflag:s23] =	ssyncset.done $0x0  }
0x85: {  	s5 =	simm.s32 @!p1 $0xA;
	[sflag:s23] =	ssyncadd.s32 $0xFFFFFF00  }
0x86: {  	_ =	swait.ge @!p1 [sflag:s5], $0x2000  }
0x87: {  	[sflag:s5] =	ssyncset.done @!p1 $0x0  }
0x88: {  	[sflag:s5] =	ssyncadd.s32 @!p1 $0xFFFFE000  }
0x89: {  	v14 =	vld [tilespmem:$0x100]  }
0x8a: {  	v13 =	vld [tilespmem:$0x110]  }
0x8b: {  	v12 =	vld [tilespmem:$0x120]  }
0x8c: {  	v11 =	vld [tilespmem:$0x130]  }
0x8d: {  	v10 =	vld [tilespmem:$0x140]  }
0x8e: {  	v9 =	vld [tilespmem:$0x150]  }
0x8f: {  	v8 =	vld [tilespmem:$0x160]  }
0x90: {  	v7 =	vld [tilespmem:$0x170]  }
0x91: {  	v6 =	vld [tilespmem:$0x180]  }
0x92: {  	v5 =	vld [tilespmem:$0x190]  }
0x93: {  	v4 =	vld [tilespmem:$0x1A0]  }
0x94: {  	v3 =	vld [tilespmem:$0x1B0]  }
0x95: {  	v2 =	vld [tilespmem:$0x1C0]  }
0x96: {  	v1 =	vld [tilespmem:$0x1D0]  }
0x97: {  	v0 =	vld [tilespmem:$0x1E0]  }
0x98: {  	s9 =	simm.s32 $0x0;
	v15 =	vld [tilespmem:$0x1F0]  }
0x99: {  	v16 =	vld [tilespmem:s9+$0x24F0]  }
0x9a: {  	v17 =	vld [tilespmem:s9+$0x2400]  }
0x9b: {  	v18 =	vld [tilespmem:s9+$0x2410]  }
0x9c: {  	v19 =	vld [tilespmem:s9+$0x2420]  }
0x9d: {  	v22 =	vld [tilespmem:s9+$0x2450]  }
0x9e: {  	v20 =	vld [tilespmem:s9+$0x2430];
	v16 =	vadd.f32 v16, v15  }
0x9f: {  	v21 =	vld [tilespmem:s9+$0x2440];
	v17 =	vadd.f32 v17, v14  }
0xa0: {  	v23 =	vld [tilespmem:s9+$0x2460];
	[tilespmem:s9+$0xA4F0] =	vst v16;
	v16 =	vadd.f32 v18, v13  }
0xa1: {  	v24 =	vld [tilespmem:s9+$0x2470];
	[tilespmem:s9+$0xA400] =	vst v17;
	v17 =	vadd.f32 v19, v12  }
0xa2: {  	v18 =	vadd.f32 v22, v9;
	[tilespmem:s9+$0xA410] =	vst v16  }
0xa3: {  	v25 =	vld [tilespmem:s9+$0x2480];
	v16 =	vadd.f32 v20, v11;
	[tilespmem:s9+$0xA420] =	vst v17  }
0xa4: {  	v20 =	vld [tilespmem:s9+$0x2490];
	v17 =	vadd.f32 v21, v10;
	[tilespmem:s9+$0xA450] =	vst v18  }
0xa5: {  	v19 =	vadd.f32 v23, v8;
	[tilespmem:s9+$0xA430] =	vst v16;
	v16 =	vld [tilespmem:s9+$0x24A0]  }
0xa6: {  	v21 =	vadd.f32 v24, v7;
	[tilespmem:s9+$0xA440] =	vst v17;
	v17 =	vld [tilespmem:s9+$0x24B0]  }
0xa7: {  	v18 =	vld [tilespmem:s9+$0x24C0];
	[tilespmem:s9+$0xA460] =	vst v19  }
0xa8: {  	v19 =	vld [tilespmem:s9+$0x24D0];
	[tilespmem:s9+$0xA470] =	vst v21;
	v21 =	vadd.f32 v25, v6  }
0xa9: {  	s20 =	sadd.s32 $0x1, s20;
	s10 =	simm.s32 $0x100;
	s11 =	simm.s32 $0x800;
	v22 =	vadd.f32 v20, v5;
	v20 =	vld [tilespmem:s9+$0x24E0]  }
.LBB2_5:
0xaa: {  	p2 =	sne.s32 s11, $0x7C00;
	v23 =	vld [tilespmem:s10+$0x24F0];
	[tilespmem:s9+$0xA480] =	vst v21;
	v16 =	vadd.f32 v16, v4  }
0xab: {  	v21 =	vld [tilespmem:s10+$0x2400];
	[tilespmem:s9+$0xA490] =	vst v22;
	v17 =	vadd.f32 v17, v3  }
0xac: {  	v22 =	vld [tilespmem:s10+$0x2410];
	[tilespmem:s9+$0xA4A0] =	vst v16;
	v16 =	vadd.f32 v18, v2  }
0xad: {  	v18 =	vld [tilespmem:s10+$0x2420];
	[tilespmem:s9+$0xA4B0] =	vst v17;
	v17 =	vadd.f32 v19, v1  }
0xae: {  	v19 =	vld [tilespmem:s10+$0x2430];
	[tilespmem:s9+$0xA4C0] =	vst v16;
	v16 =	vadd.f32 v20, v0  }
0xaf: {  	v20 =	vld [tilespmem:s10+$0x2440];
	v23 =	vadd.f32 v23, v15;
	[tilespmem:s9+$0xA4D0] =	vst v17  }
0xb0: {  	v17 =	vadd.f32 v21, v14;
	v21 =	vld [tilespmem:s10+$0x2450];
	[tilespmem:s9+$0xA4E0] =	vst v16;
	s9 =	smov.u32 s10  }
0xb1: {  	v16 =	vadd.f32 v22, v13;
	v22 =	vld [tilespmem:s9+$0x2460];
	[tilespmem:s9+$0xA4F0] =	vst v23  }
0xb2: {  	[tilespmem:s9+$0xA400] =	vst v17;
	v17 =	vadd.f32 v18, v12;
	v18 =	vld [tilespmem:s9+$0x2470]  }
0xb3: {  	[tilespmem:s9+$0xA410] =	vst v16;
	v16 =	vadd.f32 v19, v11;
	v19 =	vld [tilespmem:s9+$0x2480]  }
0xb4: {  	[tilespmem:s9+$0xA420] =	vst v17;
	v17 =	vadd.f32 v20, v10;
	v20 =	vld [tilespmem:s9+$0x2490]  }
.Ltmp1:
0xb5: {  	[tilespmem:s9+$0xA430] =	vst v16;
	v21 =	vadd.f32 v21, v9;
	v16 =	vld [tilespmem:s9+$0x24A0];
	(pc) =	sbr.rel @p2 .LBB2_5-.Ltmp1, $4  }
0xb6: {  	[tilespmem:s9+$0xA440] =	vst v17;
	v22 =	vadd.f32 v22, v8;
	v17 =	vld [tilespmem:s9+$0x24B0]  }
0xb7: {  	[tilespmem:s9+$0xA450] =	vst v21;
	v23 =	vadd.f32 v18, v7;
	v18 =	vld [tilespmem:s9+$0x24C0]  }
0xb8: {  	[tilespmem:s9+$0xA460] =	vst v22;
	v21 =	vadd.f32 v19, v6;
	v19 =	vld [tilespmem:s9+$0x24D0]  }
0xb9: {  	s10 =	sshra.s32 s11, $0x2;
	s11 =	sadd.s32 $0x400, s11;
	[tilespmem:s9+$0xA470] =	vst v23;
	v22 =	vadd.f32 v20, v5;
	v20 =	vld [tilespmem:s9+$0x24E0]  }
0xba: {  	v23 =	vld [tilespmem:s10+$0x24F0];
	[tilespmem:s9+$0xA480] =	vst v21;
	v16 =	vadd.f32 v16, v4  }
0xbb: {  	v21 =	vld [tilespmem:s10+$0x2400];
	[tilespmem:s9+$0xA490] =	vst v22;
	v17 =	vadd.f32 v17, v3  }
0xbc: {  	v22 =	vld [tilespmem:s10+$0x2410];
	[tilespmem:s9+$0xA4A0] =	vst v16;
	v18 =	vadd.f32 v18, v2  }
0xbd: {  	v16 =	vld [tilespmem:s10+$0x2420];
	[tilespmem:s9+$0xA4B0] =	vst v17;
	v19 =	vadd.f32 v19, v1  }
0xbe: {  	v17 =	vld [tilespmem:s10+$0x2430];
	[tilespmem:s9+$0xA4C0] =	vst v18;
	v20 =	vadd.f32 v20, v0  }
0xbf: {  	v18 =	vld [tilespmem:s10+$0x2440];
	[tilespmem:s9+$0xA4D0] =	vst v19;
	v15 =	vadd.f32 v23, v15  }
0xc0: {  	v19 =	vld [tilespmem:s10+$0x2450];
	[tilespmem:s9+$0xA4E0] =	vst v20;
	v14 =	vadd.f32 v21, v14  }
0xc1: {  	v20 =	vld [tilespmem:s10+$0x2460];
	[tilespmem:s10+$0xA4F0] =	vst v15;
	v13 =	vadd.f32 v22, v13  }
0xc2: {  	[tilespmem:s10+$0xA400] =	vst v14;
	v14 =	vld [tilespmem:s10+$0x2470];
	v12 =	vadd.f32 v16, v12  }
0xc3: {  	[tilespmem:s10+$0xA410] =	vst v13;
	v13 =	vld [tilespmem:s10+$0x2480];
	v11 =	vadd.f32 v17, v11  }
0xc4: {  	[tilespmem:s10+$0xA420] =	vst v12;
	v12 =	vld [tilespmem:s10+$0x2490];
	v10 =	vadd.f32 v18, v10  }
0xc5: {  	[tilespmem:s10+$0xA430] =	vst v11;
	v11 =	vld [tilespmem:s10+$0x24A0];
	v9 =	vadd.f32 v19, v9  }
0xc6: {  	[tilespmem:s10+$0xA440] =	vst v10;
	v10 =	vld [tilespmem:s10+$0x24B0];
	v8 =	vadd.f32 v20, v8  }
0xc7: {  	[tilespmem:s10+$0xA450] =	vst v9;
	v9 =	vld [tilespmem:s10+$0x24C0];
	v7 =	vadd.f32 v14, v7  }
0xc8: {  	[tilespmem:s10+$0xA460] =	vst v8;
	v8 =	vld [tilespmem:s10+$0x24D0];
	v6 =	vadd.f32 v13, v6  }
0xc9: {  	[tilespmem:s10+$0xA470] =	vst v7;
	v5 =	vadd.f32 v12, v5;
	v7 =	vld [tilespmem:s10+$0x24E0]  }
0xca: {  	[tilespmem:s10+$0xA480] =	vst v6;
	v4 =	vadd.f32 v11, v4  }
0xcb: {  	[tilespmem:s10+$0xA490] =	vst v5;
	v3 =	vadd.f32 v10, v3  }
0xcc: {  	[tilespmem:s10+$0xA4A0] =	vst v4;
	v2 =	vadd.f32 v9, v2  }
0xcd: {  	s5 =	sadd.s32 s14, s6;
	[tilespmem:s10+$0xA4B0] =	vst v3;
	v1 =	vadd.f32 v8, v1  }
0xce: {  	s5 =	sshll.u32 s5, $0x4;
	[tilespmem:s10+$0xA4C0] =	vst v2;
	v0 =	vadd.f32 v7, v0  }
0xcf: {  	s9 =	sadd.s32 s4, s5;
	[tilespmem:s10+$0xA4D0] =	vst v1  }
0xd0: {  	s5 =	sadd.s32 $0x20, s9;
	[tilespmem:s10+$0xA4E0] =	vst v0  }
0xd1: {  	[hbm4b:s5+s21] =	stream.strided.scatter [tilespmem:s24], [sflag:$0xA], $0x2000, s22, s21, $0x38;
	[tilespmem:$0x10400] =	vst v63  }
0xd2: {  	s5 =	sadd.s32 @!p0 s14, s17  }
0xd3: {  	s11 =	simm.s32 @!p0 $0x100;
	s5 =	sshll.u32 @!p0 s5, $0x4  }
0xd4: {  	s12 =	simm.s32 @!p0 $0x100000;
	s13 =	simm.s32 @!p0 $0x2400;
	s10 =	sadd.s32 @!p0 s1, s5  }
0xd5: {  	[tilespmem:s13], [sflag:$0x6] =	stream.strided.gather @!p0 [hbm4b:s10+s11], $0x2000, s12, s11, $0x38;
	[tilespmem:$0x10400] =	vst v63  }
0xd6: {  	s5 =	sadd.s32 @!p0 s2, s5;
	s10 =	simm.s32 @!p0 $0x0  }
0xd7: {  	[tilespmem:s11], [sflag:$0x2] =	stream.linear.gather @!p0 [hbm4b:s5+s10], $0x100, $0x38;
	[tilespmem:$0x10400] =	vst v63  }
0xd8: {  	_ =	swait.ge [sflag:s25], $0x2000  }
0xd9: {  	[sflag:s25] =	ssyncset.done $0x0  }
0xda: {  	[sflag:s25] =	ssyncadd.s32 $0xFFFFE000  }
0xdb: {  	_ =	swait.ge [sflag:s26], $0x100  }
0xdc: {  	[sflag:s26] =	ssyncset.done $0x0  }
0xdd: {  	s5 =	simm.s32 @!p1 $0xB;
	[sflag:s26] =	ssyncadd.s32 $0xFFFFFF00  }
0xde: {  	_ =	swait.ge @!p1 [sflag:s5], $0x2000  }
0xdf: {  	[sflag:s5] =	ssyncset.done @!p1 $0x0  }
0xe0: {  	[sflag:s5] =	ssyncadd.s32 @!p1 $0xFFFFE000  }
0xe1: {  	v14 =	vld [tilespmem:$0x200]  }
0xe2: {  	v13 =	vld [tilespmem:$0x210]  }
0xe3: {  	v12 =	vld [tilespmem:$0x220]  }
0xe4: {  	v11 =	vld [tilespmem:$0x230]  }
0xe5: {  	v10 =	vld [tilespmem:$0x240]  }
0xe6: {  	v9 =	vld [tilespmem:$0x250]  }
0xe7: {  	v8 =	vld [tilespmem:$0x260]  }
0xe8: {  	v7 =	vld [tilespmem:$0x270]  }
0xe9: {  	v6 =	vld [tilespmem:$0x280]  }
0xea: {  	v5 =	vld [tilespmem:$0x290]  }
0xeb: {  	v4 =	vld [tilespmem:$0x2A0]  }
0xec: {  	v3 =	vld [tilespmem:$0x2B0]  }
0xed: {  	v2 =	vld [tilespmem:$0x2C0]  }
0xee: {  	v1 =	vld [tilespmem:$0x2D0]  }
0xef: {  	v0 =	vld [tilespmem:$0x2E0]  }
0xf0: {  	s10 =	simm.s32 $0x0;
	v15 =	vld [tilespmem:$0x2F0]  }
0xf1: {  	v16 =	vld [tilespmem:s10+$0x44F0]  }
0xf2: {  	v17 =	vld [tilespmem:s10+$0x4400]  }
0xf3: {  	v18 =	vld [tilespmem:s10+$0x4410]  }
0xf4: {  	v19 =	vld [tilespmem:s10+$0x4420]  }
0xf5: {  	v22 =	vld [tilespmem:s10+$0x4450]  }
0xf6: {  	v20 =	vld [tilespmem:s10+$0x4430];
	v16 =	vadd.f32 v16, v15  }
0xf7: {  	v21 =	vld [tilespmem:s10+$0x4440];
	v17 =	vadd.f32 v17, v14  }
0xf8: {  	v23 =	vld [tilespmem:s10+$0x4460];
	[tilespmem:s10+$0xC4F0] =	vst v16;
	v16 =	vadd.f32 v18, v13  }
0xf9: {  	v24 =	vld [tilespmem:s10+$0x4470];
	[tilespmem:s10+$0xC400] =	vst v17;
	v17 =	vadd.f32 v19, v12  }
0xfa: {  	v18 =	vadd.f32 v22, v9;
	[tilespmem:s10+$0xC410] =	vst v16  }
0xfb: {  	v25 =	vld [tilespmem:s10+$0x4480];
	v16 =	vadd.f32 v20, v11;
	[tilespmem:s10+$0xC420] =	vst v17  }
0xfc: {  	v20 =	vld [tilespmem:s10+$0x4490];
	v17 =	vadd.f32 v21, v10;
	[tilespmem:s10+$0xC450] =	vst v18  }
0xfd: {  	v19 =	vadd.f32 v23, v8;
	[tilespmem:s10+$0xC430] =	vst v16;
	v16 =	vld [tilespmem:s10+$0x44A0]  }
0xfe: {  	v21 =	vadd.f32 v24, v7;
	[tilespmem:s10+$0xC440] =	vst v17;
	v17 =	vld [tilespmem:s10+$0x44B0]  }
0xff: {  	v18 =	vld [tilespmem:s10+$0x44C0];
	[tilespmem:s10+$0xC460] =	vst v19  }
0x100: {  	v19 =	vld [tilespmem:s10+$0x44D0];
	[tilespmem:s10+$0xC470] =	vst v21;
	v21 =	vadd.f32 v25, v6  }
0x101: {  	s12 =	simm.s32 $0x800;
	s11 =	simm.s32 $0x100;
	v22 =	vadd.f32 v20, v5;
	v20 =	vld [tilespmem:s10+$0x44E0]  }
.LBB2_7:
0x102: {  	p2 =	sne.s32 s12, $0x7C00;
	v23 =	vld [tilespmem:s11+$0x44F0];
	[tilespmem:s10+$0xC480] =	vst v21;
	v16 =	vadd.f32 v16, v4  }
0x103: {  	v21 =	vld [tilespmem:s11+$0x4400];
	[tilespmem:s10+$0xC490] =	vst v22;
	v17 =	vadd.f32 v17, v3  }
0x104: {  	v22 =	vld [tilespmem:s11+$0x4410];
	[tilespmem:s10+$0xC4A0] =	vst v16;
	v16 =	vadd.f32 v18, v2  }
0x105: {  	v18 =	vld [tilespmem:s11+$0x4420];
	[tilespmem:s10+$0xC4B0] =	vst v17;
	v17 =	vadd.f32 v19, v1  }
0x106: {  	v19 =	vld [tilespmem:s11+$0x4430];
	[tilespmem:s10+$0xC4C0] =	vst v16;
	v16 =	vadd.f32 v20, v0  }
0x107: {  	v20 =	vld [tilespmem:s11+$0x4440];
	v23 =	vadd.f32 v23, v15;
	[tilespmem:s10+$0xC4D0] =	vst v17  }
0x108: {  	v17 =	vadd.f32 v21, v14;
	v21 =	vld [tilespmem:s11+$0x4450];
	[tilespmem:s10+$0xC4E0] =	vst v16;
	s10 =	smov.u32 s11  }
0x109: {  	v16 =	vadd.f32 v22, v13;
	v22 =	vld [tilespmem:s10+$0x4460];
	[tilespmem:s10+$0xC4F0] =	vst v23  }
0x10a: {  	[tilespmem:s10+$0xC400] =	vst v17;
	v17 =	vadd.f32 v18, v12;
	v18 =	vld [tilespmem:s10+$0x4470]  }
0x10b: {  	[tilespmem:s10+$0xC410] =	vst v16;
	v16 =	vadd.f32 v19, v11;
	v19 =	vld [tilespmem:s10+$0x4480]  }
0x10c: {  	[tilespmem:s10+$0xC420] =	vst v17;
	v17 =	vadd.f32 v20, v10;
	v20 =	vld [tilespmem:s10+$0x4490]  }
.Ltmp2:
0x10d: {  	[tilespmem:s10+$0xC430] =	vst v16;
	v21 =	vadd.f32 v21, v9;
	v16 =	vld [tilespmem:s10+$0x44A0];
	(pc) =	sbr.rel @p2 .LBB2_7-.Ltmp2, $4  }
0x10e: {  	[tilespmem:s10+$0xC440] =	vst v17;
	v22 =	vadd.f32 v22, v8;
	v17 =	vld [tilespmem:s10+$0x44B0]  }
0x10f: {  	[tilespmem:s10+$0xC450] =	vst v21;
	v23 =	vadd.f32 v18, v7;
	v18 =	vld [tilespmem:s10+$0x44C0]  }
0x110: {  	[tilespmem:s10+$0xC460] =	vst v22;
	v21 =	vadd.f32 v19, v6;
	v19 =	vld [tilespmem:s10+$0x44D0]  }
0x111: {  	s11 =	sshra.s32 s12, $0x2;
	s12 =	sadd.s32 $0x400, s12;
	[tilespmem:s10+$0xC470] =	vst v23;
	v22 =	vadd.f32 v20, v5;
	v20 =	vld [tilespmem:s10+$0x44E0]  }
0x112: {  	v23 =	vld [tilespmem:s11+$0x44F0];
	[tilespmem:s10+$0xC480] =	vst v21;
	v16 =	vadd.f32 v16, v4  }
0x113: {  	v21 =	vld [tilespmem:s11+$0x4400];
	[tilespmem:s10+$0xC490] =	vst v22;
	v17 =	vadd.f32 v17, v3  }
0x114: {  	v22 =	vld [tilespmem:s11+$0x4410];
	[tilespmem:s10+$0xC4A0] =	vst v16;
	v18 =	vadd.f32 v18, v2  }
0x115: {  	v16 =	vld [tilespmem:s11+$0x4420];
	[tilespmem:s10+$0xC4B0] =	vst v17;
	v19 =	vadd.f32 v19, v1  }
0x116: {  	v17 =	vld [tilespmem:s11+$0x4430];
	[tilespmem:s10+$0xC4C0] =	vst v18;
	v20 =	vadd.f32 v20, v0  }
0x117: {  	v18 =	vld [tilespmem:s11+$0x4440];
	[tilespmem:s10+$0xC4D0] =	vst v19;
	v15 =	vadd.f32 v23, v15  }
0x118: {  	v19 =	vld [tilespmem:s11+$0x4450];
	[tilespmem:s10+$0xC4E0] =	vst v20;
	v14 =	vadd.f32 v21, v14  }
0x119: {  	v20 =	vld [tilespmem:s11+$0x4460];
	[tilespmem:s11+$0xC4F0] =	vst v15;
	v13 =	vadd.f32 v22, v13  }
0x11a: {  	[tilespmem:s11+$0xC400] =	vst v14;
	v14 =	vld [tilespmem:s11+$0x4470];
	v12 =	vadd.f32 v16, v12  }
0x11b: {  	[tilespmem:s11+$0xC410] =	vst v13;
	v13 =	vld [tilespmem:s11+$0x4480];
	v11 =	vadd.f32 v17, v11  }
0x11c: {  	[tilespmem:s11+$0xC420] =	vst v12;
	v12 =	vld [tilespmem:s11+$0x4490];
	v10 =	vadd.f32 v18, v10  }
0x11d: {  	[tilespmem:s11+$0xC430] =	vst v11;
	v11 =	vld [tilespmem:s11+$0x44A0];
	v9 =	vadd.f32 v19, v9  }
0x11e: {  	[tilespmem:s11+$0xC440] =	vst v10;
	v10 =	vld [tilespmem:s11+$0x44B0];
	v8 =	vadd.f32 v20, v8  }
0x11f: {  	[tilespmem:s11+$0xC450] =	vst v9;
	v9 =	vld [tilespmem:s11+$0x44C0];
	v7 =	vadd.f32 v14, v7  }
0x120: {  	[tilespmem:s11+$0xC460] =	vst v8;
	v8 =	vld [tilespmem:s11+$0x44D0];
	v6 =	vadd.f32 v13, v6  }
0x121: {  	[tilespmem:s11+$0xC470] =	vst v7;
	v5 =	vadd.f32 v12, v5;
	v7 =	vld [tilespmem:s11+$0x44E0]  }
0x122: {  	[tilespmem:s11+$0xC480] =	vst v6;
	v4 =	vadd.f32 v11, v4  }
0x123: {  	[tilespmem:s11+$0xC490] =	vst v5;
	v3 =	vadd.f32 v10, v3  }
0x124: {  	[tilespmem:s11+$0xC4A0] =	vst v4;
	v2 =	vadd.f32 v9, v2  }
0x125: {  	[tilespmem:s11+$0xC4B0] =	vst v3;
	v1 =	vadd.f32 v8, v1  }
0x126: {  	[tilespmem:s11+$0xC4C0] =	vst v2;
	v0 =	vadd.f32 v7, v0  }
0x127: {  	[tilespmem:s11+$0xC4D0] =	vst v1  }
0x128: {  	s5 =	sadd.s32 $0x40, s9;
	[tilespmem:s11+$0xC4E0] =	vst v0  }
0x129: {  	[hbm4b:s5+s21] =	stream.strided.scatter [tilespmem:s28], [sflag:$0xB], $0x2000, s22, s21, $0x38;
	[tilespmem:$0x10400] =	vst v63  }
0x12a: {  	s5 =	sadd.s32 @!p0 s14, s18  }
0x12b: {  	s12 =	simm.s32 @!p0 $0x100000;
	s5 =	sshll.u32 @!p0 s5, $0x4  }
0x12c: {  	s13 =	simm.s32 @!p0 $0x4400;
	s11 =	simm.s32 @!p0 $0x100;
	s10 =	sadd.s32 @!p0 s1, s5  }
0x12d: {  	[tilespmem:s13], [sflag:$0x7] =	stream.strided.gather @!p0 [hbm4b:s10+s11], $0x2000, s12, s11, $0x38;
	[tilespmem:$0x10400] =	vst v63  }
0x12e: {  	s5 =	sadd.s32 @!p0 s2, s5;
	s10 =	simm.s32 @!p0 $0x0;
	s11 =	simm.s32 @!p0 $0x200  }
0x12f: {  	[tilespmem:s11], [sflag:$0x3] =	stream.linear.gather @!p0 [hbm4b:s5+s10], $0x100, $0x38;
	[tilespmem:$0x10400] =	vst v63  }
0x130: {  	_ =	swait.ge [sflag:s29], $0x2000  }
0x131: {  	[sflag:s29] =	ssyncset.done $0x0  }
0x132: {  	[sflag:s29] =	ssyncadd.s32 $0xFFFFE000  }
0x133: {  	_ =	swait.ge [sflag:s7], $0x100  }
0x134: {  	[sflag:s7] =	ssyncset.done $0x0  }
0x135: {  	s5 =	simm.s32 @!p1 $0xC;
	[sflag:s7] =	ssyncadd.s32 $0xFFFFFF00  }
0x136: {  	_ =	swait.ge @!p1 [sflag:s5], $0x2000  }
0x137: {  	[sflag:s5] =	ssyncset.done @!p1 $0x0  }
0x138: {  	[sflag:s5] =	ssyncadd.s32 @!p1 $0xFFFFE000  }
0x139: {  	v14 =	vld [tilespmem:$0x300]  }
0x13a: {  	v13 =	vld [tilespmem:$0x310]  }
0x13b: {  	v12 =	vld [tilespmem:$0x320]  }
0x13c: {  	v11 =	vld [tilespmem:$0x330]  }
0x13d: {  	v10 =	vld [tilespmem:$0x340]  }
0x13e: {  	v9 =	vld [tilespmem:$0x350]  }
0x13f: {  	v8 =	vld [tilespmem:$0x360]  }
0x140: {  	v7 =	vld [tilespmem:$0x370]  }
0x141: {  	v6 =	vld [tilespmem:$0x380]  }
0x142: {  	v5 =	vld [tilespmem:$0x390]  }
0x143: {  	v4 =	vld [tilespmem:$0x3A0]  }
0x144: {  	v3 =	vld [tilespmem:$0x3B0]  }
0x145: {  	v2 =	vld [tilespmem:$0x3C0]  }
0x146: {  	v1 =	vld [tilespmem:$0x3D0]  }
0x147: {  	v0 =	vld [tilespmem:$0x3E0]  }
0x148: {  	s10 =	simm.s32 $0x0;
	v15 =	vld [tilespmem:$0x3F0]  }
0x149: {  	v16 =	vld [tilespmem:s10+$0x64F0]  }
0x14a: {  	v17 =	vld [tilespmem:s10+$0x6400]  }
0x14b: {  	v18 =	vld [tilespmem:s10+$0x6410]  }
0x14c: {  	v19 =	vld [tilespmem:s10+$0x6420]  }
0x14d: {  	v22 =	vld [tilespmem:s10+$0x6450]  }
0x14e: {  	v20 =	vld [tilespmem:s10+$0x6430];
	v16 =	vadd.f32 v16, v15  }
0x14f: {  	v21 =	vld [tilespmem:s10+$0x6440];
	v17 =	vadd.f32 v17, v14  }
0x150: {  	v23 =	vld [tilespmem:s10+$0x6460];
	[tilespmem:s10+$0xE4F0] =	vst v16;
	v16 =	vadd.f32 v18, v13  }
0x151: {  	v24 =	vld [tilespmem:s10+$0x6470];
	[tilespmem:s10+$0xE400] =	vst v17;
	v17 =	vadd.f32 v19, v12  }
0x152: {  	v18 =	vadd.f32 v22, v9;
	[tilespmem:s10+$0xE410] =	vst v16  }
0x153: {  	v25 =	vld [tilespmem:s10+$0x6480];
	v16 =	vadd.f32 v20, v11;
	[tilespmem:s10+$0xE420] =	vst v17  }
0x154: {  	v20 =	vld [tilespmem:s10+$0x6490];
	v17 =	vadd.f32 v21, v10;
	[tilespmem:s10+$0xE450] =	vst v18  }
0x155: {  	v19 =	vadd.f32 v23, v8;
	[tilespmem:s10+$0xE430] =	vst v16;
	v16 =	vld [tilespmem:s10+$0x64A0]  }
0x156: {  	v21 =	vadd.f32 v24, v7;
	[tilespmem:s10+$0xE440] =	vst v17;
	v17 =	vld [tilespmem:s10+$0x64B0]  }
0x157: {  	v18 =	vld [tilespmem:s10+$0x64C0];
	[tilespmem:s10+$0xE460] =	vst v19  }
0x158: {  	v19 =	vld [tilespmem:s10+$0x64D0];
	[tilespmem:s10+$0xE470] =	vst v21;
	v21 =	vadd.f32 v25, v6  }
0x159: {  	s12 =	simm.s32 $0x800;
	s11 =	simm.s32 $0x100;
	v22 =	vadd.f32 v20, v5;
	v20 =	vld [tilespmem:s10+$0x64E0]  }
.LBB2_9:
0x15a: {  	p1 =	sne.s32 s12, $0x7C00;
	v23 =	vld [tilespmem:s11+$0x64F0];
	[tilespmem:s10+$0xE480] =	vst v21;
	v16 =	vadd.f32 v16, v4  }
0x15b: {  	v21 =	vld [tilespmem:s11+$0x6400];
	[tilespmem:s10+$0xE490] =	vst v22;
	v17 =	vadd.f32 v17, v3  }
0x15c: {  	v22 =	vld [tilespmem:s11+$0x6410];
	[tilespmem:s10+$0xE4A0] =	vst v16;
	v16 =	vadd.f32 v18, v2  }
0x15d: {  	v18 =	vld [tilespmem:s11+$0x6420];
	[tilespmem:s10+$0xE4B0] =	vst v17;
	v17 =	vadd.f32 v19, v1  }
0x15e: {  	v19 =	vld [tilespmem:s11+$0x6430];
	[tilespmem:s10+$0xE4C0] =	vst v16;
	v16 =	vadd.f32 v20, v0  }
0x15f: {  	v20 =	vld [tilespmem:s11+$0x6440];
	v23 =	vadd.f32 v23, v15;
	[tilespmem:s10+$0xE4D0] =	vst v17  }
0x160: {  	v17 =	vadd.f32 v21, v14;
	v21 =	vld [tilespmem:s11+$0x6450];
	[tilespmem:s10+$0xE4E0] =	vst v16;
	s10 =	smov.u32 s11  }
0x161: {  	v16 =	vadd.f32 v22, v13;
	v22 =	vld [tilespmem:s10+$0x6460];
	[tilespmem:s10+$0xE4F0] =	vst v23  }
0x162: {  	[tilespmem:s10+$0xE400] =	vst v17;
	v17 =	vadd.f32 v18, v12;
	v18 =	vld [tilespmem:s10+$0x6470]  }
0x163: {  	[tilespmem:s10+$0xE410] =	vst v16;
	v16 =	vadd.f32 v19, v11;
	v19 =	vld [tilespmem:s10+$0x6480]  }
0x164: {  	[tilespmem:s10+$0xE420] =	vst v17;
	v17 =	vadd.f32 v20, v10;
	v20 =	vld [tilespmem:s10+$0x6490]  }
.Ltmp3:
0x165: {  	[tilespmem:s10+$0xE430] =	vst v16;
	v21 =	vadd.f32 v21, v9;
	v16 =	vld [tilespmem:s10+$0x64A0];
	(pc) =	sbr.rel @p1 .LBB2_9-.Ltmp3, $4  }
0x166: {  	[tilespmem:s10+$0xE440] =	vst v17;
	v22 =	vadd.f32 v22, v8;
	v17 =	vld [tilespmem:s10+$0x64B0]  }
0x167: {  	[tilespmem:s10+$0xE450] =	vst v21;
	v23 =	vadd.f32 v18, v7;
	v18 =	vld [tilespmem:s10+$0x64C0]  }
0x168: {  	[tilespmem:s10+$0xE460] =	vst v22;
	v21 =	vadd.f32 v19, v6;
	v19 =	vld [tilespmem:s10+$0x64D0]  }
0x169: {  	s11 =	sshra.s32 s12, $0x2;
	s12 =	sadd.s32 $0x400, s12;
	[tilespmem:s10+$0xE470] =	vst v23;
	v22 =	vadd.f32 v20, v5;
	v20 =	vld [tilespmem:s10+$0x64E0]  }
0x16a: {  	v23 =	vld [tilespmem:s11+$0x64F0];
	[tilespmem:s10+$0xE480] =	vst v21;
	v16 =	vadd.f32 v16, v4  }
0x16b: {  	v21 =	vld [tilespmem:s11+$0x6400];
	[tilespmem:s10+$0xE490] =	vst v22;
	v17 =	vadd.f32 v17, v3  }
0x16c: {  	v22 =	vld [tilespmem:s11+$0x6410];
	[tilespmem:s10+$0xE4A0] =	vst v16;
	v18 =	vadd.f32 v18, v2  }
0x16d: {  	v16 =	vld [tilespmem:s11+$0x6420];
	[tilespmem:s10+$0xE4B0] =	vst v17;
	v19 =	vadd.f32 v19, v1  }
0x16e: {  	v17 =	vld [tilespmem:s11+$0x6430];
	[tilespmem:s10+$0xE4C0] =	vst v18;
	v20 =	vadd.f32 v20, v0  }
0x16f: {  	v18 =	vld [tilespmem:s11+$0x6440];
	[tilespmem:s10+$0xE4D0] =	vst v19;
	v15 =	vadd.f32 v23, v15  }
0x170: {  	v19 =	vld [tilespmem:s11+$0x6450];
	[tilespmem:s10+$0xE4E0] =	vst v20;
	v14 =	vadd.f32 v21, v14  }
0x171: {  	v20 =	vld [tilespmem:s11+$0x6460];
	[tilespmem:s11+$0xE4F0] =	vst v15;
	v13 =	vadd.f32 v22, v13  }
0x172: {  	v51 =	vld [tilespmem:s11+$0x6470];
	[tilespmem:s11+$0xE400] =	vst v14;
	v12 =	vadd.f32 v16, v12  }
0x173: {  	v52 =	vld [tilespmem:s11+$0x6480];
	[tilespmem:s11+$0xE410] =	vst v13;
	v11 =	vadd.f32 v17, v11  }
0x174: {  	v53 =	vld [tilespmem:s11+$0x6490];
	[tilespmem:s11+$0xE420] =	vst v12;
	v10 =	vadd.f32 v18, v10  }
0x175: {  	v54 =	vld [tilespmem:s11+$0x64A0];
	[tilespmem:s11+$0xE430] =	vst v11;
	v9 =	vadd.f32 v19, v9  }
0x176: {  	v55 =	vld [tilespmem:s11+$0x64B0];
	[tilespmem:s11+$0xE440] =	vst v10;
	v8 =	vadd.f32 v20, v8  }
0x177: {  	v56 =	vld [tilespmem:s11+$0x64C0];
	v7 =	vadd.f32 v51, v7;
	[tilespmem:s11+$0xE450] =	vst v9  }
0x178: {  	v57 =	vld [tilespmem:s11+$0x64D0];
	v6 =	vadd.f32 v52, v6;
	[tilespmem:s11+$0xE460] =	vst v8  }
0x179: {  	v58 =	vld [tilespmem:s11+$0x64E0];
	v5 =	vadd.f32 v53, v5;
	[tilespmem:s11+$0xE470] =	vst v7  }
0x17a: {  	v59 =	vadd.f32 v54, v4;
	[tilespmem:s11+$0xE480] =	vst v6  }
0x17b: {  	v60 =	vadd.f32 v55, v3;
	[tilespmem:s11+$0xE490] =	vst v5  }
0x17c: {  	v61 =	vadd.f32 v56, v2;
	[tilespmem:s11+$0xE4A0] =	vst v59  }
0x17d: {  	v62 =	vadd.f32 v57, v1;
	[tilespmem:s11+$0xE4B0] =	vst v60  }
0x17e: {  	v63 =	vadd.f32 v58, v0;
	[tilespmem:s11+$0xE4C0] =	vst v61  }
0x17f: {  	[tilespmem:s11+$0xE4D0] =	vst v62  }
0x180: {  	s5 =	sadd.s32 $0x60, s9;
	[tilespmem:s11+$0xE4E0] =	vst v63  }
0x181: {  	[hbm4b:s5+s21] =	stream.strided.scatter [tilespmem:s8], [sflag:$0xC], $0x2000, s22, s21, $0x38;
	[tilespmem:$0x10400] =	vst v63  }
0x182: {  	s5 =	sadd.s32 @!p0 s14, s19  }
0x183: {  	s12 =	simm.s32 @!p0 $0x6400;
	p1 =	sne.s32 @!p0 s20, $0x20;
	s5 =	sshll.u32 @!p0 s5, $0x4  }
0x184: {  	s10 =	simm.s32 @!p0 $0x100;
	s11 =	simm.s32 @!p0 $0x100000;
	s9 =	sadd.s32 @!p0 s1, s5  }
0x185: {  	[tilespmem:s12], [sflag:$0x8] =	stream.strided.gather @!p0 [hbm4b:s9+s10], $0x2000, s11, s10, $0x38;
	[tilespmem:$0x10400] =	vst v63  }
0x186: {  	s5 =	sadd.s32 @!p0 s2, s5;
	s9 =	simm.s32 @!p0 $0x0;
	s10 =	simm.s32 @!p0 $0x300  }
0x187: {  	[tilespmem:s10], [sflag:$0x4] =	stream.linear.gather @!p0 [hbm4b:s5+s9], $0x100, $0x38;
	[tilespmem:$0x10400] =	vst v63  }
0x188: {  	p0 =	por p0, !p1  }
.Ltmp4:
0x189: {  	_ = 	snop;
	(pc) =	sbr.rel @!p0 .LBB2_2-.Ltmp4, $1  }
0x18a: {  	_ =	sdelay $0x3  }
0x18b: {  	s5 =	simm.s32 $0x9  }
0x18c: {  	_ =	swait.ge [sflag:s5], $0x2000  }
0x18d: {  	[sflag:s5] =	ssyncset.done $0x0  }
0x18e: {  	s13 =	simm.s32 $0xA;
	[sflag:s5] =	ssyncadd.s32 $0xFFFFE000  }
0x18f: {  	_ =	swait.ge [sflag:s13], $0x2000  }
0x190: {  	[sflag:s13] =	ssyncset.done $0x0  }
0x191: {  	s14 =	simm.s32 $0xB;
	[sflag:s13] =	ssyncadd.s32 $0xFFFFE000  }
0x192: {  	_ =	swait.ge [sflag:s14], $0x2000  }
0x193: {  	[sflag:s14] =	ssyncset.done $0x0  }
0x194: {  	s9 =	simm.s32 $0xC;
	[sflag:s14] =	ssyncadd.s32 $0xFFFFE000  }
0x195: {  	_ =	swait.ge [sflag:s9], $0x2000  }
0x196: {  	s10 =	rddreg [dreg:$0xd]  }
0x197: {  	s20 =	rddreg [dreg:$0xc];
	s10 =	sadd.s32 $0x1, s10  }
0x198: {  	p0 =	sne.s32 s10, s20  }
.Ltmp5:
0x199: {  	_ = 	snop;
	(pc) =	sbr.rel @p0 .LBB2_1-.Ltmp5, $3  }
0x19a: {  	_ =	sdelay $0x1  }
0x19b: {  	[sflag:s9] =	ssyncset.done $0x0  }
0x19c: {  	[sflag:s9] =	ssyncadd.s32 $0xFFFFE000  }
0x19d: {  	_ =	sfence.sel $0x180000  }
0x19e: {  	[bflag:$0x0] =	sbarrier.arrive $0xFFFF  }
0x19f: {  	_ =	strace $0x90000047  }
0x1a0: {  	s0 =	stileid.u32;
	[bflag:$0x2] =	sbarrier.arrive $0xFFFF  }
0x1a1: {  	p0 =	sne.s32 s0, $0x0;
	s0 =	rddreg [dreg:$0x3]  }
0x1a2: {  	s0 =	sadd.s32 @!p0 $0x100000, s0  }
0x1a3: {  	[sflag:s0] =	ssyncadd.tile.s32 @!p0 $0x1;
	_ =	shalt  }
.Lfunc_end2:
_tile_overlayer_lowered:
.L_overlay_start_2:
0x1a4: {  	(tag) =	ssettag $0x2  }
0x1a5: {  	s0 =	rddreg [dreg:$0x0];
	s2 =	stileid.u32  }
0x1a6: {  	s1 =	rddreg [dreg:$0x1];
	p0 =	sne.s32 s2, $0x0  }
0x1a7: {  	s3 =	rddreg [dreg:$0x2];
	[bflag:$0x3] =	sbarrier.arrive $0xFFFF;
	s2 =	simm.s32 @!p0 $0x1C0D  }
0x1a8: {  	[timem:s3], [sflag:s2] =	dma.local @!p0 [hbm:s0], s1  }
0x1a9: {  	s0 =	simm.s32 @!p0 $0xD  }
0x1aa: {  	_ =	swait.ge @!p0 [sflag:s0], s1  }
0x1ab: {  	s1 =	ssub.s32 @!p0 $0x0, s1;
	[sflag:s0] =	ssyncset.done @!p0 $0x0  }
0x1ac: {  	[sflag:s0] =	ssyncadd.s32 @!p0 s1  }
0x1ad: {  	[bflag:$0x3] =	sbarrier.arrive $0xFFFF  }
0x1ae: {  	_ =	shalt  }

</sc_bundles>
